<compile_context>
chip_gen: v7x
topology: tpu7x:2x2x1
jax: 0.10.2.dev20260603
libtpu: 0.0.44.dev20260713+nightly
codegen_flags: <defaults>
</compile_context>

<pallas_src>
import functools

import jax
import jax.numpy as jnp
from jax.experimental import pallas as pl
from jax.experimental.pallas import tpu as pltpu
from jax.experimental.pallas import tpu_sc as plsc

_B, _H, _S = 32, 1024, 576
_ND, _ED, _K = 4, 256, 1024
_COMMIT = 0.25
_BS = _B * _S
_TB = 1024
_NSTEPS = _BS // _TB
_NELEMS = _B * _H * _S
_NW = 32
_EPW = _ED // 8
_L = 16

_PREC_DIST = jax.lax.Precision.DEFAULT


def _argmin_body(zrow_ref, emb_ref, idx_ref, e2_ref):
    i = pl.program_id(0)

    @pl.when(i == 0)
    def _init():
        e2_ref[...] = jnp.sum(emb_ref[...] * emb_ref[...], axis=1)

    for d in range(_ND):
        zd = zrow_ref[:, d * _ED:(d + 1) * _ED]
        emb = emb_ref[d]
        e2 = e2_ref[d]
        z2 = jnp.sum(zd * zd, axis=1)
        g = jax.lax.dot_general(
            zd, emb, (((1,), (0,)), ((), ())),
            preferred_element_type=jnp.float32,
            precision=_PREC_DIST)
        scores = (z2[:, None] + e2[None, :]) - 2.0 * g
        m = jnp.min(scores, axis=1, keepdims=True)
        kiota = jax.lax.broadcasted_iota(
            jnp.int32, (_TB, _K), 1).astype(jnp.float32)
        idx_ref[d] = jnp.min(
            jnp.where(scores == m, kiota, jnp.float32(_K)),
            axis=1).astype(jnp.int32)


def _tc_argmin(zrow, embeddings):
    return pl.pallas_call(
        _argmin_body,
        grid=(_NSTEPS,),
        in_specs=[
            pl.BlockSpec((_TB, _ND * _ED), lambda i: (i, 0)),
            pl.BlockSpec((_ND, _ED, _K), lambda i: (0, 0, 0)),
        ],
        out_specs=pl.BlockSpec((8, _TB), lambda i: (0, i)),
        out_shape=jax.ShapeDtypeStruct((8, _BS), jnp.int32),
        scratch_shapes=[pltpu.VMEM((_ND, _K), jnp.float32)],
    )(zrow, embeddings)


def _gather_body(emb_ref, idx_ref, out_ref, idx_v, tab_v, o_v, sem):
    wid = jax.lax.axis_index("s") * 2 + jax.lax.axis_index("c")
    d = wid // 8
    e0 = (wid % 8) * _EPW
    pltpu.sync_copy(idx_ref.at[d], idx_v)
    pltpu.sync_copy(emb_ref.at[pl.ds(d * _ED + e0, _EPW)], tab_v)

    def j_body(j, carry):
        jv = jnp.full((_L,), j, jnp.int32)
        buf = jax.lax.rem(j, 2)

        def r_body(r, inner):
            for s16 in range(_S // _L):
                t0 = r * _S + s16 * _L
                i16 = idx_v[pl.ds(t0, _L)]
                g = plsc.load_gather(tab_v, [jv, i16])
                o_v[buf, r, pl.ds(s16 * _L, _L)] = g
            return inner

        plsc.parallel_loop(0, _EPW, unroll=8, carry=jnp.int32(0))(r_body)

        @pl.when(j > 0)
        def _drain():
            pltpu.make_async_copy(
                o_v.at[1 - buf],
                out_ref.at[wid, pl.ds((j - 1) * _EPW, _EPW)], sem).wait()

        pltpu.make_async_copy(
            o_v.at[buf],
            out_ref.at[wid, pl.ds(j * _EPW, _EPW)], sem).start()
        return carry

    jax.lax.fori_loop(0, _EPW, j_body, jnp.int32(0))
    pltpu.make_async_copy(
        o_v.at[1], out_ref.at[wid, pl.ds((_EPW - 1) * _EPW, _EPW)],
        sem).wait()


_sc_gather = functools.partial(
    pl.kernel,
    out_type=jax.ShapeDtypeStruct((_B, _H, _S), jnp.float32),
    mesh=plsc.VectorSubcoreMesh(core_axis_name="c", subcore_axis_name="s"),
    scratch_types=[
        pltpu.VMEM((_BS,), jnp.int32),
        pltpu.VMEM((_EPW, _K), jnp.float32),
        pltpu.VMEM((2, _EPW, _S), jnp.float32),
        pltpu.SemaphoreType.DMA,
    ],
    compiler_params=pltpu.CompilerParams(needs_layout_passes=False),
)(_gather_body)


def _commit_body(z_ref, enc_ref, commit_ref, loss_ref, acc_ref):
    i = pl.program_id(0)

    @pl.when(i == 0)
    def _init():
        acc_ref[0, 0] = 0.0

    diff = z_ref[...] - enc_ref[...]
    acc_ref[0, 0] += jnp.sum(diff * diff)

    @pl.when(i == _B - 1)
    def _fin():
        c = acc_ref[0, 0] / jnp.float32(_NELEMS)
        commit_ref[0, 0] = c
        loss_ref[0, 0] = jnp.float32(_COMMIT) * c


def _tc_commit(inputs, output):
    return pl.pallas_call(
        _commit_body,
        grid=(_B,),
        in_specs=[
            pl.BlockSpec((1, _H, _S), lambda i: (i, 0, 0)),
            pl.BlockSpec((1, _H, _S), lambda i: (i, 0, 0)),
        ],
        out_specs=[
            pl.BlockSpec(memory_space=pltpu.SMEM),
            pl.BlockSpec(memory_space=pltpu.SMEM),
        ],
        out_shape=[
            jax.ShapeDtypeStruct((1, 1), jnp.float32),
            jax.ShapeDtypeStruct((1, 1), jnp.float32),
        ],
        scratch_shapes=[pltpu.SMEM((1, 1), jnp.float32)],
    )(inputs, output)


def kernel(inputs, embeddings):
    zrow = inputs.reshape(_BS, _ND * _ED)
    idx = _tc_argmin(zrow, embeddings)
    emb_flat = embeddings.reshape(_ND * _ED, _K)
    output = _sc_gather(emb_flat, idx)
    commit, loss = _tc_commit(inputs, output)
    return (output, loss[0, 0], commit[0, 0], jnp.array(0))

# --- scband reference (transcript-rebuilt; emitter-appended) ---
"""Pipeline reference for scband-vector-quant-10651518894711 (READ-ONLY COPY).

The authoritative reference and input builder live on the scoring server;
editing this copy changes nothing except your own understanding.
"""

import jax, jax.numpy as jnp
import numpy as np

B, H, S = 32, 1024, 576
ND, ED, K = 4, 256, 1024
COMMIT = 0.25


def setup_inputs(seed: int = 0) -> dict:
    key = jax.random.key(seed)
    k1, k2 = jax.random.split(key)
    inputs = jax.random.normal(k1, (B, H, S), dtype=jnp.float32)
    embeddings = jax.random.normal(k2, (ND, ED, K), dtype=jnp.float32)
    return {"inputs": inputs, "embeddings": embeddings}


def calc_dists_and_latents(embeddings, enc_outputs):
    # embeddings: [nd, embed_dim, num_embed]; enc_outputs: [B*S, nd, embed_dim]
    distances = (
        jnp.sum(enc_outputs ** 2, axis=2)[..., None]
        + jnp.sum(embeddings ** 2, axis=1)[None, :, :]
        - 2.0 * jnp.einsum('dhk,bdh->bdk', embeddings, enc_outputs)
    )  # [BS, nd, K]
    latents = jnp.argmin(distances, axis=2).T  # [nd, BS]
    idx = jnp.broadcast_to(latents[:, None, :], (ND, ED, latents.shape[1]))
    encodings = jnp.take_along_axis(embeddings, idx, axis=2)  # [nd, ED, BS]
    return encodings, latents, distances


def reference(inputs, embeddings):
    batchsize, seqlen = inputs.shape[0], inputs.shape[2]
    # torch .view on contiguous [B, H, S] -> [B*S, nd, embed_dim] (row-major reshape)
    enc_outputs = inputs.reshape(batchsize * seqlen, ND, ED)
    encodings, latents, distances = calc_dists_and_latents(embeddings, enc_outputs)
    # split_outputs: [nd, ED, BS] -> [B, H, S] row-major reshape
    encodings = encodings.reshape(batchsize, -1, seqlen)
    # straight-through estimator
    output = inputs + jax.lax.stop_gradient(encodings) - jax.lax.stop_gradient(inputs)
    commit_loss = jnp.mean((inputs - jax.lax.stop_gradient(encodings)) ** 2)
    loss = COMMIT * commit_loss
    kl = jnp.array(0)
    return (output, loss, commit_loss, kl)

if __name__ == "__main__":
    import jax
    _d = setup_inputs()
    print(jax.jit(kernel)(*tuple(_d.values())))

</pallas_src>

<mosaic_0001>
#map = affine_map<(d0, d1) -> (0, 0)>
#map1 = affine_map<(d0, d1) -> (0, 0, 0)>
module attributes {stable_mosaic.version = 14 : i64} {
  func.func @_gather_body(%arg0: i32, %arg1: i32, %arg2: memref<1024x1024xf32, #tpu.memory_space<hbm>>, %arg3: memref<8x18432xi32, #tpu.memory_space<hbm>>, %arg4: memref<32x1024x576xf32, #tpu.memory_space<hbm>>, %arg5: memref<18432xi32, #tpu.memory_space<vmem>>, %arg6: memref<32x1024xf32, #tpu.memory_space<vmem>>, %arg7: memref<2x32x576xf32, #tpu.memory_space<vmem>>, %arg8: memref<!tpu.dma_semaphore, #tpu.memory_space<semaphore_mem>>) attributes {dimension_semantics = [#tpu.dimension_semantics<core_parallel>, #tpu.dimension_semantics<subcore_parallel>], iteration_bounds = array<i64: 2, 16>, scalar_prefetch = 0 : i64, scratch_operands = 4 : i64, tpu.core_type = #tpu.core_type<sc_vector_subcore>, window_params = [{transform_indices = #map}, {transform_indices = #map}, {transform_indices = #map1}]} {
    %mul3A = arith.constant 2 : i32
    %mul3A_0 = arith.muli %arg1, %mul3A : i32
    %add3A = arith.addi %mul3A_0, %arg0 : i32
    %jit3A = arith.constant 8 : i32
    %div3A = arith.divsi %add3A, %jit3A : i32
    %sign3A = arith.constant 0 : i32
    %sign3A_1 = arith.cmpi sgt, %add3A, %sign3A : i32
    %sign3A_2 = arith.extui %sign3A_1 : i1 to i32
    %sign3A_3 = arith.constant 0 : i32
    %sign3A_4 = arith.cmpi slt, %add3A, %sign3A_3 : i32
    %sign3A_5 = arith.extui %sign3A_4 : i1 to i32
    %sign3A_6 = arith.subi %sign3A_2, %sign3A_5 : i32
    %sign3A_7 = arith.constant 0 : i32
    %sign3A_8 = arith.cmpi sgt, %jit3A, %sign3A_7 : i32
    %sign3A_9 = arith.extui %sign3A_8 : i1 to i32
    %sign3A_10 = arith.constant 0 : i32
    %sign3A_11 = arith.cmpi slt, %jit3A, %sign3A_10 : i32
    %sign3A_12 = arith.extui %sign3A_11 : i1 to i32
    %sign3A_13 = arith.subi %sign3A_9, %sign3A_12 : i32
    %ne3A = arith.cmpi ne, %sign3A_6, %sign3A_13 : i32
    %rem3A = arith.remsi %add3A, %jit3A : i32
    %ne3A_14 = arith.constant 0 : i32
    %ne3A_15 = arith.cmpi ne, %rem3A, %ne3A_14 : i32
    %and3A = arith.andi %ne3A, %ne3A_15 : i1
    %sub3A = arith.constant 1 : i32
    %sub3A_16 = arith.subi %div3A, %sub3A : i32
    %select_n3A = arith.select %and3A, %sub3A_16, %div3A : i32
    %jit3A_17 = arith.constant 8 : i32
    %eq3A = arith.constant 0 : i32
    %eq3A_18 = arith.cmpi eq, %jit3A_17, %eq3A : i32
    %jit3A_19 = arith.constant 1 : i32
    %select_n3A_20 = arith.select %eq3A_18, %jit3A_19, %jit3A_17 : i32
    %rem3A_21 = arith.remsi %add3A, %select_n3A_20 : i32
    %ne3A_22 = arith.constant 0 : i32
    %ne3A_23 = arith.cmpi ne, %rem3A_21, %ne3A_22 : i32
    %lt3A = arith.constant 0 : i32
    %lt3A_24 = arith.cmpi slt, %rem3A_21, %lt3A : i32
    %lt3A_25 = arith.constant 0 : i32
    %lt3A_26 = arith.cmpi slt, %select_n3A_20, %lt3A_25 : i32
    %ne3A_27 = arith.xori %lt3A_24, %lt3A_26 : i1
    %and3A_28 = arith.andi %ne3A_27, %ne3A_23 : i1
    %add3A_29 = arith.addi %rem3A_21, %select_n3A_20 : i32
    %select_n3A_30 = arith.select %and3A_28, %add3A_29, %rem3A_21 : i32
    %mul3A_31 = arith.constant 32 : i32
    %mul3A_32 = arith.muli %select_n3A_30, %mul3A_31 : i32
    "tpu.region"() ({
      %run_scoped3A = tpu.sem_alloc : memref<!tpu.dma_semaphore, #tpu.memory_space<semaphore_mem>>
      %dma_start3A = arith.constant 0 : i32
      %dma_start3A_57 = tpu.memref_slice %arg3[%select_n3A, %dma_start3A] : memref<8x18432xi32, #tpu.memory_space<hbm>> -> memref<1x18432xi32, #tpu.memory_space<hbm>>
      %dma_start3A_58 = tpu.memref_squeeze %dma_start3A_57 : memref<1x18432xi32, #tpu.memory_space<hbm>> -> memref<18432xi32, #tpu.memory_space<hbm>>
      %dma_start3A_59 = arith.constant 0 : i32
      %dma_start3A_60 = tpu.memref_slice %arg3[%select_n3A, %dma_start3A_59] : memref<8x18432xi32, #tpu.memory_space<hbm>> -> memref<1x18432xi32, #tpu.memory_space<hbm>>
      %dma_start3A_61 = tpu.memref_squeeze %dma_start3A_60 : memref<1x18432xi32, #tpu.memory_space<hbm>> -> memref<18432xi32, #tpu.memory_space<hbm>>
      tpu.enqueue_dma source(%dma_start3A_61 : memref<18432xi32, #tpu.memory_space<hbm>>) target(%arg5 : memref<18432xi32, #tpu.memory_space<vmem>>) target_semaphore(%run_scoped3A : memref<!tpu.dma_semaphore, #tpu.memory_space<semaphore_mem>>)
      %dma_wait3A_62 = arith.constant 0 : i32
      %dma_wait3A_63 = tpu.memref_slice %arg3[%select_n3A, %dma_wait3A_62] : memref<8x18432xi32, #tpu.memory_space<hbm>> -> memref<1x18432xi32, #tpu.memory_space<hbm>>
      %dma_wait3A_64 = tpu.memref_squeeze %dma_wait3A_63 : memref<1x18432xi32, #tpu.memory_space<hbm>> -> memref<18432xi32, #tpu.memory_space<hbm>>
      %dma_wait3A_65 = arith.constant 0 : i32
      %dma_wait3A_66 = tpu.memref_slice %arg3[%select_n3A, %dma_wait3A_65] : memref<8x18432xi32, #tpu.memory_space<hbm>> -> memref<1x18432xi32, #tpu.memory_space<hbm>>
      %dma_wait3A_67 = tpu.memref_squeeze %dma_wait3A_66 : memref<1x18432xi32, #tpu.memory_space<hbm>> -> memref<18432xi32, #tpu.memory_space<hbm>>
      tpu.wait_dma2 semaphore(%run_scoped3A : memref<!tpu.dma_semaphore, #tpu.memory_space<semaphore_mem>>) src(%dma_wait3A_67 : memref<18432xi32, #tpu.memory_space<hbm>>) dst(%arg5 : memref<18432xi32, #tpu.memory_space<vmem>>)
      tpu.yield
    }) : () -> ()
    %mul3A_33 = arith.constant 256 : i32
    %mul3A_34 = arith.muli %select_n3A, %mul3A_33 : i32
    %add3A_35 = arith.addi %mul3A_34, %mul3A_32 : i32
    "tpu.region"() ({
      %run_scoped3A = tpu.sem_alloc : memref<!tpu.dma_semaphore, #tpu.memory_space<semaphore_mem>>
      %dma_start3A = arith.constant 0 : i32
      %dma_start3A_57 = tpu.memref_slice %arg2[%add3A_35, %dma_start3A] : memref<1024x1024xf32, #tpu.memory_space<hbm>> -> memref<32x1024xf32, #tpu.memory_space<hbm>>
      %dma_start3A_58 = arith.constant 0 : i32
      %dma_start3A_59 = tpu.memref_slice %arg2[%add3A_35, %dma_start3A_58] : memref<1024x1024xf32, #tpu.memory_space<hbm>> -> memref<32x1024xf32, #tpu.memory_space<hbm>>
      tpu.enqueue_dma source(%dma_start3A_59 : memref<32x1024xf32, #tpu.memory_space<hbm>>) target(%arg6 : memref<32x1024xf32, #tpu.memory_space<vmem>>) target_semaphore(%run_scoped3A : memref<!tpu.dma_semaphore, #tpu.memory_space<semaphore_mem>>)
      %dma_wait3A_60 = arith.constant 0 : i32
      %dma_wait3A_61 = tpu.memref_slice %arg2[%add3A_35, %dma_wait3A_60] : memref<1024x1024xf32, #tpu.memory_space<hbm>> -> memref<32x1024xf32, #tpu.memory_space<hbm>>
      %dma_wait3A_62 = arith.constant 0 : i32
      %dma_wait3A_63 = tpu.memref_slice %arg2[%add3A_35, %dma_wait3A_62] : memref<1024x1024xf32, #tpu.memory_space<hbm>> -> memref<32x1024xf32, #tpu.memory_space<hbm>>
      tpu.wait_dma2 semaphore(%run_scoped3A : memref<!tpu.dma_semaphore, #tpu.memory_space<semaphore_mem>>) src(%dma_wait3A_63 : memref<32x1024xf32, #tpu.memory_space<hbm>>) dst(%arg6 : memref<32x1024xf32, #tpu.memory_space<vmem>>)
      tpu.yield
    }) : () -> ()
    %scan3A = arith.constant 0 : i32
    %scan3A_36 = arith.constant 0 : i32
    %scan3A_37 = arith.constant 32 : i32
    %scan3A_38 = arith.addi %scan3A_36, %scan3A_37 : i32
    %scan3A_39 = arith.constant 1 : i32
    scf.for %scan3A_57 = %scan3A_36 to %scan3A_38 step %scan3A_39  : i32 {
      %broadcast_in_dim3A = vector.broadcast %scan3A_57 : i32 to vector<16xi32>
      %rem3A_58 = arith.constant 2 : i32
      %rem3A_59 = arith.remsi %scan3A_57, %rem3A_58 : i32
      %parallel_loop3A = arith.constant 0 : i32
      %parallel_loop3A_60 = arith.constant 32 : i32
      %parallel_loop3A_61 = arith.constant 1 : i32
      %parallel_loop3A_62 = arith.constant 0 : i32
      %parallel_loop3A_63 = scf.for %parallel_loop3A_81 = %parallel_loop3A to %parallel_loop3A_60 step %parallel_loop3A_61 iter_args(%parallel_loop3A_82 = %parallel_loop3A_62) -> (i32)  : i32 {
        %parallel_loop3A_83 = arith.constant 576 : i32
        %parallel_loop3A_84 = arith.muli %parallel_loop3A_81, %parallel_loop3A_83 : i32
        %parallel_loop3A_85 = arith.constant 0 : i32
        %parallel_loop3A_86 = arith.addi %parallel_loop3A_84, %parallel_loop3A_85 : i32
        %parallel_loop3A_87 = arith.index_cast %parallel_loop3A_86 : i32 to index
        %parallel_loop3A_88 = tpu.vector_load %arg5[%parallel_loop3A_87] {strides = array<i32>} : memref<18432xi32, #tpu.memory_space<vmem>>, vector<16xi32>,
        %parallel_loop3A_89 = tpu.vector_load_idx %arg6[%broadcast_in_dim3A, %parallel_loop3A_88] : memref<32x1024xf32, #tpu.memory_space<vmem>>[vector<16xi32>, vector<16xi32>], vector<16xf32>,
        %parallel_loop3A_90 = arith.index_cast %rem3A_59 : i32 to index
        %parallel_loop3A_91 = arith.index_cast %parallel_loop3A_81 : i32 to index
        %parallel_loop3A_92 = arith.constant 0 : index
        %parallel_loop3A_93 = tpu.vector_load %arg7[%parallel_loop3A_90, %parallel_loop3A_91, %parallel_loop3A_92] {strides = array<i32>} : memref<2x32x576xf32, #tpu.memory_space<vmem>>, vector<16xf32>,
        tpu.vector_store %arg7[%parallel_loop3A_90, %parallel_loop3A_91, %parallel_loop3A_92], %parallel_loop3A_89 {strides = array<i32>} : memref<2x32x576xf32, #tpu.memory_space<vmem>>, vector<16xf32>,
        %parallel_loop3A_94 = arith.constant 576 : i32
        %parallel_loop3A_95 = arith.muli %parallel_loop3A_81, %parallel_loop3A_94 : i32
        %parallel_loop3A_96 = arith.constant 16 : i32
        %parallel_loop3A_97 = arith.addi %parallel_loop3A_95, %parallel_loop3A_96 : i32
        %parallel_loop3A_98 = arith.index_cast %parallel_loop3A_97 : i32 to index
        %parallel_loop3A_99 = tpu.vector_load %arg5[%parallel_loop3A_98] {strides = array<i32>} : memref<18432xi32, #tpu.memory_space<vmem>>, vector<16xi32>,
        %parallel_loop3A_100 = tpu.vector_load_idx %arg6[%broadcast_in_dim3A, %parallel_loop3A_99] : memref<32x1024xf32, #tpu.memory_space<vmem>>[vector<16xi32>, vector<16xi32>], vector<16xf32>,
        %parallel_loop3A_101 = arith.index_cast %rem3A_59 : i32 to index
        %parallel_loop3A_102 = arith.index_cast %parallel_loop3A_81 : i32 to index
        %parallel_loop3A_103 = arith.constant 16 : index
        %parallel_loop3A_104 = tpu.vector_load %arg7[%parallel_loop3A_101, %parallel_loop3A_102, %parallel_loop3A_103] {strides = array<i32>} : memref<2x32x576xf32, #tpu.memory_space<vmem>>, vector<16xf32>,
        tpu.vector_store %arg7[%parallel_loop3A_101, %parallel_loop3A_102, %parallel_loop3A_103], %parallel_loop3A_100 {strides = array<i32>} : memref<2x32x576xf32, #tpu.memory_space<vmem>>, vector<16xf32>,
        %parallel_loop3A_105 = arith.constant 576 : i32
        %parallel_loop3A_106 = arith.muli %parallel_loop3A_81, %parallel_loop3A_105 : i32
        %parallel_loop3A_107 = arith.constant 32 : i32
        %parallel_loop3A_108 = arith.addi %parallel_loop3A_106, %parallel_loop3A_107 : i32
        %parallel_loop3A_109 = arith.index_cast %parallel_loop3A_108 : i32 to index
        %parallel_loop3A_110 = tpu.vector_load %arg5[%parallel_loop3A_109] {strides = array<i32>} : memref<18432xi32, #tpu.memory_space<vmem>>, vector<16xi32>,
        %parallel_loop3A_111 = tpu.vector_load_idx %arg6[%broadcast_in_dim3A, %parallel_loop3A_110] : memref<32x1024xf32, #tpu.memory_space<vmem>>[vector<16xi32>, vector<16xi32>], vector<16xf32>,
        %parallel_loop3A_112 = arith.index_cast %rem3A_59 : i32 to index
        %parallel_loop3A_113 = arith.index_cast %parallel_loop3A_81 : i32 to index
        %parallel_loop3A_114 = arith.constant 32 : index
        %parallel_loop3A_115 = tpu.vector_load %arg7[%parallel_loop3A_112, %parallel_loop3A_113, %parallel_loop3A_114] {strides = array<i32>} : memref<2x32x576xf32, #tpu.memory_space<vmem>>, vector<16xf32>,
        tpu.vector_store %arg7[%parallel_loop3A_112, %parallel_loop3A_113, %parallel_loop3A_114], %parallel_loop3A_111 {strides = array<i32>} : memref<2x32x576xf32, #tpu.memory_space<vmem>>, vector<16xf32>,
        %parallel_loop3A_116 = arith.constant 576 : i32
        %parallel_loop3A_117 = arith.muli %parallel_loop3A_81, %parallel_loop3A_116 : i32
        %parallel_loop3A_118 = arith.constant 48 : i32
        %parallel_loop3A_119 = arith.addi %parallel_loop3A_117, %parallel_loop3A_118 : i32
        %parallel_loop3A_120 = arith.index_cast %parallel_loop3A_119 : i32 to index
        %parallel_loop3A_121 = tpu.vector_load %arg5[%parallel_loop3A_120] {strides = array<i32>} : memref<18432xi32, #tpu.memory_space<vmem>>, vector<16xi32>,
        %parallel_loop3A_122 = tpu.vector_load_idx %arg6[%broadcast_in_dim3A, %parallel_loop3A_121] : memref<32x1024xf32, #tpu.memory_space<vmem>>[vector<16xi32>, vector<16xi32>], vector<16xf32>,
        %parallel_loop3A_123 = arith.index_cast %rem3A_59 : i32 to index
        %parallel_loop3A_124 = arith.index_cast %parallel_loop3A_81 : i32 to index
        %parallel_loop3A_125 = arith.constant 48 : index
        %parallel_loop3A_126 = tpu.vector_load %arg7[%parallel_loop3A_123, %parallel_loop3A_124, %parallel_loop3A_125] {strides = array<i32>} : memref<2x32x576xf32, #tpu.memory_space<vmem>>, vector<16xf32>,
        tpu.vector_store %arg7[%parallel_loop3A_123, %parallel_loop3A_124, %parallel_loop3A_125], %parallel_loop3A_122 {strides = array<i32>} : memref<2x32x576xf32, #tpu.memory_space<vmem>>, vector<16xf32>,
        %parallel_loop3A_127 = arith.constant 576 : i32
        %parallel_loop3A_128 = arith.muli %parallel_loop3A_81, %parallel_loop3A_127 : i32
        %parallel_loop3A_129 = arith.constant 64 : i32
        %parallel_loop3A_130 = arith.addi %parallel_loop3A_128, %parallel_loop3A_129 : i32
        %parallel_loop3A_131 = arith.index_cast %parallel_loop3A_130 : i32 to index
        %parallel_loop3A_132 = tpu.vector_load %arg5[%parallel_loop3A_131] {strides = array<i32>} : memref<18432xi32, #tpu.memory_space<vmem>>, vector<16xi32>,
        %parallel_loop3A_133 = tpu.vector_load_idx %arg6[%broadcast_in_dim3A, %parallel_loop3A_132] : memref<32x1024xf32, #tpu.memory_space<vmem>>[vector<16xi32>, vector<16xi32>], vector<16xf32>,
        %parallel_loop3A_134 = arith.index_cast %rem3A_59 : i32 to index
        %parallel_loop3A_135 = arith.index_cast %parallel_loop3A_81 : i32 to index
        %parallel_loop3A_136 = arith.constant 64 : index
        %parallel_loop3A_137 = tpu.vector_load %arg7[%parallel_loop3A_134, %parallel_loop3A_135, %parallel_loop3A_136] {strides = array<i32>} : memref<2x32x576xf32, #tpu.memory_space<vmem>>, vector<16xf32>,
        tpu.vector_store %arg7[%parallel_loop3A_134, %parallel_loop3A_135, %parallel_loop3A_136], %parallel_loop3A_133 {strides = array<i32>} : memref<2x32x576xf32, #tpu.memory_space<vmem>>, vector<16xf32>,
        %parallel_loop3A_138 = arith.constant 576 : i32
        %parallel_loop3A_139 = arith.muli %parallel_loop3A_81, %parallel_loop3A_138 : i32
        %parallel_loop3A_140 = arith.constant 80 : i32
        %parallel_loop3A_141 = arith.addi %parallel_loop3A_139, %parallel_loop3A_140 : i32
        %parallel_loop3A_142 = arith.index_cast %parallel_loop3A_141 : i32 to index
        %parallel_loop3A_143 = tpu.vector_load %arg5[%parallel_loop3A_142] {strides = array<i32>} : memref<18432xi32, #tpu.memory_space<vmem>>, vector<16xi32>,
        %parallel_loop3A_144 = tpu.vector_load_idx %arg6[%broadcast_in_dim3A, %parallel_loop3A_143] : memref<32x1024xf32, #tpu.memory_space<vmem>>[vector<16xi32>, vector<16xi32>], vector<16xf32>,
        %parallel_loop3A_145 = arith.index_cast %rem3A_59 : i32 to index
        %parallel_loop3A_146 = arith.index_cast %parallel_loop3A_81 : i32 to index
        %parallel_loop3A_147 = arith.constant 80 : index
        %parallel_loop3A_148 = tpu.vector_load %arg7[%parallel_loop3A_145, %parallel_loop3A_146, %parallel_loop3A_147] {strides = array<i32>} : memref<2x32x576xf32, #tpu.memory_space<vmem>>, vector<16xf32>,
        tpu.vector_store %arg7[%parallel_loop3A_145, %parallel_loop3A_146, %parallel_loop3A_147], %parallel_loop3A_144 {strides = array<i32>} : memref<2x32x576xf32, #tpu.memory_space<vmem>>, vector<16xf32>,
        %parallel_loop3A_149 = arith.constant 576 : i32
        %parallel_loop3A_150 = arith.muli %parallel_loop3A_81, %parallel_loop3A_149 : i32
        %parallel_loop3A_151 = arith.constant 96 : i32
        %parallel_loop3A_152 = arith.addi %parallel_loop3A_150, %parallel_loop3A_151 : i32
        %parallel_loop3A_153 = arith.index_cast %parallel_loop3A_152 : i32 to index
        %parallel_loop3A_154 = tpu.vector_load %arg5[%parallel_loop3A_153] {strides = array<i32>} : memref<18432xi32, #tpu.memory_space<vmem>>, vector<16xi32>,
        %parallel_loop3A_155 = tpu.vector_load_idx %arg6[%broadcast_in_dim3A, %parallel_loop3A_154] : memref<32x1024xf32, #tpu.memory_space<vmem>>[vector<16xi32>, vector<16xi32>], vector<16xf32>,
        %parallel_loop3A_156 = arith.index_cast %rem3A_59 : i32 to index
        %parallel_loop3A_157 = arith.index_cast %parallel_loop3A_81 : i32 to index
        %parallel_loop3A_158 = arith.constant 96 : index
        %parallel_loop3A_159 = tpu.vector_load %arg7[%parallel_loop3A_156, %parallel_loop3A_157, %parallel_loop3A_158] {strides = array<i32>} : memref<2x32x576xf32, #tpu.memory_space<vmem>>, vector<16xf32>,
        tpu.vector_store %arg7[%parallel_loop3A_156, %parallel_loop3A_157, %parallel_loop3A_158], %parallel_loop3A_155 {strides = array<i32>} : memref<2x32x576xf32, #tpu.memory_space<vmem>>, vector<16xf32>,
        %parallel_loop3A_160 = arith.constant 576 : i32
        %parallel_loop3A_161 = arith.muli %parallel_loop3A_81, %parallel_loop3A_160 : i32
        %parallel_loop3A_162 = arith.constant 112 : i32
        %parallel_loop3A_163 = arith.addi %parallel_loop3A_161, %parallel_loop3A_162 : i32
        %parallel_loop3A_164 = arith.index_cast %parallel_loop3A_163 : i32 to index
        %parallel_loop3A_165 = tpu.vector_load %arg5[%parallel_loop3A_164] {strides = array<i32>} : memref<18432xi32, #tpu.memory_space<vmem>>, vector<16xi32>,
        %parallel_loop3A_166 = tpu.vector_load_idx %arg6[%broadcast_in_dim3A, %parallel_loop3A_165] : memref<32x1024xf32, #tpu.memory_space<vmem>>[vector<16xi32>, vector<16xi32>], vector<16xf32>,
        %parallel_loop3A_167 = arith.index_cast %rem3A_59 : i32 to index
        %parallel_loop3A_168 = arith.index_cast %parallel_loop3A_81 : i32 to index
        %parallel_loop3A_169 = arith.constant 112 : index
        %parallel_loop3A_170 = tpu.vector_load %arg7[%parallel_loop3A_167, %parallel_loop3A_168, %parallel_loop3A_169] {strides = array<i32>} : memref<2x32x576xf32, #tpu.memory_space<vmem>>, vector<16xf32>,
        tpu.vector_store %arg7[%parallel_loop3A_167, %parallel_loop3A_168, %parallel_loop3A_169], %parallel_loop3A_166 {strides = array<i32>} : memref<2x32x576xf32, #tpu.memory_space<vmem>>, vector<16xf32>,
        %parallel_loop3A_171 = arith.constant 576 : i32
        %parallel_loop3A_172 = arith.muli %parallel_loop3A_81, %parallel_loop3A_171 : i32
        %parallel_loop3A_173 = arith.constant 128 : i32
        %parallel_loop3A_174 = arith.addi %parallel_loop3A_172, %parallel_loop3A_173 : i32
        %parallel_loop3A_175 = arith.index_cast %parallel_loop3A_174 : i32 to index
        %parallel_loop3A_176 = tpu.vector_load %arg5[%parallel_loop3A_175] {strides = array<i32>} : memref<18432xi32, #tpu.memory_space<vmem>>, vector<16xi32>,
        %parallel_loop3A_177 = tpu.vector_load_idx %arg6[%broadcast_in_dim3A, %parallel_loop3A_176] : memref<32x1024xf32, #tpu.memory_space<vmem>>[vector<16xi32>, vector<16xi32>], vector<16xf32>,
        %parallel_loop3A_178 = arith.index_cast %rem3A_59 : i32 to index
        %parallel_loop3A_179 = arith.index_cast %parallel_loop3A_81 : i32 to index
        %parallel_loop3A_180 = arith.constant 128 : index
        %parallel_loop3A_181 = tpu.vector_load %arg7[%parallel_loop3A_178, %parallel_loop3A_179, %parallel_loop3A_180] {strides = array<i32>} : memref<2x32x576xf32, #tpu.memory_space<vmem>>, vector<16xf32>,
        tpu.vector_store %arg7[%parallel_loop3A_178, %parallel_loop3A_179, %parallel_loop3A_180], %parallel_loop3A_177 {strides = array<i32>} : memref<2x32x576xf32, #tpu.memory_space<vmem>>, vector<16xf32>,
        %parallel_loop3A_182 = arith.constant 576 : i32
        %parallel_loop3A_183 = arith.muli %parallel_loop3A_81, %parallel_loop3A_182 : i32
        %parallel_loop3A_184 = arith.constant 144 : i32
        %parallel_loop3A_185 = arith.addi %parallel_loop3A_183, %parallel_loop3A_184 : i32
        %parallel_loop3A_186 = arith.index_cast %parallel_loop3A_185 : i32 to index
        %parallel_loop3A_187 = tpu.vector_load %arg5[%parallel_loop3A_186] {strides = array<i32>} : memref<18432xi32, #tpu.memory_space<vmem>>, vector<16xi32>,
        %parallel_loop3A_188 = tpu.vector_load_idx %arg6[%broadcast_in_dim3A, %parallel_loop3A_187] : memref<32x1024xf32, #tpu.memory_space<vmem>>[vector<16xi32>, vector<16xi32>], vector<16xf32>,
        %parallel_loop3A_189 = arith.index_cast %rem3A_59 : i32 to index
        %parallel_loop3A_190 = arith.index_cast %parallel_loop3A_81 : i32 to index
        %parallel_loop3A_191 = arith.constant 144 : index
        %parallel_loop3A_192 = tpu.vector_load %arg7[%parallel_loop3A_189, %parallel_loop3A_190, %parallel_loop3A_191] {strides = array<i32>} : memref<2x32x576xf32, #tpu.memory_space<vmem>>, vector<16xf32>,
        tpu.vector_store %arg7[%parallel_loop3A_189, %parallel_loop3A_190, %parallel_loop3A_191], %parallel_loop3A_188 {strides = array<i32>} : memref<2x32x576xf32, #tpu.memory_space<vmem>>, vector<16xf32>,
        %parallel_loop3A_193 = arith.constant 576 : i32
        %parallel_loop3A_194 = arith.muli %parallel_loop3A_81, %parallel_loop3A_193 : i32
        %parallel_loop3A_195 = arith.constant 160 : i32
        %parallel_loop3A_196 = arith.addi %parallel_loop3A_194, %parallel_loop3A_195 : i32
        %parallel_loop3A_197 = arith.index_cast %parallel_loop3A_196 : i32 to index
        %parallel_loop3A_198 = tpu.vector_load %arg5[%parallel_loop3A_197] {strides = array<i32>} : memref<18432xi32, #tpu.memory_space<vmem>>, vector<16xi32>,
        %parallel_loop3A_199 = tpu.vector_load_idx %arg6[%broadcast_in_dim3A, %parallel_loop3A_198] : memref<32x1024xf32, #tpu.memory_space<vmem>>[vector<16xi32>, vector<16xi32>], vector<16xf32>,
        %parallel_loop3A_200 = arith.index_cast %rem3A_59 : i32 to index
        %parallel_loop3A_201 = arith.index_cast %parallel_loop3A_81 : i32 to index
        %parallel_loop3A_202 = arith.constant 160 : index
        %parallel_loop3A_203 = tpu.vector_load %arg7[%parallel_loop3A_200, %parallel_loop3A_201, %parallel_loop3A_202] {strides = array<i32>} : memref<2x32x576xf32, #tpu.memory_space<vmem>>, vector<16xf32>,
        tpu.vector_store %arg7[%parallel_loop3A_200, %parallel_loop3A_201, %parallel_loop3A_202], %parallel_loop3A_199 {strides = array<i32>} : memref<2x32x576xf32, #tpu.memory_space<vmem>>, vector<16xf32>,
        %parallel_loop3A_204 = arith.constant 576 : i32
        %parallel_loop3A_205 = arith.muli %parallel_loop3A_81, %parallel_loop3A_204 : i32
        %parallel_loop3A_206 = arith.constant 176 : i32
        %parallel_loop3A_207 = arith.addi %parallel_loop3A_205, %parallel_loop3A_206 : i32
        %parallel_loop3A_208 = arith.index_cast %parallel_loop3A_207 : i32 to index
        %parallel_loop3A_209 = tpu.vector_load %arg5[%parallel_loop3A_208] {strides = array<i32>} : memref<18432xi32, #tpu.memory_space<vmem>>, vector<16xi32>,
        %parallel_loop3A_210 = tpu.vector_load_idx %arg6[%broadcast_in_dim3A, %parallel_loop3A_209] : memref<32x1024xf32, #tpu.memory_space<vmem>>[vector<16xi32>, vector<16xi32>], vector<16xf32>,
        %parallel_loop3A_211 = arith.index_cast %rem3A_59 : i32 to index
        %parallel_loop3A_212 = arith.index_cast %parallel_loop3A_81 : i32 to index
        %parallel_loop3A_213 = arith.constant 176 : index
        %parallel_loop3A_214 = tpu.vector_load %arg7[%parallel_loop3A_211, %parallel_loop3A_212, %parallel_loop3A_213] {strides = array<i32>} : memref<2x32x576xf32, #tpu.memory_space<vmem>>, vector<16xf32>,
        tpu.vector_store %arg7[%parallel_loop3A_211, %parallel_loop3A_212, %parallel_loop3A_213], %parallel_loop3A_210 {strides = array<i32>} : memref<2x32x576xf32, #tpu.memory_space<vmem>>, vector<16xf32>,
        %parallel_loop3A_215 = arith.constant 576 : i32
        %parallel_loop3A_216 = arith.muli %parallel_loop3A_81, %parallel_loop3A_215 : i32
        %parallel_loop3A_217 = arith.constant 192 : i32
        %parallel_loop3A_218 = arith.addi %parallel_loop3A_216, %parallel_loop3A_217 : i32
        %parallel_loop3A_219 = arith.index_cast %parallel_loop3A_218 : i32 to index
        %parallel_loop3A_220 = tpu.vector_load %arg5[%parallel_loop3A_219] {strides = array<i32>} : memref<18432xi32, #tpu.memory_space<vmem>>, vector<16xi32>,
        %parallel_loop3A_221 = tpu.vector_load_idx %arg6[%broadcast_in_dim3A, %parallel_loop3A_220] : memref<32x1024xf32, #tpu.memory_space<vmem>>[vector<16xi32>, vector<16xi32>], vector<16xf32>,
        %parallel_loop3A_222 = arith.index_cast %rem3A_59 : i32 to index
        %parallel_loop3A_223 = arith.index_cast %parallel_loop3A_81 : i32 to index
        %parallel_loop3A_224 = arith.constant 192 : index
        %parallel_loop3A_225 = tpu.vector_load %arg7[%parallel_loop3A_222, %parallel_loop3A_223, %parallel_loop3A_224] {strides = array<i32>} : memref<2x32x576xf32, #tpu.memory_space<vmem>>, vector<16xf32>,
        tpu.vector_store %arg7[%parallel_loop3A_222, %parallel_loop3A_223, %parallel_loop3A_224], %parallel_loop3A_221 {strides = array<i32>} : memref<2x32x576xf32, #tpu.memory_space<vmem>>, vector<16xf32>,
        %parallel_loop3A_226 = arith.constant 576 : i32
        %parallel_loop3A_227 = arith.muli %parallel_loop3A_81, %parallel_loop3A_226 : i32
        %parallel_loop3A_228 = arith.constant 208 : i32
        %parallel_loop3A_229 = arith.addi %parallel_loop3A_227, %parallel_loop3A_228 : i32
        %parallel_loop3A_230 = arith.index_cast %parallel_loop3A_229 : i32 to index
        %parallel_loop3A_231 = tpu.vector_load %arg5[%parallel_loop3A_230] {strides = array<i32>} : memref<18432xi32, #tpu.memory_space<vmem>>, vector<16xi32>,
        %parallel_loop3A_232 = tpu.vector_load_idx %arg6[%broadcast_in_dim3A, %parallel_loop3A_231] : memref<32x1024xf32, #tpu.memory_space<vmem>>[vector<16xi32>, vector<16xi32>], vector<16xf32>,
        %parallel_loop3A_233 = arith.index_cast %rem3A_59 : i32 to index
        %parallel_loop3A_234 = arith.index_cast %parallel_loop3A_81 : i32 to index
        %parallel_loop3A_235 = arith.constant 208 : index
        %parallel_loop3A_236 = tpu.vector_load %arg7[%parallel_loop3A_233, %parallel_loop3A_234, %parallel_loop3A_235] {strides = array<i32>} : memref<2x32x576xf32, #tpu.memory_space<vmem>>, vector<16xf32>,
        tpu.vector_store %arg7[%parallel_loop3A_233, %parallel_loop3A_234, %parallel_loop3A_235], %parallel_loop3A_232 {strides = array<i32>} : memref<2x32x576xf32, #tpu.memory_space<vmem>>, vector<16xf32>,
        %parallel_loop3A_237 = arith.constant 576 : i32
        %parallel_loop3A_238 = arith.muli %parallel_loop3A_81, %parallel_loop3A_237 : i32
        %parallel_loop3A_239 = arith.constant 224 : i32
        %parallel_loop3A_240 = arith.addi %parallel_loop3A_238, %parallel_loop3A_239 : i32
        %parallel_loop3A_241 = arith.index_cast %parallel_loop3A_240 : i32 to index
        %parallel_loop3A_242 = tpu.vector_load %arg5[%parallel_loop3A_241] {strides = array<i32>} : memref<18432xi32, #tpu.memory_space<vmem>>, vector<16xi32>,
        %parallel_loop3A_243 = tpu.vector_load_idx %arg6[%broadcast_in_dim3A, %parallel_loop3A_242] : memref<32x1024xf32, #tpu.memory_space<vmem>>[vector<16xi32>, vector<16xi32>], vector<16xf32>,
        %parallel_loop3A_244 = arith.index_cast %rem3A_59 : i32 to index
        %parallel_loop3A_245 = arith.index_cast %parallel_loop3A_81 : i32 to index
        %parallel_loop3A_246 = arith.constant 224 : index
        %parallel_loop3A_247 = tpu.vector_load %arg7[%parallel_loop3A_244, %parallel_loop3A_245, %parallel_loop3A_246] {strides = array<i32>} : memref<2x32x576xf32, #tpu.memory_space<vmem>>, vector<16xf32>,
        tpu.vector_store %arg7[%parallel_loop3A_244, %parallel_loop3A_245, %parallel_loop3A_246], %parallel_loop3A_243 {strides = array<i32>} : memref<2x32x576xf32, #tpu.memory_space<vmem>>, vector<16xf32>,
        %parallel_loop3A_248 = arith.constant 576 : i32
        %parallel_loop3A_249 = arith.muli %parallel_loop3A_81, %parallel_loop3A_248 : i32
        %parallel_loop3A_250 = arith.constant 240 : i32
        %parallel_loop3A_251 = arith.addi %parallel_loop3A_249, %parallel_loop3A_250 : i32
        %parallel_loop3A_252 = arith.index_cast %parallel_loop3A_251 : i32 to index
        %parallel_loop3A_253 = tpu.vector_load %arg5[%parallel_loop3A_252] {strides = array<i32>} : memref<18432xi32, #tpu.memory_space<vmem>>, vector<16xi32>,
        %parallel_loop3A_254 = tpu.vector_load_idx %arg6[%broadcast_in_dim3A, %parallel_loop3A_253] : memref<32x1024xf32, #tpu.memory_space<vmem>>[vector<16xi32>, vector<16xi32>], vector<16xf32>,
        %parallel_loop3A_255 = arith.index_cast %rem3A_59 : i32 to index
        %parallel_loop3A_256 = arith.index_cast %parallel_loop3A_81 : i32 to index
        %parallel_loop3A_257 = arith.constant 240 : index
        %parallel_loop3A_258 = tpu.vector_load %arg7[%parallel_loop3A_255, %parallel_loop3A_256, %parallel_loop3A_257] {strides = array<i32>} : memref<2x32x576xf32, #tpu.memory_space<vmem>>, vector<16xf32>,
        tpu.vector_store %arg7[%parallel_loop3A_255, %parallel_loop3A_256, %parallel_loop3A_257], %parallel_loop3A_254 {strides = array<i32>} : memref<2x32x576xf32, #tpu.memory_space<vmem>>, vector<16xf32>,
        %parallel_loop3A_259 = arith.constant 576 : i32
        %parallel_loop3A_260 = arith.muli %parallel_loop3A_81, %parallel_loop3A_259 : i32
        %parallel_loop3A_261 = arith.constant 256 : i32
        %parallel_loop3A_262 = arith.addi %parallel_loop3A_260, %parallel_loop3A_261 : i32
        %parallel_loop3A_263 = arith.index_cast %parallel_loop3A_262 : i32 to index
        %parallel_loop3A_264 = tpu.vector_load %arg5[%parallel_loop3A_263] {strides = array<i32>} : memref<18432xi32, #tpu.memory_space<vmem>>, vector<16xi32>,
        %parallel_loop3A_265 = tpu.vector_load_idx %arg6[%broadcast_in_dim3A, %parallel_loop3A_264] : memref<32x1024xf32, #tpu.memory_space<vmem>>[vector<16xi32>, vector<16xi32>], vector<16xf32>,
        %parallel_loop3A_266 = arith.index_cast %rem3A_59 : i32 to index
        %parallel_loop3A_267 = arith.index_cast %parallel_loop3A_81 : i32 to index
        %parallel_loop3A_268 = arith.constant 256 : index
        %parallel_loop3A_269 = tpu.vector_load %arg7[%parallel_loop3A_266, %parallel_loop3A_267, %parallel_loop3A_268] {strides = array<i32>} : memref<2x32x576xf32, #tpu.memory_space<vmem>>, vector<16xf32>,
        tpu.vector_store %arg7[%parallel_loop3A_266, %parallel_loop3A_267, %parallel_loop3A_268], %parallel_loop3A_265 {strides = array<i32>} : memref<2x32x576xf32, #tpu.memory_space<vmem>>, vector<16xf32>,
        %parallel_loop3A_270 = arith.constant 576 : i32
        %parallel_loop3A_271 = arith.muli %parallel_loop3A_81, %parallel_loop3A_270 : i32
        %parallel_loop3A_272 = arith.constant 272 : i32
        %parallel_loop3A_273 = arith.addi %parallel_loop3A_271, %parallel_loop3A_272 : i32
        %parallel_loop3A_274 = arith.index_cast %parallel_loop3A_273 : i32 to index
        %parallel_loop3A_275 = tpu.vector_load %arg5[%parallel_loop3A_274] {strides = array<i32>} : memref<18432xi32, #tpu.memory_space<vmem>>, vector<16xi32>,
        %parallel_loop3A_276 = tpu.vector_load_idx %arg6[%broadcast_in_dim3A, %parallel_loop3A_275] : memref<32x1024xf32, #tpu.memory_space<vmem>>[vector<16xi32>, vector<16xi32>], vector<16xf32>,
        %parallel_loop3A_277 = arith.index_cast %rem3A_59 : i32 to index
        %parallel_loop3A_278 = arith.index_cast %parallel_loop3A_81 : i32 to index
        %parallel_loop3A_279 = arith.constant 272 : index
        %parallel_loop3A_280 = tpu.vector_load %arg7[%parallel_loop3A_277, %parallel_loop3A_278, %parallel_loop3A_279] {strides = array<i32>} : memref<2x32x576xf32, #tpu.memory_space<vmem>>, vector<16xf32>,
        tpu.vector_store %arg7[%parallel_loop3A_277, %parallel_loop3A_278, %parallel_loop3A_279], %parallel_loop3A_276 {strides = array<i32>} : memref<2x32x576xf32, #tpu.memory_space<vmem>>, vector<16xf32>,
        %parallel_loop3A_281 = arith.constant 576 : i32
        %parallel_loop3A_282 = arith.muli %parallel_loop3A_81, %parallel_loop3A_281 : i32
        %parallel_loop3A_283 = arith.constant 288 : i32
        %parallel_loop3A_284 = arith.addi %parallel_loop3A_282, %parallel_loop3A_283 : i32
        %parallel_loop3A_285 = arith.index_cast %parallel_loop3A_284 : i32 to index
        %parallel_loop3A_286 = tpu.vector_load %arg5[%parallel_loop3A_285] {strides = array<i32>} : memref<18432xi32, #tpu.memory_space<vmem>>, vector<16xi32>,
        %parallel_loop3A_287 = tpu.vector_load_idx %arg6[%broadcast_in_dim3A, %parallel_loop3A_286] : memref<32x1024xf32, #tpu.memory_space<vmem>>[vector<16xi32>, vector<16xi32>], vector<16xf32>,
        %parallel_loop3A_288 = arith.index_cast %rem3A_59 : i32 to index
        %parallel_loop3A_289 = arith.index_cast %parallel_loop3A_81 : i32 to index
        %parallel_loop3A_290 = arith.constant 288 : index
        %parallel_loop3A_291 = tpu.vector_load %arg7[%parallel_loop3A_288, %parallel_loop3A_289, %parallel_loop3A_290] {strides = array<i32>} : memref<2x32x576xf32, #tpu.memory_space<vmem>>, vector<16xf32>,
        tpu.vector_store %arg7[%parallel_loop3A_288, %parallel_loop3A_289, %parallel_loop3A_290], %parallel_loop3A_287 {strides = array<i32>} : memref<2x32x576xf32, #tpu.memory_space<vmem>>, vector<16xf32>,
        %parallel_loop3A_292 = arith.constant 576 : i32
        %parallel_loop3A_293 = arith.muli %parallel_loop3A_81, %parallel_loop3A_292 : i32
        %parallel_loop3A_294 = arith.constant 304 : i32
        %parallel_loop3A_295 = arith.addi %parallel_loop3A_293, %parallel_loop3A_294 : i32
        %parallel_loop3A_296 = arith.index_cast %parallel_loop3A_295 : i32 to index
        %parallel_loop3A_297 = tpu.vector_load %arg5[%parallel_loop3A_296] {strides = array<i32>} : memref<18432xi32, #tpu.memory_space<vmem>>, vector<16xi32>,
        %parallel_loop3A_298 = tpu.vector_load_idx %arg6[%broadcast_in_dim3A, %parallel_loop3A_297] : memref<32x1024xf32, #tpu.memory_space<vmem>>[vector<16xi32>, vector<16xi32>], vector<16xf32>,
        %parallel_loop3A_299 = arith.index_cast %rem3A_59 : i32 to index
        %parallel_loop3A_300 = arith.index_cast %parallel_loop3A_81 : i32 to index
        %parallel_loop3A_301 = arith.constant 304 : index
        %parallel_loop3A_302 = tpu.vector_load %arg7[%parallel_loop3A_299, %parallel_loop3A_300, %parallel_loop3A_301] {strides = array<i32>} : memref<2x32x576xf32, #tpu.memory_space<vmem>>, vector<16xf32>,
        tpu.vector_store %arg7[%parallel_loop3A_299, %parallel_loop3A_300, %parallel_loop3A_301], %parallel_loop3A_298 {strides = array<i32>} : memref<2x32x576xf32, #tpu.memory_space<vmem>>, vector<16xf32>,
        %parallel_loop3A_303 = arith.constant 576 : i32
        %parallel_loop3A_304 = arith.muli %parallel_loop3A_81, %parallel_loop3A_303 : i32
        %parallel_loop3A_305 = arith.constant 320 : i32
        %parallel_loop3A_306 = arith.addi %parallel_loop3A_304, %parallel_loop3A_305 : i32
        %parallel_loop3A_307 = arith.index_cast %parallel_loop3A_306 : i32 to index
        %parallel_loop3A_308 = tpu.vector_load %arg5[%parallel_loop3A_307] {strides = array<i32>} : memref<18432xi32, #tpu.memory_space<vmem>>, vector<16xi32>,
        %parallel_loop3A_309 = tpu.vector_load_idx %arg6[%broadcast_in_dim3A, %parallel_loop3A_308] : memref<32x1024xf32, #tpu.memory_space<vmem>>[vector<16xi32>, vector<16xi32>], vector<16xf32>,
        %parallel_loop3A_310 = arith.index_cast %rem3A_59 : i32 to index
        %parallel_loop3A_311 = arith.index_cast %parallel_loop3A_81 : i32 to index
        %parallel_loop3A_312 = arith.constant 320 : index
        %parallel_loop3A_313 = tpu.vector_load %arg7[%parallel_loop3A_310, %parallel_loop3A_311, %parallel_loop3A_312] {strides = array<i32>} : memref<2x32x576xf32, #tpu.memory_space<vmem>>, vector<16xf32>,
        tpu.vector_store %arg7[%parallel_loop3A_310, %parallel_loop3A_311, %parallel_loop3A_312], %parallel_loop3A_309 {strides = array<i32>} : memref<2x32x576xf32, #tpu.memory_space<vmem>>, vector<16xf32>,
        %parallel_loop3A_314 = arith.constant 576 : i32
        %parallel_loop3A_315 = arith.muli %parallel_loop3A_81, %parallel_loop3A_314 : i32
        %parallel_loop3A_316 = arith.constant 336 : i32
        %parallel_loop3A_317 = arith.addi %parallel_loop3A_315, %parallel_loop3A_316 : i32
        %parallel_loop3A_318 = arith.index_cast %parallel_loop3A_317 : i32 to index
        %parallel_loop3A_319 = tpu.vector_load %arg5[%parallel_loop3A_318] {strides = array<i32>} : memref<18432xi32, #tpu.memory_space<vmem>>, vector<16xi32>,
        %parallel_loop3A_320 = tpu.vector_load_idx %arg6[%broadcast_in_dim3A, %parallel_loop3A_319] : memref<32x1024xf32, #tpu.memory_space<vmem>>[vector<16xi32>, vector<16xi32>], vector<16xf32>,
        %parallel_loop3A_321 = arith.index_cast %rem3A_59 : i32 to index
        %parallel_loop3A_322 = arith.index_cast %parallel_loop3A_81 : i32 to index
        %parallel_loop3A_323 = arith.constant 336 : index
        %parallel_loop3A_324 = tpu.vector_load %arg7[%parallel_loop3A_321, %parallel_loop3A_322, %parallel_loop3A_323] {strides = array<i32>} : memref<2x32x576xf32, #tpu.memory_space<vmem>>, vector<16xf32>,
        tpu.vector_store %arg7[%parallel_loop3A_321, %parallel_loop3A_322, %parallel_loop3A_323], %parallel_loop3A_320 {strides = array<i32>} : memref<2x32x576xf32, #tpu.memory_space<vmem>>, vector<16xf32>,
        %parallel_loop3A_325 = arith.constant 576 : i32
        %parallel_loop3A_326 = arith.muli %parallel_loop3A_81, %parallel_loop3A_325 : i32
        %parallel_loop3A_327 = arith.constant 352 : i32
        %parallel_loop3A_328 = arith.addi %parallel_loop3A_326, %parallel_loop3A_327 : i32
        %parallel_loop3A_329 = arith.index_cast %parallel_loop3A_328 : i32 to index
        %parallel_loop3A_330 = tpu.vector_load %arg5[%parallel_loop3A_329] {strides = array<i32>} : memref<18432xi32, #tpu.memory_space<vmem>>, vector<16xi32>,
        %parallel_loop3A_331 = tpu.vector_load_idx %arg6[%broadcast_in_dim3A, %parallel_loop3A_330] : memref<32x1024xf32, #tpu.memory_space<vmem>>[vector<16xi32>, vector<16xi32>], vector<16xf32>,
        %parallel_loop3A_332 = arith.index_cast %rem3A_59 : i32 to index
        %parallel_loop3A_333 = arith.index_cast %parallel_loop3A_81 : i32 to index
        %parallel_loop3A_334 = arith.constant 352 : index
        %parallel_loop3A_335 = tpu.vector_load %arg7[%parallel_loop3A_332, %parallel_loop3A_333, %parallel_loop3A_334] {strides = array<i32>} : memref<2x32x576xf32, #tpu.memory_space<vmem>>, vector<16xf32>,
        tpu.vector_store %arg7[%parallel_loop3A_332, %parallel_loop3A_333, %parallel_loop3A_334], %parallel_loop3A_331 {strides = array<i32>} : memref<2x32x576xf32, #tpu.memory_space<vmem>>, vector<16xf32>,
        %parallel_loop3A_336 = arith.constant 576 : i32
        %parallel_loop3A_337 = arith.muli %parallel_loop3A_81, %parallel_loop3A_336 : i32
        %parallel_loop3A_338 = arith.constant 368 : i32
        %parallel_loop3A_339 = arith.addi %parallel_loop3A_337, %parallel_loop3A_338 : i32
        %parallel_loop3A_340 = arith.index_cast %parallel_loop3A_339 : i32 to index
        %parallel_loop3A_341 = tpu.vector_load %arg5[%parallel_loop3A_340] {strides = array<i32>} : memref<18432xi32, #tpu.memory_space<vmem>>, vector<16xi32>,
        %parallel_loop3A_342 = tpu.vector_load_idx %arg6[%broadcast_in_dim3A, %parallel_loop3A_341] : memref<32x1024xf32, #tpu.memory_space<vmem>>[vector<16xi32>, vector<16xi32>], vector<16xf32>,
        %parallel_loop3A_343 = arith.index_cast %rem3A_59 : i32 to index
        %parallel_loop3A_344 = arith.index_cast %parallel_loop3A_81 : i32 to index
        %parallel_loop3A_345 = arith.constant 368 : index
        %parallel_loop3A_346 = tpu.vector_load %arg7[%parallel_loop3A_343, %parallel_loop3A_344, %parallel_loop3A_345] {strides = array<i32>} : memref<2x32x576xf32, #tpu.memory_space<vmem>>, vector<16xf32>,
        tpu.vector_store %arg7[%parallel_loop3A_343, %parallel_loop3A_344, %parallel_loop3A_345], %parallel_loop3A_342 {strides = array<i32>} : memref<2x32x576xf32, #tpu.memory_space<vmem>>, vector<16xf32>,
        %parallel_loop3A_347 = arith.constant 576 : i32
        %parallel_loop3A_348 = arith.muli %parallel_loop3A_81, %parallel_loop3A_347 : i32
        %parallel_loop3A_349 = arith.constant 384 : i32
        %parallel_loop3A_350 = arith.addi %parallel_loop3A_348, %parallel_loop3A_349 : i32
        %parallel_loop3A_351 = arith.index_cast %parallel_loop3A_350 : i32 to index
        %parallel_loop3A_352 = tpu.vector_load %arg5[%parallel_loop3A_351] {strides = array<i32>} : memref<18432xi32, #tpu.memory_space<vmem>>, vector<16xi32>,
        %parallel_loop3A_353 = tpu.vector_load_idx %arg6[%broadcast_in_dim3A, %parallel_loop3A_352] : memref<32x1024xf32, #tpu.memory_space<vmem>>[vector<16xi32>, vector<16xi32>], vector<16xf32>,
        %parallel_loop3A_354 = arith.index_cast %rem3A_59 : i32 to index
        %parallel_loop3A_355 = arith.index_cast %parallel_loop3A_81 : i32 to index
        %parallel_loop3A_356 = arith.constant 384 : index
        %parallel_loop3A_357 = tpu.vector_load %arg7[%parallel_loop3A_354, %parallel_loop3A_355, %parallel_loop3A_356] {strides = array<i32>} : memref<2x32x576xf32, #tpu.memory_space<vmem>>, vector<16xf32>,
        tpu.vector_store %arg7[%parallel_loop3A_354, %parallel_loop3A_355, %parallel_loop3A_356], %parallel_loop3A_353 {strides = array<i32>} : memref<2x32x576xf32, #tpu.memory_space<vmem>>, vector<16xf32>,
        %parallel_loop3A_358 = arith.constant 576 : i32
        %parallel_loop3A_359 = arith.muli %parallel_loop3A_81, %parallel_loop3A_358 : i32
        %parallel_loop3A_360 = arith.constant 400 : i32
        %parallel_loop3A_361 = arith.addi %parallel_loop3A_359, %parallel_loop3A_360 : i32
        %parallel_loop3A_362 = arith.index_cast %parallel_loop3A_361 : i32 to index
        %parallel_loop3A_363 = tpu.vector_load %arg5[%parallel_loop3A_362] {strides = array<i32>} : memref<18432xi32, #tpu.memory_space<vmem>>, vector<16xi32>,
        %parallel_loop3A_364 = tpu.vector_load_idx %arg6[%broadcast_in_dim3A, %parallel_loop3A_363] : memref<32x1024xf32, #tpu.memory_space<vmem>>[vector<16xi32>, vector<16xi32>], vector<16xf32>,
        %parallel_loop3A_365 = arith.index_cast %rem3A_59 : i32 to index
        %parallel_loop3A_366 = arith.index_cast %parallel_loop3A_81 : i32 to index
        %parallel_loop3A_367 = arith.constant 400 : index
        %parallel_loop3A_368 = tpu.vector_load %arg7[%parallel_loop3A_365, %parallel_loop3A_366, %parallel_loop3A_367] {strides = array<i32>} : memref<2x32x576xf32, #tpu.memory_space<vmem>>, vector<16xf32>,
        tpu.vector_store %arg7[%parallel_loop3A_365, %parallel_loop3A_366, %parallel_loop3A_367], %parallel_loop3A_364 {strides = array<i32>} : memref<2x32x576xf32, #tpu.memory_space<vmem>>, vector<16xf32>,
        %parallel_loop3A_369 = arith.constant 576 : i32
        %parallel_loop3A_370 = arith.muli %parallel_loop3A_81, %parallel_loop3A_369 : i32
        %parallel_loop3A_371 = arith.constant 416 : i32
        %parallel_loop3A_372 = arith.addi %parallel_loop3A_370, %parallel_loop3A_371 : i32
        %parallel_loop3A_373 = arith.index_cast %parallel_loop3A_372 : i32 to index
        %parallel_loop3A_374 = tpu.vector_load %arg5[%parallel_loop3A_373] {strides = array<i32>} : memref<18432xi32, #tpu.memory_space<vmem>>, vector<16xi32>,
        %parallel_loop3A_375 = tpu.vector_load_idx %arg6[%broadcast_in_dim3A, %parallel_loop3A_374] : memref<32x1024xf32, #tpu.memory_space<vmem>>[vector<16xi32>, vector<16xi32>], vector<16xf32>,
        %parallel_loop3A_376 = arith.index_cast %rem3A_59 : i32 to index
        %parallel_loop3A_377 = arith.index_cast %parallel_loop3A_81 : i32 to index
        %parallel_loop3A_378 = arith.constant 416 : index
        %parallel_loop3A_379 = tpu.vector_load %arg7[%parallel_loop3A_376, %parallel_loop3A_377, %parallel_loop3A_378] {strides = array<i32>} : memref<2x32x576xf32, #tpu.memory_space<vmem>>, vector<16xf32>,
        tpu.vector_store %arg7[%parallel_loop3A_376, %parallel_loop3A_377, %parallel_loop3A_378], %parallel_loop3A_375 {strides = array<i32>} : memref<2x32x576xf32, #tpu.memory_space<vmem>>, vector<16xf32>,
        %parallel_loop3A_380 = arith.constant 576 : i32
        %parallel_loop3A_381 = arith.muli %parallel_loop3A_81, %parallel_loop3A_380 : i32
        %parallel_loop3A_382 = arith.constant 432 : i32
        %parallel_loop3A_383 = arith.addi %parallel_loop3A_381, %parallel_loop3A_382 : i32
        %parallel_loop3A_384 = arith.index_cast %parallel_loop3A_383 : i32 to index
        %parallel_loop3A_385 = tpu.vector_load %arg5[%parallel_loop3A_384] {strides = array<i32>} : memref<18432xi32, #tpu.memory_space<vmem>>, vector<16xi32>,
        %parallel_loop3A_386 = tpu.vector_load_idx %arg6[%broadcast_in_dim3A, %parallel_loop3A_385] : memref<32x1024xf32, #tpu.memory_space<vmem>>[vector<16xi32>, vector<16xi32>], vector<16xf32>,
        %parallel_loop3A_387 = arith.index_cast %rem3A_59 : i32 to index
        %parallel_loop3A_388 = arith.index_cast %parallel_loop3A_81 : i32 to index
        %parallel_loop3A_389 = arith.constant 432 : index
        %parallel_loop3A_390 = tpu.vector_load %arg7[%parallel_loop3A_387, %parallel_loop3A_388, %parallel_loop3A_389] {strides = array<i32>} : memref<2x32x576xf32, #tpu.memory_space<vmem>>, vector<16xf32>,
        tpu.vector_store %arg7[%parallel_loop3A_387, %parallel_loop3A_388, %parallel_loop3A_389], %parallel_loop3A_386 {strides = array<i32>} : memref<2x32x576xf32, #tpu.memory_space<vmem>>, vector<16xf32>,
        %parallel_loop3A_391 = arith.constant 576 : i32
        %parallel_loop3A_392 = arith.muli %parallel_loop3A_81, %parallel_loop3A_391 : i32
        %parallel_loop3A_393 = arith.constant 448 : i32
        %parallel_loop3A_394 = arith.addi %parallel_loop3A_392, %parallel_loop3A_393 : i32
        %parallel_loop3A_395 = arith.index_cast %parallel_loop3A_394 : i32 to index
        %parallel_loop3A_396 = tpu.vector_load %arg5[%parallel_loop3A_395] {strides = array<i32>} : memref<18432xi32, #tpu.memory_space<vmem>>, vector<16xi32>,
        %parallel_loop3A_397 = tpu.vector_load_idx %arg6[%broadcast_in_dim3A, %parallel_loop3A_396] : memref<32x1024xf32, #tpu.memory_space<vmem>>[vector<16xi32>, vector<16xi32>], vector<16xf32>,
        %parallel_loop3A_398 = arith.index_cast %rem3A_59 : i32 to index
        %parallel_loop3A_399 = arith.index_cast %parallel_loop3A_81 : i32 to index
        %parallel_loop3A_400 = arith.constant 448 : index
        %parallel_loop3A_401 = tpu.vector_load %arg7[%parallel_loop3A_398, %parallel_loop3A_399, %parallel_loop3A_400] {strides = array<i32>} : memref<2x32x576xf32, #tpu.memory_space<vmem>>, vector<16xf32>,
        tpu.vector_store %arg7[%parallel_loop3A_398, %parallel_loop3A_399, %parallel_loop3A_400], %parallel_loop3A_397 {strides = array<i32>} : memref<2x32x576xf32, #tpu.memory_space<vmem>>, vector<16xf32>,
        %parallel_loop3A_402 = arith.constant 576 : i32
        %parallel_loop3A_403 = arith.muli %parallel_loop3A_81, %parallel_loop3A_402 : i32
        %parallel_loop3A_404 = arith.constant 464 : i32
        %parallel_loop3A_405 = arith.addi %parallel_loop3A_403, %parallel_loop3A_404 : i32
        %parallel_loop3A_406 = arith.index_cast %parallel_loop3A_405 : i32 to index
        %parallel_loop3A_407 = tpu.vector_load %arg5[%parallel_loop3A_406] {strides = array<i32>} : memref<18432xi32, #tpu.memory_space<vmem>>, vector<16xi32>,
        %parallel_loop3A_408 = tpu.vector_load_idx %arg6[%broadcast_in_dim3A, %parallel_loop3A_407] : memref<32x1024xf32, #tpu.memory_space<vmem>>[vector<16xi32>, vector<16xi32>], vector<16xf32>,
        %parallel_loop3A_409 = arith.index_cast %rem3A_59 : i32 to index
        %parallel_loop3A_410 = arith.index_cast %parallel_loop3A_81 : i32 to index
        %parallel_loop3A_411 = arith.constant 464 : index
        %parallel_loop3A_412 = tpu.vector_load %arg7[%parallel_loop3A_409, %parallel_loop3A_410, %parallel_loop3A_411] {strides = array<i32>} : memref<2x32x576xf32, #tpu.memory_space<vmem>>, vector<16xf32>,
        tpu.vector_store %arg7[%parallel_loop3A_409, %parallel_loop3A_410, %parallel_loop3A_411], %parallel_loop3A_408 {strides = array<i32>} : memref<2x32x576xf32, #tpu.memory_space<vmem>>, vector<16xf32>,
        %parallel_loop3A_413 = arith.constant 576 : i32
        %parallel_loop3A_414 = arith.muli %parallel_loop3A_81, %parallel_loop3A_413 : i32
        %parallel_loop3A_415 = arith.constant 480 : i32
        %parallel_loop3A_416 = arith.addi %parallel_loop3A_414, %parallel_loop3A_415 : i32
        %parallel_loop3A_417 = arith.index_cast %parallel_loop3A_416 : i32 to index
        %parallel_loop3A_418 = tpu.vector_load %arg5[%parallel_loop3A_417] {strides = array<i32>} : memref<18432xi32, #tpu.memory_space<vmem>>, vector<16xi32>,
        %parallel_loop3A_419 = tpu.vector_load_idx %arg6[%broadcast_in_dim3A, %parallel_loop3A_418] : memref<32x1024xf32, #tpu.memory_space<vmem>>[vector<16xi32>, vector<16xi32>], vector<16xf32>,
        %parallel_loop3A_420 = arith.index_cast %rem3A_59 : i32 to index
        %parallel_loop3A_421 = arith.index_cast %parallel_loop3A_81 : i32 to index
        %parallel_loop3A_422 = arith.constant 480 : index
        %parallel_loop3A_423 = tpu.vector_load %arg7[%parallel_loop3A_420, %parallel_loop3A_421, %parallel_loop3A_422] {strides = array<i32>} : memref<2x32x576xf32, #tpu.memory_space<vmem>>, vector<16xf32>,
        tpu.vector_store %arg7[%parallel_loop3A_420, %parallel_loop3A_421, %parallel_loop3A_422], %parallel_loop3A_419 {strides = array<i32>} : memref<2x32x576xf32, #tpu.memory_space<vmem>>, vector<16xf32>,
        %parallel_loop3A_424 = arith.constant 576 : i32
        %parallel_loop3A_425 = arith.muli %parallel_loop3A_81, %parallel_loop3A_424 : i32
        %parallel_loop3A_426 = arith.constant 496 : i32
        %parallel_loop3A_427 = arith.addi %parallel_loop3A_425, %parallel_loop3A_426 : i32
        %parallel_loop3A_428 = arith.index_cast %parallel_loop3A_427 : i32 to index
        %parallel_loop3A_429 = tpu.vector_load %arg5[%parallel_loop3A_428] {strides = array<i32>} : memref<18432xi32, #tpu.memory_space<vmem>>, vector<16xi32>,
        %parallel_loop3A_430 = tpu.vector_load_idx %arg6[%broadcast_in_dim3A, %parallel_loop3A_429] : memref<32x1024xf32, #tpu.memory_space<vmem>>[vector<16xi32>, vector<16xi32>], vector<16xf32>,
        %parallel_loop3A_431 = arith.index_cast %rem3A_59 : i32 to index
        %parallel_loop3A_432 = arith.index_cast %parallel_loop3A_81 : i32 to index
        %parallel_loop3A_433 = arith.constant 496 : index
        %parallel_loop3A_434 = tpu.vector_load %arg7[%parallel_loop3A_431, %parallel_loop3A_432, %parallel_loop3A_433] {strides = array<i32>} : memref<2x32x576xf32, #tpu.memory_space<vmem>>, vector<16xf32>,
        tpu.vector_store %arg7[%parallel_loop3A_431, %parallel_loop3A_432, %parallel_loop3A_433], %parallel_loop3A_430 {strides = array<i32>} : memref<2x32x576xf32, #tpu.memory_space<vmem>>, vector<16xf32>,
        %parallel_loop3A_435 = arith.constant 576 : i32
        %parallel_loop3A_436 = arith.muli %parallel_loop3A_81, %parallel_loop3A_435 : i32
        %parallel_loop3A_437 = arith.constant 512 : i32
        %parallel_loop3A_438 = arith.addi %parallel_loop3A_436, %parallel_loop3A_437 : i32
        %parallel_loop3A_439 = arith.index_cast %parallel_loop3A_438 : i32 to index
        %parallel_loop3A_440 = tpu.vector_load %arg5[%parallel_loop3A_439] {strides = array<i32>} : memref<18432xi32, #tpu.memory_space<vmem>>, vector<16xi32>,
        %parallel_loop3A_441 = tpu.vector_load_idx %arg6[%broadcast_in_dim3A, %parallel_loop3A_440] : memref<32x1024xf32, #tpu.memory_space<vmem>>[vector<16xi32>, vector<16xi32>], vector<16xf32>,
        %parallel_loop3A_442 = arith.index_cast %rem3A_59 : i32 to index
        %parallel_loop3A_443 = arith.index_cast %parallel_loop3A_81 : i32 to index
        %parallel_loop3A_444 = arith.constant 512 : index
        %parallel_loop3A_445 = tpu.vector_load %arg7[%parallel_loop3A_442, %parallel_loop3A_443, %parallel_loop3A_444] {strides = array<i32>} : memref<2x32x576xf32, #tpu.memory_space<vmem>>, vector<16xf32>,
        tpu.vector_store %arg7[%parallel_loop3A_442, %parallel_loop3A_443, %parallel_loop3A_444], %parallel_loop3A_441 {strides = array<i32>} : memref<2x32x576xf32, #tpu.memory_space<vmem>>, vector<16xf32>,
        %parallel_loop3A_446 = arith.constant 576 : i32
        %parallel_loop3A_447 = arith.muli %parallel_loop3A_81, %parallel_loop3A_446 : i32
        %parallel_loop3A_448 = arith.constant 528 : i32
        %parallel_loop3A_449 = arith.addi %parallel_loop3A_447, %parallel_loop3A_448 : i32
        %parallel_loop3A_450 = arith.index_cast %parallel_loop3A_449 : i32 to index
        %parallel_loop3A_451 = tpu.vector_load %arg5[%parallel_loop3A_450] {strides = array<i32>} : memref<18432xi32, #tpu.memory_space<vmem>>, vector<16xi32>,
        %parallel_loop3A_452 = tpu.vector_load_idx %arg6[%broadcast_in_dim3A, %parallel_loop3A_451] : memref<32x1024xf32, #tpu.memory_space<vmem>>[vector<16xi32>, vector<16xi32>], vector<16xf32>,
        %parallel_loop3A_453 = arith.index_cast %rem3A_59 : i32 to index
        %parallel_loop3A_454 = arith.index_cast %parallel_loop3A_81 : i32 to index
        %parallel_loop3A_455 = arith.constant 528 : index
        %parallel_loop3A_456 = tpu.vector_load %arg7[%parallel_loop3A_453, %parallel_loop3A_454, %parallel_loop3A_455] {strides = array<i32>} : memref<2x32x576xf32, #tpu.memory_space<vmem>>, vector<16xf32>,
        tpu.vector_store %arg7[%parallel_loop3A_453, %parallel_loop3A_454, %parallel_loop3A_455], %parallel_loop3A_452 {strides = array<i32>} : memref<2x32x576xf32, #tpu.memory_space<vmem>>, vector<16xf32>,
        %parallel_loop3A_457 = arith.constant 576 : i32
        %parallel_loop3A_458 = arith.muli %parallel_loop3A_81, %parallel_loop3A_457 : i32
        %parallel_loop3A_459 = arith.constant 544 : i32
        %parallel_loop3A_460 = arith.addi %parallel_loop3A_458, %parallel_loop3A_459 : i32
        %parallel_loop3A_461 = arith.index_cast %parallel_loop3A_460 : i32 to index
        %parallel_loop3A_462 = tpu.vector_load %arg5[%parallel_loop3A_461] {strides = array<i32>} : memref<18432xi32, #tpu.memory_space<vmem>>, vector<16xi32>,
        %parallel_loop3A_463 = tpu.vector_load_idx %arg6[%broadcast_in_dim3A, %parallel_loop3A_462] : memref<32x1024xf32, #tpu.memory_space<vmem>>[vector<16xi32>, vector<16xi32>], vector<16xf32>,
        %parallel_loop3A_464 = arith.index_cast %rem3A_59 : i32 to index
        %parallel_loop3A_465 = arith.index_cast %parallel_loop3A_81 : i32 to index
        %parallel_loop3A_466 = arith.constant 544 : index
        %parallel_loop3A_467 = tpu.vector_load %arg7[%parallel_loop3A_464, %parallel_loop3A_465, %parallel_loop3A_466] {strides = array<i32>} : memref<2x32x576xf32, #tpu.memory_space<vmem>>, vector<16xf32>,
        tpu.vector_store %arg7[%parallel_loop3A_464, %parallel_loop3A_465, %parallel_loop3A_466], %parallel_loop3A_463 {strides = array<i32>} : memref<2x32x576xf32, #tpu.memory_space<vmem>>, vector<16xf32>,
        %parallel_loop3A_468 = arith.constant 576 : i32
        %parallel_loop3A_469 = arith.muli %parallel_loop3A_81, %parallel_loop3A_468 : i32
        %parallel_loop3A_470 = arith.constant 560 : i32
        %parallel_loop3A_471 = arith.addi %parallel_loop3A_469, %parallel_loop3A_470 : i32
        %parallel_loop3A_472 = arith.index_cast %parallel_loop3A_471 : i32 to index
        %parallel_loop3A_473 = tpu.vector_load %arg5[%parallel_loop3A_472] {strides = array<i32>} : memref<18432xi32, #tpu.memory_space<vmem>>, vector<16xi32>,
        %parallel_loop3A_474 = tpu.vector_load_idx %arg6[%broadcast_in_dim3A, %parallel_loop3A_473] : memref<32x1024xf32, #tpu.memory_space<vmem>>[vector<16xi32>, vector<16xi32>], vector<16xf32>,
        %parallel_loop3A_475 = arith.index_cast %rem3A_59 : i32 to index
        %parallel_loop3A_476 = arith.index_cast %parallel_loop3A_81 : i32 to index
        %parallel_loop3A_477 = arith.constant 560 : index
        %parallel_loop3A_478 = tpu.vector_load %arg7[%parallel_loop3A_475, %parallel_loop3A_476, %parallel_loop3A_477] {strides = array<i32>} : memref<2x32x576xf32, #tpu.memory_space<vmem>>, vector<16xf32>,
        tpu.vector_store %arg7[%parallel_loop3A_475, %parallel_loop3A_476, %parallel_loop3A_477], %parallel_loop3A_474 {strides = array<i32>} : memref<2x32x576xf32, #tpu.memory_space<vmem>>, vector<16xf32>,
        scf.yield %parallel_loop3A_82 : i32
      } {sc.loop_unroll_factor = 8 : i64, sc.parallel_access}
      %gt3A = arith.constant 0 : i32
      %gt3A_64 = arith.cmpi sgt, %scan3A_57, %gt3A : i32
      %convert_element_type3A = arith.extui %gt3A_64 : i1 to i32
      %cond3A = arith.constant 0 : i32
      %cond3A_65 = arith.cmpi ne, %convert_element_type3A, %cond3A : i32
      scf.if %cond3A_65 {
        %sub3A_81 = arith.constant 1 : i32
        %sub3A_82 = arith.subi %sub3A_81, %rem3A_59 : i32
        %sub3A_83 = arith.constant 1 : i32
        %sub3A_84 = arith.subi %scan3A_57, %sub3A_83 : i32
        %mul3A_85 = arith.constant 32 : i32
        %mul3A_86 = arith.muli %sub3A_84, %mul3A_85 : i32
        %dma_wait3A_87 = arith.constant 0 : i32
        %dma_wait3A_88 = arith.constant 0 : i32
        %dma_wait3A_89 = tpu.memref_slice %arg7[%sub3A_82, %dma_wait3A_87, %dma_wait3A_88] : memref<2x32x576xf32, #tpu.memory_space<vmem>> -> memref<1x32x576xf32, #tpu.memory_space<vmem>>
        %dma_wait3A_90 = tpu.memref_squeeze %dma_wait3A_89 : memref<1x32x576xf32, #tpu.memory_space<vmem>> -> memref<32x576xf32, #tpu.memory_space<vmem>>
        %dma_wait3A_91 = arith.constant 0 : i32
        %dma_wait3A_92 = tpu.memref_slice %arg4[%add3A, %mul3A_86, %dma_wait3A_91] : memref<32x1024x576xf32, #tpu.memory_space<hbm>> -> memref<1x32x576xf32, #tpu.memory_space<hbm>>
        %dma_wait3A_93 = tpu.memref_squeeze %dma_wait3A_92 : memref<1x32x576xf32, #tpu.memory_space<hbm>> -> memref<32x576xf32, #tpu.memory_space<hbm>>
        %dma_wait3A_94 = arith.constant 0 : i32
        %dma_wait3A_95 = tpu.memref_slice %arg4[%add3A, %mul3A_86, %dma_wait3A_94] : memref<32x1024x576xf32, #tpu.memory_space<hbm>> -> memref<1x32x576xf32, #tpu.memory_space<hbm>>
        %dma_wait3A_96 = tpu.memref_squeeze %dma_wait3A_95 : memref<1x32x576xf32, #tpu.memory_space<hbm>> -> memref<32x576xf32, #tpu.memory_space<hbm>>
        %dma_wait3A_97 = arith.constant 0 : i32
        %dma_wait3A_98 = arith.constant 0 : i32
        %dma_wait3A_99 = tpu.memref_slice %arg7[%sub3A_82, %dma_wait3A_97, %dma_wait3A_98] : memref<2x32x576xf32, #tpu.memory_space<vmem>> -> memref<1x32x576xf32, #tpu.memory_space<vmem>>
        %dma_wait3A_100 = tpu.memref_squeeze %dma_wait3A_99 : memref<1x32x576xf32, #tpu.memory_space<vmem>> -> memref<32x576xf32, #tpu.memory_space<vmem>>
        tpu.wait_dma2 semaphore(%arg8 : memref<!tpu.dma_semaphore, #tpu.memory_space<semaphore_mem>>) src(%dma_wait3A_100 : memref<32x576xf32, #tpu.memory_space<vmem>>) dst(%dma_wait3A_96 : memref<32x576xf32, #tpu.memory_space<hbm>>)
      } else {
      }
      %mul3A_66 = arith.constant 32 : i32
      %mul3A_67 = arith.muli %scan3A_57, %mul3A_66 : i32
      %dma_start3A = arith.constant 0 : i32
      %dma_start3A_68 = arith.constant 0 : i32
      %dma_start3A_69 = tpu.memref_slice %arg7[%rem3A_59, %dma_start3A, %dma_start3A_68] : memref<2x32x576xf32, #tpu.memory_space<vmem>> -> memref<1x32x576xf32, #tpu.memory_space<vmem>>
      %dma_start3A_70 = tpu.memref_squeeze %dma_start3A_69 : memref<1x32x576xf32, #tpu.memory_space<vmem>> -> memref<32x576xf32, #tpu.memory_space<vmem>>
      %dma_start3A_71 = arith.constant 0 : i32
      %dma_start3A_72 = tpu.memref_slice %arg4[%add3A, %mul3A_67, %dma_start3A_71] : memref<32x1024x576xf32, #tpu.memory_space<hbm>> -> memref<1x32x576xf32, #tpu.memory_space<hbm>>
      %dma_start3A_73 = tpu.memref_squeeze %dma_start3A_72 : memref<1x32x576xf32, #tpu.memory_space<hbm>> -> memref<32x576xf32, #tpu.memory_space<hbm>>
      %dma_start3A_74 = arith.constant 0 : i32
      %dma_start3A_75 = tpu.memref_slice %arg4[%add3A, %mul3A_67, %dma_start3A_74] : memref<32x1024x576xf32, #tpu.memory_space<hbm>> -> memref<1x32x576xf32, #tpu.memory_space<hbm>>
      %dma_start3A_76 = tpu.memref_squeeze %dma_start3A_75 : memref<1x32x576xf32, #tpu.memory_space<hbm>> -> memref<32x576xf32, #tpu.memory_space<hbm>>
      %dma_start3A_77 = arith.constant 0 : i32
      %dma_start3A_78 = arith.constant 0 : i32
      %dma_start3A_79 = tpu.memref_slice %arg7[%rem3A_59, %dma_start3A_77, %dma_start3A_78] : memref<2x32x576xf32, #tpu.memory_space<vmem>> -> memref<1x32x576xf32, #tpu.memory_space<vmem>>
      %dma_start3A_80 = tpu.memref_squeeze %dma_start3A_79 : memref<1x32x576xf32, #tpu.memory_space<vmem>> -> memref<32x576xf32, #tpu.memory_space<vmem>>
      tpu.enqueue_dma source(%dma_start3A_80 : memref<32x576xf32, #tpu.memory_space<vmem>>) target(%dma_start3A_76 : memref<32x576xf32, #tpu.memory_space<hbm>>) target_semaphore(%arg8 : memref<!tpu.dma_semaphore, #tpu.memory_space<semaphore_mem>>)
    }
    %scan3A_40 = arith.constant 32 : i32
    %dma_wait3A = arith.constant 1 : i32
    %dma_wait3A_41 = arith.constant 0 : i32
    %dma_wait3A_42 = arith.constant 0 : i32
    %dma_wait3A_43 = tpu.memref_slice %arg7[%dma_wait3A, %dma_wait3A_41, %dma_wait3A_42] : memref<2x32x576xf32, #tpu.memory_space<vmem>> -> memref<1x32x576xf32, #tpu.memory_space<vmem>>
    %dma_wait3A_44 = tpu.memref_squeeze %dma_wait3A_43 : memref<1x32x576xf32, #tpu.memory_space<vmem>> -> memref<32x576xf32, #tpu.memory_space<vmem>>
    %dma_wait3A_45 = arith.constant 992 : i32
    %dma_wait3A_46 = arith.constant 0 : i32
    %dma_wait3A_47 = tpu.memref_slice %arg4[%add3A, %dma_wait3A_45, %dma_wait3A_46] : memref<32x1024x576xf32, #tpu.memory_space<hbm>> -> memref<1x32x576xf32, #tpu.memory_space<hbm>>
    %dma_wait3A_48 = tpu.memref_squeeze %dma_wait3A_47 : memref<1x32x576xf32, #tpu.memory_space<hbm>> -> memref<32x576xf32, #tpu.memory_space<hbm>>
    %dma_wait3A_49 = arith.constant 992 : i32
    %dma_wait3A_50 = arith.constant 0 : i32
    %dma_wait3A_51 = tpu.memref_slice %arg4[%add3A, %dma_wait3A_49, %dma_wait3A_50] : memref<32x1024x576xf32, #tpu.memory_space<hbm>> -> memref<1x32x576xf32, #tpu.memory_space<hbm>>
    %dma_wait3A_52 = tpu.memref_squeeze %dma_wait3A_51 : memref<1x32x576xf32, #tpu.memory_space<hbm>> -> memref<32x576xf32, #tpu.memory_space<hbm>>
    %dma_wait3A_53 = arith.constant 0 : i32
    %dma_wait3A_54 = arith.constant 0 : i32
    %dma_wait3A_55 = tpu.memref_slice %arg7[%dma_wait3A, %dma_wait3A_53, %dma_wait3A_54] : memref<2x32x576xf32, #tpu.memory_space<vmem>> -> memref<1x32x576xf32, #tpu.memory_space<vmem>>
    %dma_wait3A_56 = tpu.memref_squeeze %dma_wait3A_55 : memref<1x32x576xf32, #tpu.memory_space<vmem>> -> memref<32x576xf32, #tpu.memory_space<vmem>>
    tpu.wait_dma2 semaphore(%arg8 : memref<!tpu.dma_semaphore, #tpu.memory_space<semaphore_mem>>) src(%dma_wait3A_56 : memref<32x576xf32, #tpu.memory_space<vmem>>) dst(%dma_wait3A_52 : memref<32x576xf32, #tpu.memory_space<hbm>>)
    return
  }
}

module attributes {stable_mosaic.version = 14 : i64} {
  func.func @_commit_body(%arg0: i32, %arg1: memref<1x1024x576xf32, #tpu.memory_space<vmem>>, %arg2: memref<1x1024x576xf32, #tpu.memory_space<vmem>>, %arg3: memref<1x1xf32, #tpu.memory_space<smem>>, %arg4: memref<1x1xf32, #tpu.memory_space<smem>>, %arg5: memref<1x1xf32, #tpu.memory_space<smem>>) attributes {dimension_semantics = [#tpu.dimension_semantics<arbitrary>], iteration_bounds = array<i64: 32>, scalar_prefetch = 0 : i64, scratch_operands = 1 : i64, tpu.core_type = #tpu.core_type<tc>, window_params = [{transform_indices = @transform_0, window_bounds = array<i64: 1, 1024, 576>}, {transform_indices = @transform_1, window_bounds = array<i64: 1, 1024, 576>}, {transform_indices = @transform_2, window_bounds = array<i64: 1, 1>}, {transform_indices = @transform_3, window_bounds = array<i64: 1, 1>}]} {
    %eq3A = arith.constant 0 : i32
    %eq3A_0 = arith.cmpi eq, %arg0, %eq3A : i32
    %convert_element_type3A = arith.extui %eq3A_0 : i1 to i32
    %cond3A = arith.constant 0 : i32
    %cond3A_1 = arith.cmpi ne, %convert_element_type3A, %cond3A : i32
    scf.if %cond3A_1 {
      %swap3A_23 = arith.constant 0.000000e+00 : f32
      %swap3A_24 = arith.constant 0 : index
      %swap3A_25 = arith.constant 0 : index
      %swap3A_26 = memref.load %arg5[%swap3A_24, %swap3A_25] : memref<1x1xf32, #tpu.memory_space<smem>>
      memref.store %swap3A_23, %arg5[%swap3A_24, %swap3A_25] : memref<1x1xf32, #tpu.memory_space<smem>>
    } else {
    }
    %get3A = arith.constant 0 : index
    %get3A_2 = arith.constant 0 : index
    %get3A_3 = arith.constant 0 : index
    %get3A_4 = vector.load %arg1[%get3A, %get3A_2, %get3A_3] : memref<1x1024x576xf32, #tpu.memory_space<vmem>>, vector<1x1024x576xf32>
    %get3A_5 = arith.constant 0 : index
    %get3A_6 = arith.constant 0 : index
    %get3A_7 = arith.constant 0 : index
    %get3A_8 = vector.load %arg2[%get3A_5, %get3A_6, %get3A_7] : memref<1x1024x576xf32, #tpu.memory_space<vmem>>, vector<1x1024x576xf32>
    %sub3A = arith.subf %get3A_4, %get3A_8 : vector<1x1024x576xf32>
    %get3A_9 = arith.constant 0 : index
    %get3A_10 = arith.constant 0 : index
    %get3A_11 = memref.load %arg5[%get3A_9, %get3A_10] : memref<1x1xf32, #tpu.memory_space<smem>>
    %mul3A = arith.mulf %sub3A, %sub3A : vector<1x1024x576xf32>
    %reduce_sum3A = vector.shape_cast %mul3A : vector<1x1024x576xf32> to vector<1x1x1024x576xf32>
    %reduce_sum3A_12 = arith.constant dense<0.000000e+00> : vector<1xf32>
    %reduce_sum3A_13 = vector.multi_reduction <add>, %reduce_sum3A, %reduce_sum3A_12 [1, 2, 3] : vector<1x1x1024x576xf32> to vector<1xf32>
    %reduce_sum3A_14 = vector.shape_cast %reduce_sum3A_13 : vector<1xf32> to vector<1x1x1x1xf32>
    %reduce_sum3A_15 = vector.extract %reduce_sum3A_14[0, 0, 0, 0] : f32 from vector<1x1x1x1xf32>
    %add3A = arith.addf %get3A_11, %reduce_sum3A_15 : f32
    %swap3A = arith.constant 0 : index
    %swap3A_16 = arith.constant 0 : index
    %swap3A_17 = memref.load %arg5[%swap3A, %swap3A_16] : memref<1x1xf32, #tpu.memory_space<smem>>
    memref.store %add3A, %arg5[%swap3A, %swap3A_16] : memref<1x1xf32, #tpu.memory_space<smem>>
    %eq3A_18 = arith.constant 31 : i32
    %eq3A_19 = arith.cmpi eq, %arg0, %eq3A_18 : i32
    %convert_element_type3A_20 = arith.extui %eq3A_19 : i1 to i32
    %cond3A_21 = arith.constant 0 : i32
    %cond3A_22 = arith.cmpi ne, %convert_element_type3A_20, %cond3A_21 : i32
    scf.if %cond3A_22 {
      %get3A_23 = arith.constant 0 : index
      %get3A_24 = arith.constant 0 : index
      %get3A_25 = memref.load %arg5[%get3A_23, %get3A_24] : memref<1x1xf32, #tpu.memory_space<smem>>
      %div3A = arith.constant 0x4B900000 : f32
      %div3A_26 = arith.divf %get3A_25, %div3A : f32
      %swap3A_27 = arith.constant 0 : index
      %swap3A_28 = arith.constant 0 : index
      %swap3A_29 = memref.load %arg3[%swap3A_27, %swap3A_28] : memref<1x1xf32, #tpu.memory_space<smem>>
      memref.store %div3A_26, %arg3[%swap3A_27, %swap3A_28] : memref<1x1xf32, #tpu.memory_space<smem>>
      %mul3A_30 = arith.constant 2.500000e-01 : f32
      %mul3A_31 = arith.mulf %mul3A_30, %div3A_26 : f32
      %swap3A_32 = arith.constant 0 : index
      %swap3A_33 = arith.constant 0 : index
      %swap3A_34 = memref.load %arg4[%swap3A_32, %swap3A_33] : memref<1x1xf32, #tpu.memory_space<smem>>
      memref.store %mul3A_31, %arg4[%swap3A_32, %swap3A_33] : memref<1x1xf32, #tpu.memory_space<smem>>
    } else {
    }
    return
  }
  func.func @transform_0(%arg0: i32) -> (i32, i32, i32) {
    %c0_i32 = arith.constant 0 : i32
    %c0_i32_0 = arith.constant 0 : i32
    %c0_i32_1 = arith.constant 0 : i32
    return %arg0, %c0_i32, %c0_i32_0 : i32, i32, i32
  }
  func.func @transform_1(%arg0: i32) -> (i32, i32, i32) {
    %c0_i32 = arith.constant 0 : i32
    %c0_i32_0 = arith.constant 0 : i32
    %c0_i32_1 = arith.constant 0 : i32
    return %arg0, %c0_i32, %c0_i32_0 : i32, i32, i32
  }
  func.func @transform_2(%arg0: i32) -> (i32, i32) {
    %c0_i32 = arith.constant 0 : i32
    %c0_i32_0 = arith.constant 0 : i32
    %c0_i32_1 = arith.constant 0 : i32
    return %c0_i32, %c0_i32_0 : i32, i32
  }
  func.func @transform_3(%arg0: i32) -> (i32, i32) {
    %c0_i32 = arith.constant 0 : i32
    %c0_i32_0 = arith.constant 0 : i32
    %c0_i32_1 = arith.constant 0 : i32
    return %c0_i32, %c0_i32_0 : i32, i32
  }
}

module attributes {stable_mosaic.version = 14 : i64} {
  func.func @_argmin_body(%arg0: i32, %arg1: memref<1024x1024xf32, #tpu.memory_space<vmem>>, %arg2: memref<4x256x1024xf32, #tpu.memory_space<vmem>>, %arg3: memref<8x1024xi32, #tpu.memory_space<vmem>>, %arg4: memref<4x1024xf32, #tpu.memory_space<vmem>>) attributes {dimension_semantics = [#tpu.dimension_semantics<arbitrary>], iteration_bounds = array<i64: 18>, scalar_prefetch = 0 : i64, scratch_operands = 1 : i64, tpu.core_type = #tpu.core_type<tc>, window_params = [{transform_indices = @transform_0, window_bounds = array<i64: 1024, 1024>}, {pipeline_mode = #tpu.pipeline_mode<synchronous>, transform_indices = @transform_1, window_bounds = array<i64: 4, 256, 1024>}, {transform_indices = @transform_2, window_bounds = array<i64: 8, 1024>}]} {
    %eq3A = arith.constant 0 : i32
    %eq3A_0 = arith.cmpi eq, %arg0, %eq3A : i32
    %convert_element_type3A = arith.extui %eq3A_0 : i1 to i32
    %cond3A = arith.constant 0 : i32
    %cond3A_1 = arith.cmpi ne, %convert_element_type3A, %cond3A : i32
    scf.if %cond3A_1 {
      %get3A_166 = arith.constant 0 : index
      %get3A_167 = arith.constant 0 : index
      %get3A_168 = arith.constant 0 : index
      %get3A_169 = vector.load %arg2[%get3A_166, %get3A_167, %get3A_168] : memref<4x256x1024xf32, #tpu.memory_space<vmem>>, vector<4x256x1024xf32>
      %get3A_170 = arith.constant 0 : index
      %get3A_171 = arith.constant 0 : index
      %get3A_172 = arith.constant 0 : index
      %get3A_173 = vector.load %arg2[%get3A_170, %get3A_171, %get3A_172] : memref<4x256x1024xf32, #tpu.memory_space<vmem>>, vector<4x256x1024xf32>
      %mul3A_174 = arith.mulf %get3A_169, %get3A_173 : vector<4x256x1024xf32>
      %reduce_sum3A_175 = arith.constant dense<0.000000e+00> : vector<4x1024xf32>
      %reduce_sum3A_176 = vector.multi_reduction <add>, %mul3A_174, %reduce_sum3A_175 [1] : vector<4x256x1024xf32> to vector<4x1024xf32>
      %swap3A_177 = arith.constant 0 : index
      %swap3A_178 = arith.constant 0 : index
      %swap3A_179 = vector.load %arg4[%swap3A_177, %swap3A_178] : memref<4x1024xf32, #tpu.memory_space<vmem>>, vector<4x1024xf32>
      tpu.vector_store %arg4[%swap3A_177, %swap3A_178], %reduce_sum3A_176 {strides = array<i32>} : memref<4x1024xf32, #tpu.memory_space<vmem>>, vector<4x1024xf32>,
    } else {
    }
    %get3A = arith.constant 0 : index
    %get3A_2 = arith.constant 0 : index
    %get3A_3 = vector.load %arg1[%get3A, %get3A_2] : memref<1024x1024xf32, #tpu.memory_space<vmem>>, vector<1024x256xf32>
    %get3A_4 = arith.constant 0 : index
    %get3A_5 = arith.constant 0 : index
    %get3A_6 = arith.constant 0 : index
    %get3A_7 = vector.load %arg2[%get3A_4, %get3A_5, %get3A_6] : memref<4x256x1024xf32, #tpu.memory_space<vmem>>, vector<1x256x1024xf32>
    %get3A_8 = vector.shape_cast %get3A_7 : vector<1x256x1024xf32> to vector<256x1024xf32>
    %get3A_9 = arith.constant 0 : index
    %get3A_10 = arith.constant 0 : index
    %get3A_11 = vector.load %arg4[%get3A_9, %get3A_10] : memref<4x1024xf32, #tpu.memory_space<vmem>>, vector<1x1024xf32>
    %get3A_12 = vector.shape_cast %get3A_11 : vector<1x1024xf32> to vector<1024xf32>
    %mul3A = arith.mulf %get3A_3, %get3A_3 : vector<1024x256xf32>
    %reduce_sum3A = arith.constant dense<0.000000e+00> : vector<1024xf32>
    %reduce_sum3A_13 = vector.multi_reduction <add>, %mul3A, %reduce_sum3A [1] : vector<1024x256xf32> to vector<1024xf32>
    %dot_general3A = arith.constant dense<0.000000e+00> : vector<1024x1024xf32>
    %dot_general3A_14 = tpu.matmul %get3A_3, %get3A_8, %dot_general3A {dimension_numbers = #tpu.dot_dimension_numbers<[1], [0], [0], [1], [0, 0, 1, 1], [], []>, transpose_lhs_hint = false} : vector<1024x256xf32>, vector<256x1024xf32>, vector<1024x1024xf32> -> vector<1024x1024xf32>
    %broadcast_in_dim3A = vector.shape_cast %reduce_sum3A_13 : vector<1024xf32> to vector<1024x1xf32>
    %broadcast_in_dim3A_15 = vector.shape_cast %get3A_12 : vector<1024xf32> to vector<1x1024xf32>
    %add3A = vector.broadcast %broadcast_in_dim3A : vector<1024x1xf32> to vector<1024x1024xf32>
    %add3A_16 = vector.broadcast %broadcast_in_dim3A_15 : vector<1x1024xf32> to vector<1024x1024xf32>
    %add3A_17 = arith.addf %add3A, %add3A_16 : vector<1024x1024xf32>
    %mul3A_18 = arith.constant 2.000000e+00 : f32
    %mul3A_19 = vector.broadcast %mul3A_18 : f32 to vector<1024x1024xf32>
    %mul3A_20 = arith.mulf %mul3A_19, %dot_general3A_14 : vector<1024x1024xf32>
    %sub3A = arith.subf %add3A_17, %mul3A_20 : vector<1024x1024xf32>
    %reduce_min3A = arith.constant dense<0x7F800000> : vector<1024xf32>
    %reduce_min3A_21 = vector.multi_reduction <minimumf>, %sub3A, %reduce_min3A [1] : vector<1024x1024xf32> to vector<1024xf32>
    %broadcast_in_dim3A_22 = vector.shape_cast %reduce_min3A_21 : vector<1024xf32> to vector<1024x1xf32>
    %iota3A = tpu.iota {dimensions = array<i32: 1>} : vector<1024x1024xi32>
    %convert_element_type3A_23 = arith.sitofp %iota3A : vector<1024x1024xi32> to vector<1024x1024xf32>
    %eq3A_24 = vector.broadcast %broadcast_in_dim3A_22 : vector<1024x1xf32> to vector<1024x1024xf32>
    %eq3A_25 = arith.cmpf oeq, %sub3A, %eq3A_24 : vector<1024x1024xf32>
    %jit3A = arith.constant 1.024000e+03 : f32
    %broadcast_in_dim3A_26 = vector.broadcast %jit3A : f32 to vector<1024x1024xf32>
    %select_n3A = arith.select %eq3A_25, %convert_element_type3A_23, %broadcast_in_dim3A_26 : vector<1024x1024xi1>, vector<1024x1024xf32>
    %reduce_min3A_27 = arith.constant dense<0x7F800000> : vector<1024xf32>
    %reduce_min3A_28 = vector.multi_reduction <minimumf>, %select_n3A, %reduce_min3A_27 [1] : vector<1024x1024xf32> to vector<1024xf32>
    %convert_element_type3A_29 = arith.fptosi %reduce_min3A_28 : vector<1024xf32> to vector<1024xi32>
    %swap3A = arith.constant 0 : index
    %swap3A_30 = arith.constant 0 : index
    %swap3A_31 = vector.load %arg3[%swap3A, %swap3A_30] : memref<8x1024xi32, #tpu.memory_space<vmem>>, vector<1x1024xi32>
    %swap3A_32 = vector.shape_cast %swap3A_31 : vector<1x1024xi32> to vector<1024xi32>
    %swap3A_33 = vector.shape_cast %convert_element_type3A_29 : vector<1024xi32> to vector<1x1024xi32>
    tpu.vector_store %arg3[%swap3A, %swap3A_30], %swap3A_33 {strides = array<i32>} : memref<8x1024xi32, #tpu.memory_space<vmem>>, vector<1x1024xi32>,
    %get3A_34 = arith.constant 0 : index
    %get3A_35 = arith.constant 256 : index
    %get3A_36 = vector.load %arg1[%get3A_34, %get3A_35] : memref<1024x1024xf32, #tpu.memory_space<vmem>>, vector<1024x256xf32>
    %get3A_37 = arith.constant 1 : index
    %get3A_38 = arith.constant 0 : index
    %get3A_39 = arith.constant 0 : index
    %get3A_40 = vector.load %arg2[%get3A_37, %get3A_38, %get3A_39] : memref<4x256x1024xf32, #tpu.memory_space<vmem>>, vector<1x256x1024xf32>
    %get3A_41 = vector.shape_cast %get3A_40 : vector<1x256x1024xf32> to vector<256x1024xf32>
    %get3A_42 = arith.constant 1 : index
    %get3A_43 = arith.constant 0 : index
    %get3A_44 = vector.load %arg4[%get3A_42, %get3A_43] : memref<4x1024xf32, #tpu.memory_space<vmem>>, vector<1x1024xf32>
    %get3A_45 = vector.shape_cast %get3A_44 : vector<1x1024xf32> to vector<1024xf32>
    %mul3A_46 = arith.mulf %get3A_36, %get3A_36 : vector<1024x256xf32>
    %reduce_sum3A_47 = arith.constant dense<0.000000e+00> : vector<1024xf32>
    %reduce_sum3A_48 = vector.multi_reduction <add>, %mul3A_46, %reduce_sum3A_47 [1] : vector<1024x256xf32> to vector<1024xf32>
    %dot_general3A_49 = arith.constant dense<0.000000e+00> : vector<1024x1024xf32>
    %dot_general3A_50 = tpu.matmul %get3A_36, %get3A_41, %dot_general3A_49 {dimension_numbers = #tpu.dot_dimension_numbers<[1], [0], [0], [1], [0, 0, 1, 1], [], []>, transpose_lhs_hint = false} : vector<1024x256xf32>, vector<256x1024xf32>, vector<1024x1024xf32> -> vector<1024x1024xf32>
    %broadcast_in_dim3A_51 = vector.shape_cast %reduce_sum3A_48 : vector<1024xf32> to vector<1024x1xf32>
    %broadcast_in_dim3A_52 = vector.shape_cast %get3A_45 : vector<1024xf32> to vector<1x1024xf32>
    %add3A_53 = vector.broadcast %broadcast_in_dim3A_51 : vector<1024x1xf32> to vector<1024x1024xf32>
    %add3A_54 = vector.broadcast %broadcast_in_dim3A_52 : vector<1x1024xf32> to vector<1024x1024xf32>
    %add3A_55 = arith.addf %add3A_53, %add3A_54 : vector<1024x1024xf32>
    %mul3A_56 = arith.constant 2.000000e+00 : f32
    %mul3A_57 = vector.broadcast %mul3A_56 : f32 to vector<1024x1024xf32>
    %mul3A_58 = arith.mulf %mul3A_57, %dot_general3A_50 : vector<1024x1024xf32>
    %sub3A_59 = arith.subf %add3A_55, %mul3A_58 : vector<1024x1024xf32>
    %reduce_min3A_60 = arith.constant dense<0x7F800000> : vector<1024xf32>
    %reduce_min3A_61 = vector.multi_reduction <minimumf>, %sub3A_59, %reduce_min3A_60 [1] : vector<1024x1024xf32> to vector<1024xf32>
    %broadcast_in_dim3A_62 = vector.shape_cast %reduce_min3A_61 : vector<1024xf32> to vector<1024x1xf32>
    %iota3A_63 = tpu.iota {dimensions = array<i32: 1>} : vector<1024x1024xi32>
    %convert_element_type3A_64 = arith.sitofp %iota3A_63 : vector<1024x1024xi32> to vector<1024x1024xf32>
    %eq3A_65 = vector.broadcast %broadcast_in_dim3A_62 : vector<1024x1xf32> to vector<1024x1024xf32>
    %eq3A_66 = arith.cmpf oeq, %sub3A_59, %eq3A_65 : vector<1024x1024xf32>
    %jit3A_67 = arith.constant 1.024000e+03 : f32
    %broadcast_in_dim3A_68 = vector.broadcast %jit3A_67 : f32 to vector<1024x1024xf32>
    %select_n3A_69 = arith.select %eq3A_66, %convert_element_type3A_64, %broadcast_in_dim3A_68 : vector<1024x1024xi1>, vector<1024x1024xf32>
    %reduce_min3A_70 = arith.constant dense<0x7F800000> : vector<1024xf32>
    %reduce_min3A_71 = vector.multi_reduction <minimumf>, %select_n3A_69, %reduce_min3A_70 [1] : vector<1024x1024xf32> to vector<1024xf32>
    %convert_element_type3A_72 = arith.fptosi %reduce_min3A_71 : vector<1024xf32> to vector<1024xi32>
    %swap3A_73 = arith.constant 1 : index
    %swap3A_74 = arith.constant 0 : index
    %swap3A_75 = vector.load %arg3[%swap3A_73, %swap3A_74] : memref<8x1024xi32, #tpu.memory_space<vmem>>, vector<1x1024xi32>
    %swap3A_76 = vector.shape_cast %swap3A_75 : vector<1x1024xi32> to vector<1024xi32>
    %swap3A_77 = vector.shape_cast %convert_element_type3A_72 : vector<1024xi32> to vector<1x1024xi32>
    tpu.vector_store %arg3[%swap3A_73, %swap3A_74], %swap3A_77 {strides = array<i32>} : memref<8x1024xi32, #tpu.memory_space<vmem>>, vector<1x1024xi32>,
    %get3A_78 = arith.constant 0 : index
    %get3A_79 = arith.constant 512 : index
    %get3A_80 = vector.load %arg1[%get3A_78, %get3A_79] : memref<1024x1024xf32, #tpu.memory_space<vmem>>, vector<1024x256xf32>
    %get3A_81 = arith.constant 2 : index
    %get3A_82 = arith.constant 0 : index
    %get3A_83 = arith.constant 0 : index
    %get3A_84 = vector.load %arg2[%get3A_81, %get3A_82, %get3A_83] : memref<4x256x1024xf32, #tpu.memory_space<vmem>>, vector<1x256x1024xf32>
    %get3A_85 = vector.shape_cast %get3A_84 : vector<1x256x1024xf32> to vector<256x1024xf32>
    %get3A_86 = arith.constant 2 : index
    %get3A_87 = arith.constant 0 : index
    %get3A_88 = vector.load %arg4[%get3A_86, %get3A_87] : memref<4x1024xf32, #tpu.memory_space<vmem>>, vector<1x1024xf32>
    %get3A_89 = vector.shape_cast %get3A_88 : vector<1x1024xf32> to vector<1024xf32>
    %mul3A_90 = arith.mulf %get3A_80, %get3A_80 : vector<1024x256xf32>
    %reduce_sum3A_91 = arith.constant dense<0.000000e+00> : vector<1024xf32>
    %reduce_sum3A_92 = vector.multi_reduction <add>, %mul3A_90, %reduce_sum3A_91 [1] : vector<1024x256xf32> to vector<1024xf32>
    %dot_general3A_93 = arith.constant dense<0.000000e+00> : vector<1024x1024xf32>
    %dot_general3A_94 = tpu.matmul %get3A_80, %get3A_85, %dot_general3A_93 {dimension_numbers = #tpu.dot_dimension_numbers<[1], [0], [0], [1], [0, 0, 1, 1], [], []>, transpose_lhs_hint = false} : vector<1024x256xf32>, vector<256x1024xf32>, vector<1024x1024xf32> -> vector<1024x1024xf32>
    %broadcast_in_dim3A_95 = vector.shape_cast %reduce_sum3A_92 : vector<1024xf32> to vector<1024x1xf32>
    %broadcast_in_dim3A_96 = vector.shape_cast %get3A_89 : vector<1024xf32> to vector<1x1024xf32>
    %add3A_97 = vector.broadcast %broadcast_in_dim3A_95 : vector<1024x1xf32> to vector<1024x1024xf32>
    %add3A_98 = vector.broadcast %broadcast_in_dim3A_96 : vector<1x1024xf32> to vector<1024x1024xf32>
    %add3A_99 = arith.addf %add3A_97, %add3A_98 : vector<1024x1024xf32>
    %mul3A_100 = arith.constant 2.000000e+00 : f32
    %mul3A_101 = vector.broadcast %mul3A_100 : f32 to vector<1024x1024xf32>
    %mul3A_102 = arith.mulf %mul3A_101, %dot_general3A_94 : vector<1024x1024xf32>
    %sub3A_103 = arith.subf %add3A_99, %mul3A_102 : vector<1024x1024xf32>
    %reduce_min3A_104 = arith.constant dense<0x7F800000> : vector<1024xf32>
    %reduce_min3A_105 = vector.multi_reduction <minimumf>, %sub3A_103, %reduce_min3A_104 [1] : vector<1024x1024xf32> to vector<1024xf32>
    %broadcast_in_dim3A_106 = vector.shape_cast %reduce_min3A_105 : vector<1024xf32> to vector<1024x1xf32>
    %iota3A_107 = tpu.iota {dimensions = array<i32: 1>} : vector<1024x1024xi32>
    %convert_element_type3A_108 = arith.sitofp %iota3A_107 : vector<1024x1024xi32> to vector<1024x1024xf32>
    %eq3A_109 = vector.broadcast %broadcast_in_dim3A_106 : vector<1024x1xf32> to vector<1024x1024xf32>
    %eq3A_110 = arith.cmpf oeq, %sub3A_103, %eq3A_109 : vector<1024x1024xf32>
    %jit3A_111 = arith.constant 1.024000e+03 : f32
    %broadcast_in_dim3A_112 = vector.broadcast %jit3A_111 : f32 to vector<1024x1024xf32>
    %select_n3A_113 = arith.select %eq3A_110, %convert_element_type3A_108, %broadcast_in_dim3A_112 : vector<1024x1024xi1>, vector<1024x1024xf32>
    %reduce_min3A_114 = arith.constant dense<0x7F800000> : vector<1024xf32>
    %reduce_min3A_115 = vector.multi_reduction <minimumf>, %select_n3A_113, %reduce_min3A_114 [1] : vector<1024x1024xf32> to vector<1024xf32>
    %convert_element_type3A_116 = arith.fptosi %reduce_min3A_115 : vector<1024xf32> to vector<1024xi32>
    %swap3A_117 = arith.constant 2 : index
    %swap3A_118 = arith.constant 0 : index
    %swap3A_119 = vector.load %arg3[%swap3A_117, %swap3A_118] : memref<8x1024xi32, #tpu.memory_space<vmem>>, vector<1x1024xi32>
    %swap3A_120 = vector.shape_cast %swap3A_119 : vector<1x1024xi32> to vector<1024xi32>
    %swap3A_121 = vector.shape_cast %convert_element_type3A_116 : vector<1024xi32> to vector<1x1024xi32>
    tpu.vector_store %arg3[%swap3A_117, %swap3A_118], %swap3A_121 {strides = array<i32>} : memref<8x1024xi32, #tpu.memory_space<vmem>>, vector<1x1024xi32>,
    %get3A_122 = arith.constant 0 : index
    %get3A_123 = arith.constant 768 : index
    %get3A_124 = vector.load %arg1[%get3A_122, %get3A_123] : memref<1024x1024xf32, #tpu.memory_space<vmem>>, vector<1024x256xf32>
    %get3A_125 = arith.constant 3 : index
    %get3A_126 = arith.constant 0 : index
    %get3A_127 = arith.constant 0 : index
    %get3A_128 = vector.load %arg2[%get3A_125, %get3A_126, %get3A_127] : memref<4x256x1024xf32, #tpu.memory_space<vmem>>, vector<1x256x1024xf32>
    %get3A_129 = vector.shape_cast %get3A_128 : vector<1x256x1024xf32> to vector<256x1024xf32>
    %get3A_130 = arith.constant 3 : index
    %get3A_131 = arith.constant 0 : index
    %get3A_132 = vector.load %arg4[%get3A_130, %get3A_131] : memref<4x1024xf32, #tpu.memory_space<vmem>>, vector<1x1024xf32>
    %get3A_133 = vector.shape_cast %get3A_132 : vector<1x1024xf32> to vector<1024xf32>
    %mul3A_134 = arith.mulf %get3A_124, %get3A_124 : vector<1024x256xf32>
    %reduce_sum3A_135 = arith.constant dense<0.000000e+00> : vector<1024xf32>
    %reduce_sum3A_136 = vector.multi_reduction <add>, %mul3A_134, %reduce_sum3A_135 [1] : vector<1024x256xf32> to vector<1024xf32>
    %dot_general3A_137 = arith.constant dense<0.000000e+00> : vector<1024x1024xf32>
    %dot_general3A_138 = tpu.matmul %get3A_124, %get3A_129, %dot_general3A_137 {dimension_numbers = #tpu.dot_dimension_numbers<[1], [0], [0], [1], [0, 0, 1, 1], [], []>, transpose_lhs_hint = false} : vector<1024x256xf32>, vector<256x1024xf32>, vector<1024x1024xf32> -> vector<1024x1024xf32>
    %broadcast_in_dim3A_139 = vector.shape_cast %reduce_sum3A_136 : vector<1024xf32> to vector<1024x1xf32>
    %broadcast_in_dim3A_140 = vector.shape_cast %get3A_133 : vector<1024xf32> to vector<1x1024xf32>
    %add3A_141 = vector.broadcast %broadcast_in_dim3A_139 : vector<1024x1xf32> to vector<1024x1024xf32>
    %add3A_142 = vector.broadcast %broadcast_in_dim3A_140 : vector<1x1024xf32> to vector<1024x1024xf32>
    %add3A_143 = arith.addf %add3A_141, %add3A_142 : vector<1024x1024xf32>
    %mul3A_144 = arith.constant 2.000000e+00 : f32
    %mul3A_145 = vector.broadcast %mul3A_144 : f32 to vector<1024x1024xf32>
    %mul3A_146 = arith.mulf %mul3A_145, %dot_general3A_138 : vector<1024x1024xf32>
    %sub3A_147 = arith.subf %add3A_143, %mul3A_146 : vector<1024x1024xf32>
    %reduce_min3A_148 = arith.constant dense<0x7F800000> : vector<1024xf32>
    %reduce_min3A_149 = vector.multi_reduction <minimumf>, %sub3A_147, %reduce_min3A_148 [1] : vector<1024x1024xf32> to vector<1024xf32>
    %broadcast_in_dim3A_150 = vector.shape_cast %reduce_min3A_149 : vector<1024xf32> to vector<1024x1xf32>
    %iota3A_151 = tpu.iota {dimensions = array<i32: 1>} : vector<1024x1024xi32>
    %convert_element_type3A_152 = arith.sitofp %iota3A_151 : vector<1024x1024xi32> to vector<1024x1024xf32>
    %eq3A_153 = vector.broadcast %broadcast_in_dim3A_150 : vector<1024x1xf32> to vector<1024x1024xf32>
    %eq3A_154 = arith.cmpf oeq, %sub3A_147, %eq3A_153 : vector<1024x1024xf32>
    %jit3A_155 = arith.constant 1.024000e+03 : f32
    %broadcast_in_dim3A_156 = vector.broadcast %jit3A_155 : f32 to vector<1024x1024xf32>
    %select_n3A_157 = arith.select %eq3A_154, %convert_element_type3A_152, %broadcast_in_dim3A_156 : vector<1024x1024xi1>, vector<1024x1024xf32>
    %reduce_min3A_158 = arith.constant dense<0x7F800000> : vector<1024xf32>
    %reduce_min3A_159 = vector.multi_reduction <minimumf>, %select_n3A_157, %reduce_min3A_158 [1] : vector<1024x1024xf32> to vector<1024xf32>
    %convert_element_type3A_160 = arith.fptosi %reduce_min3A_159 : vector<1024xf32> to vector<1024xi32>
    %swap3A_161 = arith.constant 3 : index
    %swap3A_162 = arith.constant 0 : index
    %swap3A_163 = vector.load %arg3[%swap3A_161, %swap3A_162] : memref<8x1024xi32, #tpu.memory_space<vmem>>, vector<1x1024xi32>
    %swap3A_164 = vector.shape_cast %swap3A_163 : vector<1x1024xi32> to vector<1024xi32>
    %swap3A_165 = vector.shape_cast %convert_element_type3A_160 : vector<1024xi32> to vector<1x1024xi32>
    tpu.vector_store %arg3[%swap3A_161, %swap3A_162], %swap3A_165 {strides = array<i32>} : memref<8x1024xi32, #tpu.memory_space<vmem>>, vector<1x1024xi32>,
    return
  }
  func.func @transform_0(%arg0: i32) -> (i32, i32) {
    %c0_i32 = arith.constant 0 : i32
    %c0_i32_0 = arith.constant 0 : i32
    return %arg0, %c0_i32 : i32, i32
  }
  func.func @transform_1(%arg0: i32) -> (i32, i32, i32) {
    %c0_i32 = arith.constant 0 : i32
    %c0_i32_0 = arith.constant 0 : i32
    %c0_i32_1 = arith.constant 0 : i32
    %c0_i32_2 = arith.constant 0 : i32
    return %c0_i32, %c0_i32_0, %c0_i32_1 : i32, i32, i32
  }
  func.func @transform_2(%arg0: i32) -> (i32, i32) {
    %c0_i32 = arith.constant 0 : i32
    %c0_i32_0 = arith.constant 0 : i32
    return %c0_i32, %arg0 : i32, i32
  }
}

</mosaic_0001>

<sc_bundles>
// kernel: kernel.5.cloned.1.call-start
scs
__scs_entry_jumppad:
0x0: {  	(pc) =	sbr.rel $0x88, $3  }
0x1: {  	(tag) =	ssettag $0x0;
	lr =	simm.s32 $0x1  }
0x2: {  	[smem:$0x3F9F] =	sst lr;
	_ =	strace $0xD0000000  }
0x3: {  	_ = 	snop  }
0x4: {  	_ = 	snop  }
0x5: {  	_ = 	snop  }
0x6: {  	_ = 	snop  }
0x7: {  	_ = 	snop  }
__scs_overlays_trampoline_lowered:
0x8: {  	[smem:$0x3FAE] =	sst s0  }
0x9: {  	[smem:$0x3FAF] =	sst s1  }
0xa: {  	[smem:$0x3FB0] =	sst s2  }
0xb: {  	[smem:$0x3FB1] =	sst s3  }
0xc: {  	[smem:$0x3FB2] =	sst s4  }
0xd: {  	[smem:$0x3FB3] =	sst s5  }
0xe: {  	[smem:$0x3FB4] =	sst s6  }
0xf: {  	[smem:$0x3FB5] =	sst s7  }
0x10: {  	[smem:$0x3FB6] =	sst s8  }
0x11: {  	[smem:$0x3FB7] =	sst s9;
	s0 =	simm.s32 @!p0 $0x0  }
0x12: {  	s1 =	sld [smem:$0x3F9D];
	s0 =	simm.s32 @p0 $0x1  }
0x13: {  	[smem:$0x3FB8] =	sst s0;
	s0 =	simm.s32 @!p1 $0x0  }
0x14: {  	s2 =	sld [smem:$0x3F9C];
	s0 =	simm.s32 @p1 $0x1  }
0x15: {  	[smem:$0x3FB9] =	sst s0;
	s0 =	simm.s32 @!p2 $0x0  }
0x16: {  	s3 =	sld [smem:$0x3FDB];
	s0 =	simm.s32 @p2 $0x1  }
0x17: {  	s4 =	simm.s32 $0x1BF5;
	[smem:$0x3FBB] =	sst s0  }
0x18: {  	s0 =	sld [smem:$0x3F9E];
	_ =	swait.ge [sflag:s4], $0x0  }
0x19: {  	s7 =	sld [smem:$0x3F9F]  }
0x1a: {  	s8 =	sadd.s32 $0xFFFFE003, lr  }
0x1b: {  	s9 =	sadd.s32 $0xFFFFFEF7, lr;
	s5 =	simm.s32 $0xFFFFFFFF;
	p2 =	slt.u32 s8, $0xFFFFF086  }
0x1c: {  	p1 =	slt.u32 s9, $0xF7A;
	s5 =	simm.s32 @!p2 $0x0  }
0x1d: {  	s5 =	simm.s32 @p1 $0x1;
	p0 =	seq.s32 s7, s2  }
0x1e: {  	s7 =	smul.u32 @!p0 $0xF7A, s2;
	p2 =	seq.s32 @!p0 s5, $0x0  }
0x1f: {  	s9 =	smul.u32 $0xF7A, s1;
	s8 =	simm.s32 @!p0 $0x1BF5;
	p2 =	por !p2, p0  }
0x20: {  	[sflag:s8] =	ssyncset.s32 @!p0 $0xFFFFF086;
	s6 =	sadd.s32 @!p0 s3, s7;
	s7 =	simm.s32 @!p0 $0x108  }
0x21: {  	s3 =	sadd.s32 s3, s9;
	s6 =	sadd.s32 @!p0 $0x88, s6;
	s7 =	simm.s32 @p2 $0x1082  }
0x22: {  	[simem:s7], [sflag:s8] =	dma.local @!p0 [hbm:s6], $0xF7A  }
0x23: {  	s9 =	sor.u32 $0xD0000000, s2;
	s6 =	simm.s32 $0x108;
	_ =	swait.ge @!p0 [sflag:s8], $0x0  }
0x24: {  	s3 =	sadd.s32 $0x88, s3;
	s6 =	simm.s32 @!p1 $0x1082;
	[sflag:s4] =	ssyncset.s32 $0xFFFFF086  }
0x25: {  	[simem:s6], [sflag:s4] =	dma.local [hbm:s3], $0xF7A  }
0x26: {  	[smem:$0x3F9F] =	sst s1;
	(tag) =	ssettag s2;
	_ =	strace s9  }
0x27: {  	s1 =	sld [smem:$0x3FAF]  }
0x28: {  	s2 =	sld [smem:$0x3FB0]  }
0x29: {  	s4 =	sld [smem:$0x3FB2]  }
0x2a: {  	p0 =	seq.s32 s5, $0x0;
	s5 =	sld [smem:$0x3FB3]  }
0x2b: {  	s6 =	sld [smem:$0x3FB4]  }
0x2c: {  	s7 =	sld [smem:$0x3FB5]  }
0x2d: {  	s3 =	simm.s32 $0x108;
	s8 =	sld [smem:$0x3FB6]  }
0x2e: {  	s3 =	simm.s32 @!p0 $0x1082;
	s9 =	sld [smem:$0x3FB7]  }
0x2f: {  	lr =	sadd.s32 s0, s3;
	s0 =	sld [smem:$0x3FAE]  }
0x30: {  	s3 =	sld [smem:$0x3FB1]  }
0x31: {  	[smem:$0x3FBA] =	sst s10  }
0x32: {  	s10 =	sld [smem:$0x3FB8];
	_ =	sdelay $0x3  }
0x33: {  	p0 =	seq.s32 s10, $0x1;
	s10 =	sld [smem:$0x3FBA];
	_ =	sdelay $0x3  }
0x34: {  	[smem:$0x3FBA] =	sst s10  }
0x35: {  	s10 =	sld [smem:$0x3FB9];
	_ =	sdelay $0x3  }
0x36: {  	p1 =	seq.s32 s10, $0x1;
	s10 =	sld [smem:$0x3FBA];
	_ =	sdelay $0x3  }
0x37: {  	[smem:$0x3FBA] =	sst s10  }
0x38: {  	s10 =	sld [smem:$0x3FBB]  }
0x39: {  	_ = 	snop;
	(pc) =	sbr.ind lr, $3  }
0x3a: {  	_ = 	snop  }
0x3b: {  	_ = 	snop  }
0x3c: {  	p2 =	seq.s32 s10, $0x1;
	s10 =	sld [smem:$0x3FBA]  }
0x3d: {  	_ =	shalt  }
0x3e: {  	_ =	shalt  }
0x3f: {  	_ =	shalt  }
0x40: {  	_ =	shalt  }
0x41: {  	_ =	shalt  }
0x42: {  	_ =	shalt  }
0x43: {  	_ =	shalt  }
0x44: {  	_ =	shalt  }
0x45: {  	_ =	shalt  }
0x46: {  	_ =	shalt  }
0x47: {  	_ =	shalt  }
0x48: {  	_ =	shalt  }
0x49: {  	_ =	shalt  }
0x4a: {  	_ =	shalt  }
0x4b: {  	_ =	shalt  }
0x4c: {  	_ =	shalt  }
0x4d: {  	_ =	shalt  }
0x4e: {  	_ =	shalt  }
0x4f: {  	_ =	shalt  }
0x50: {  	_ =	shalt  }
0x51: {  	_ =	shalt  }
0x52: {  	_ =	shalt  }
0x53: {  	_ =	shalt  }
0x54: {  	_ =	shalt  }
0x55: {  	_ =	shalt  }
0x56: {  	_ =	shalt  }
0x57: {  	_ =	shalt  }
0x58: {  	_ =	shalt  }
0x59: {  	_ =	shalt  }
0x5a: {  	_ =	shalt  }
0x5b: {  	_ =	shalt  }
0x5c: {  	_ =	shalt  }
0x5d: {  	_ =	shalt  }
0x5e: {  	_ =	shalt  }
0x5f: {  	_ =	shalt  }
0x60: {  	_ =	shalt  }
0x61: {  	_ =	shalt  }
0x62: {  	_ =	shalt  }
0x63: {  	_ =	shalt  }
0x64: {  	_ =	shalt  }
0x65: {  	_ =	shalt  }
0x66: {  	_ =	shalt  }
0x67: {  	_ =	shalt  }
0x68: {  	_ =	shalt  }
0x69: {  	_ =	shalt  }
0x6a: {  	_ =	shalt  }
0x6b: {  	_ =	shalt  }
0x6c: {  	_ =	shalt  }
0x6d: {  	_ =	shalt  }
0x6e: {  	_ =	shalt  }
0x6f: {  	_ =	shalt  }
0x70: {  	_ =	shalt  }
0x71: {  	_ =	shalt  }
0x72: {  	_ =	shalt  }
0x73: {  	_ =	shalt  }
0x74: {  	_ =	shalt  }
0x75: {  	_ =	shalt  }
0x76: {  	_ =	shalt  }
0x77: {  	_ =	shalt  }
0x78: {  	_ =	shalt  }
0x79: {  	_ =	shalt  }
0x7a: {  	_ =	shalt  }
0x7b: {  	_ =	shalt  }
0x7c: {  	_ =	shalt  }
0x7d: {  	_ =	shalt  }
0x7e: {  	_ =	shalt  }
0x7f: {  	_ =	shalt  }
0x80: {  	_ =	shalt  }
0x81: {  	_ =	shalt  }
0x82: {  	_ =	shalt  }
0x83: {  	_ =	shalt  }
0x84: {  	_ =	shalt  }
0x85: {  	_ =	shalt  }
0x86: {  	_ =	shalt  }
0x87: {  	_ =	shalt  }
.Lfunc_end0:
.L_simem_size_0:
called_computation_lowered:
.L_overlay_start_0:
0x88: {  	s2 =	sld [smem:$0x3FD9]  }
0x89: {  	s3 =	sld [smem:$0x3FFE];
	_ =	sdelay $0x1  }
0x8a: {  	s1 =	srdreg.scid  }
0x8b: {  	s0 =	sand.u32 $0x1, s1  }
0x8c: {  	s14 =	sshll.u32 s0, $0xA;
	s2 =	sadd.s32 s3, s2  }
0x8d: {  	s2 =	sadd.s32 s2, s14  }
0x8e: {  	[smem:$0x3FC6] =	sst s2  }
0x8f: {  	_ = 	snop  }
0x90: {  	s2 =	sld [smem:$0x3FD0];
	_ =	sdelay $0x2  }
0x91: {  	s4 =	simm.s32 $0xA;
	s5 =	simm.s32 $0x10;
	s15 =	sld [smem:$0x3FC8]  }
0x92: {  	[smem:s5], [sflag:s4] =	dma.local [hbm:s2], $0x1  }
0x93: {  	_ =	swait.eq [sflag:s4], $0x1  }
0x94: {  	[sflag:s4] =	ssyncset.done $0x0  }
0x95: {  	[sflag:s4] =	ssyncadd.s32 $0xFFFFFFFF  }
0x96: {  	s16 =	sld [smem:$0x10];
	(tm) =	ssettm $0x1  }
0x97: {  	s17 =	sld [smem:$0x3FFB];
	_ =	sdelay $0x3  }
0x98: {  	_ =	strace s17  }
0x99: {  	s4 =	sld [smem:$0x3FFC];
	_ =	sdelay $0x3  }
0x9a: {  	_ =	strace s4  }
0x9b: {  	s4 =	sld [smem:$0x3FFD];
	_ =	sdelay $0x3  }
0x9c: {  	_ =	strace s4  }
0x9d: {  	_ =	strace $0x8FFFFFFF  }
0x9e: {  	s18 =	sld [smem:$0x3FDB];
	_ =	sdelay $0x1  }
0x9f: {  	s19 =	simm.s32 $_scs_section_size  }
0xa0: {  	s6 =	simm.s32 $_size__tile_overlayer_lowered;
	s7 =	simm.s32 $_tile_overlayer_lowered  }
0xa1: {  	s22 =	simm.s32 $0x1BFF;
	s21 =	sshll.u32 s7, $0x1;
	s4 =	sadd.s32 s19, s18  }
0xa2: {  	s8 =	simm.s32 $0x0;
	s20 =	sshll.u32 s6, $0x1;
	s6 =	sadd.s32 s21, s4  }
0xa3: {  	[timem:s8], [sflag:s22] =	dma.local [hbm:s6], s20  }
0xa4: {  	_ =	swait.ge [sflag:s22], s20  }
0xa5: {  	s5 =	ssub.s32 $0x0, s20;
	[sflag:s22] =	ssyncset.done $0x0  }
0xa6: {  	[sflag:s22] =	ssyncadd.s32 s5;
	_ =	sdelay $0x1  }
0xa7: {  	s23 =	simm.s32 $0x1B8B  }
0xa8: {  	_ =	swait.ge [sflag:s23], $0x1  }
0xa9: {  	[sflag:s23] =	ssyncset.done $0x0  }
0xaa: {  	s25 =	simm.s32 $0x1B8E;
	s24 =	sld [smem:$0x3FFE];
	[sflag:s23] =	ssyncadd.s32 $0xFFFFFFFF  }
0xab: {  	s26 =	simm.s32 $execute0_lowered;
	[smem:$0x3FD2] =	sst s25  }
0xac: {  	s6 =	sshll.u32 s26, $0x1;
	_ =	strace $0x80000046;
	[dreg:$0x1] =	wrdreg $0xFFFFFFFF  }
0xad: {  	s28 =	simm.s32 $_size_execute0_lowered;
	s4 =	sadd.s32 s4, s6;
	[dreg:$0x0] =	wrdreg $0x0  }
0xae: {  	s6 =	sshll.u32 s28, $0x1;
	[dreg:$0x2] =	wrdreg s4  }
0xaf: {  	[dreg:$0x3] =	wrdreg s6  }
0xb0: {  	[dreg:$0x4] =	wrdreg $0xC0  }
0xb1: {  	_ =	task [dreg:s8], $0x5FFFF  }
0xb2: {  	[dreg:$0x1] =	wrdreg $0xFFFFFFFF  }
0xb3: {  	[dreg:$0x0] =	wrdreg $0x60  }
0xb4: {  	[dreg:$0x2] =	wrdreg s15  }
0xb5: {  	[dreg:$0x3] =	wrdreg s16  }
0xb6: {  	[dreg:$0x4] =	wrdreg s24  }
0xb7: {  	[dreg:$0x5] =	wrdreg $0x9  }
0xb8: {  	_ =	task.clear_ibuf [dreg:s8], $0x6FFFF;
	_ =	strace $0x90000046  }
0xb9: {  	s29 =	simm.s32 $0x9;
	_ =	strace $0x80000048  }
0xba: {  	_ =	swait.ge [sflag:s29], $0x1  }
0xbb: {  	[sflag:s29] =	ssyncadd.s32 $0xFFFFFFFF  }
0xbc: {  	_ =	strace $0x90000048  }
0xbd: {  	_ =	sfence  }
0xbe: {  	s30 =	sld [smem:$0x0];
	_ =	sdelay $0x2  }
0xbf: {  	s31 =	sshll.u32 s1, $0xD;
	s1 =	sshrl.u32 s1, $0x2  }
0xc0: {  	s3 =	sand.u32 $0x4000, s31;
	s1 =	sadd.s32 s1, s30  }
0xc1: {  	s0 =	sor.u32 s3, s0;
	s1 =	sshll.u32 s1, $0x11  }
0xc2: {  	s0 =	sor.u32 s1, s0  }
0xc3: {  	s0 =	sadd.s32 $0x8F2B, s0  }
0xc4: {  	[sflag:s0] =	ssyncadd.remote.s32 $0x1  }
0xc5: {  	_ =	sfence.sel $0xFFFF  }
0xc6: {  	[dreg:$0x0] =	wrdreg $0xFFFFFFFF;
	(pc) =	sbr.abs _section_cstart, $3  }
0xc7: {  	[dreg:$0x1] =	wrdreg $0xFFFFFFFF  }
0xc8: {  	_ =	task.clear_ibuf [dreg:s8], $0x2FFFF;
	_ =	strace $0x9FFFFFFF  }
0xc9: {  	(tm) =	ssettm $0x7FFFFFFF  }
tec
execute0_lowered:
.L_overlay_start_1:
0x0: {  	(tag) =	ssettag $0x1  }
0x1: {  	s5 =	rddreg [dreg:$0x0]  }
0x2: {  	s4 =	rddreg [dreg:$0x1]  }
0x3: {  	s3 =	rddreg [dreg:$0x2]  }
0x4: {  	s0 =	rddreg [dreg:$0x3];
	s1 =	simm.s32 $0x0  }
0x5: {  	s2 =	srdreg.scid;
	s11 =	simm.s32 $0x4800;
	s12 =	simm.s32 $0x1  }
0x6: {  	s13 =	simm.s32 $0x0;
	[smem:$0x7FF] =	sst s1;
	s6 =	sand.u32 $0x1, s2  }
0x7: {  	s2 =	stileid.u32;
	s3 =	sadd.s32 $0x280A00, s3;
	_ =	strace $0x80000047  }
0x8: {  	s7 =	ssub.s32 $0x2, s6;
	s9 =	sshll.u32 s2, $0x1;
	s29 =	sshrl.u32 s2, $0x2  }
0x9: {  	s8 =	sshrl.u32 s7, $0x1;
	s6 =	sor.u32 s6, s9;
	s30 =	sshll.u32 s29, $0x4  }
0xa: {  	s9 =	simm.s32 $0x400;
	s7 =	ssub.s32 s7, s8;
	s8 =	sshll.u32 s29, $0xF  }
0xb: {  	s10 =	sshll.u32 s6, $0xC;
	s4 =	sadd.s32 s4, s30;
	s6 =	smul.u32 $0xA0000, s6  }
0xc: {  	s31 =	sand.u32 $0x7000, s10;
	s5 =	sadd.s32 s5, s8;
	s7 =	smax.u32 s7, $0x1  }
0xd: {  	s8 =	simm.s32 $0x80;
	s10 =	simm.s32 $0x2;
	s5 =	sadd.s32 s31, s5  }
.LBB2_1:
0xe: {  	[tilespmem:s1], [sflag:$0x2] =	stream.strided.gather [hbm4b:s4+s8], $0x4800, s9, s8, $0x38;
	[tilespmem:$0x16800] =	vst v63  }
0xf: {  	_ =	swait.ge [sflag:s10], $0x4800  }
0x10: {  	[sflag:s10] =	ssyncset.done $0x0  }
0x11: {  	[sflag:s10] =	ssyncadd.s32 $0xFFFFB800  }
0x12: {  	[tilespmem:s11], [sflag:$0x2] =	stream.linear.gather [hbm4b:s5+s1], $0x8000, $0x38;
	[tilespmem:$0x16800] =	vst v63  }
0x13: {  	_ =	swait.ge [sflag:s10], $0x8000  }
0x14: {  	[sflag:s10] =	ssyncset.done $0x0  }
0x15: {  	s14 =	simm.s32 $0x0;
	[sflag:s10] =	ssyncadd.s32 $0xFFFF8000  }
.LBB2_2:
0x16: {  	s15 =	sand.u32 $0x1, s14  }
0x17: {  	v0 =	vmov s14;
	p0 =	seq.s32 s15, $0x1;
	s15 =	simm.s32 $0x11800  }
0x18: {  	v1 =	vshll.u32 v0, $0xA;
	v2 =	vshll.u32 v0, $0x7;
	s15 =	simm.s32 @!p0 $0xC800  }
0x19: {  	s16 =	simm.s32 $0x0;
	v0 =	vand.u32 $0x6000, v1;
	v1 =	vand.u32 $0x380, v2;
	v2 =	vmov s15  }
.LBB2_3:
0x1a: {  	s17 =	smul.u32 $0x900, s16;
	_ =	sdelay $0x1  }
0x1b: {  	s18 =	sshra.s32 s17, $0x2  }
0x1c: {  	v3 =	vld [tilespmem:s18+$0x0]  }
0x1d: {  	v5 =	vld [tilespmem:s18+$0x480]  }
0x1e: {  	v4 =	vld [tilespmem:s18+$0x240];
	_ =	sdelay $0x2  }
0x1f: {  	v6 =	vshll.u32 v3, $0x3  }
0x20: {  	v3 =	vand.u32 $0x7F, v3;
	v7 =	vshll.u32 v5, $0x3;
	v6 =	vand.u32 $0xFFFFFC00, v6  }
0x21: {  	v49 =	vshll.u32 v4, $0x3;
	v7 =	vand.u32 $0xFFFFFC00, v7;
	v6 =	vadd.s32 v0, v6  }
0x22: {  	v5 =	vand.u32 $0x7F, v5;
	v50 =	vadd.s32 v0, v7;
	v3 =	vor.u32 v3, v6  }
0x23: {  	v6 =	vand.u32 $0xFFFFFC00, v49;
	v5 =	vor.u32 v5, v50;
	v3 =	vor.u32 v1, v3  }
0x24: {  	v4 =	vand.u32 $0x7F, v4;
	v6 =	vadd.s32 v0, v6;
	v5 =	vor.u32 v1, v5  }
0x25: {  	v4 =	vor.u32 v4, v6  }
0x26: {  	v4 =	vor.u32 v1, v4;
	_ =	sdelay $0x1  }
0x27: {  	v3 =	vld.idx.msk [tilespmem:v3+s11+$0x0], $0xffff  }
0x28: {  	s30 =	sshrl.u32 s16, $0x3;
	v5 =	vld.idx.msk [tilespmem:v5+s11+$0x0], $0xffff  }
0x29: {  	s17 =	smul.u32 $0x5000, s30  }
0x2a: {  	v4 =	vld.idx.msk [tilespmem:v4+s11+$0x0], $0xffff  }
0x2b: {  	s17 =	sshra.s32 s17, $0x2  }
0x2c: {  	[tilespmem:v2+s17+$0x0 ss:$0x1] =	vst.idx.msk $0xffff, v3  }
0x2d: {  	[tilespmem:v2+s17+$0x100 ss:$0x1] =	vst.idx.msk $0xffff, v5;
	v3 =	vld [tilespmem:s18+$0x10]  }
0x2e: {  	v5 =	vld [tilespmem:s18+$0x490]  }
0x2f: {  	[tilespmem:v2+s17+$0x80 ss:$0x1] =	vst.idx.msk $0xffff, v4  }
0x30: {  	v4 =	vld [tilespmem:s18+$0x250];
	_ =	sdelay $0x1  }
0x31: {  	v51 =	vshll.u32 v3, $0x3  }
0x32: {  	v3 =	vand.u32 $0x7F, v3;
	v53 =	vshll.u32 v5, $0x3;
	v6 =	vand.u32 $0xFFFFFC00, v51  }
0x33: {  	v5 =	vand.u32 $0x7F, v5;
	v7 =	vand.u32 $0xFFFFFC00, v53;
	v6 =	vadd.s32 v0, v6  }
0x34: {  	v52 =	vshll.u32 v4, $0x3;
	v54 =	vadd.s32 v0, v7;
	v3 =	vor.u32 v3, v6  }
0x35: {  	v6 =	vand.u32 $0xFFFFFC00, v52;
	v5 =	vor.u32 v5, v54;
	v3 =	vor.u32 v1, v3  }
0x36: {  	v4 =	vand.u32 $0x7F, v4;
	v6 =	vadd.s32 v0, v6;
	v5 =	vor.u32 v1, v5  }
0x37: {  	v4 =	vor.u32 v4, v6  }
0x38: {  	v4 =	vor.u32 v1, v4;
	_ =	sdelay $0x1  }
0x39: {  	v3 =	vld.idx.msk [tilespmem:v3+s11+$0x0], $0xffff  }
0x3a: {  	v5 =	vld.idx.msk [tilespmem:v5+s11+$0x0], $0xffff;
	_ =	sdelay $0x1  }
0x3b: {  	v4 =	vld.idx.msk [tilespmem:v4+s11+$0x0], $0xffff;
	_ =	sdelay $0x1  }
0x3c: {  	[tilespmem:v2+s17+$0x10 ss:$0x1] =	vst.idx.msk $0xffff, v3  }
0x3d: {  	[tilespmem:v2+s17+$0x110 ss:$0x1] =	vst.idx.msk $0xffff, v5;
	v3 =	vld [tilespmem:s18+$0x20]  }
0x3e: {  	v5 =	vld [tilespmem:s18+$0x4A0]  }
0x3f: {  	[tilespmem:v2+s17+$0x90 ss:$0x1] =	vst.idx.msk $0xffff, v4  }
0x40: {  	v4 =	vld [tilespmem:s18+$0x260];
	_ =	sdelay $0x1  }
0x41: {  	v55 =	vshll.u32 v3, $0x3  }
0x42: {  	v3 =	vand.u32 $0x7F, v3;
	v57 =	vshll.u32 v5, $0x3;
	v6 =	vand.u32 $0xFFFFFC00, v55  }
0x43: {  	v5 =	vand.u32 $0x7F, v5;
	v7 =	vand.u32 $0xFFFFFC00, v57;
	v6 =	vadd.s32 v0, v6  }
0x44: {  	v56 =	vshll.u32 v4, $0x3;
	v58 =	vadd.s32 v0, v7;
	v3 =	vor.u32 v3, v6  }
0x45: {  	v6 =	vand.u32 $0xFFFFFC00, v56;
	v5 =	vor.u32 v5, v58;
	v3 =	vor.u32 v1, v3  }
0x46: {  	v4 =	vand.u32 $0x7F, v4;
	v6 =	vadd.s32 v0, v6;
	v5 =	vor.u32 v1, v5  }
0x47: {  	v4 =	vor.u32 v4, v6  }
0x48: {  	v4 =	vor.u32 v1, v4;
	_ =	sdelay $0x1  }
0x49: {  	v3 =	vld.idx.msk [tilespmem:v3+s11+$0x0], $0xffff  }
0x4a: {  	v5 =	vld.idx.msk [tilespmem:v5+s11+$0x0], $0xffff;
	_ =	sdelay $0x1  }
0x4b: {  	v4 =	vld.idx.msk [tilespmem:v4+s11+$0x0], $0xffff;
	_ =	sdelay $0x1  }
0x4c: {  	[tilespmem:v2+s17+$0x20 ss:$0x1] =	vst.idx.msk $0xffff, v3  }
0x4d: {  	[tilespmem:v2+s17+$0x120 ss:$0x1] =	vst.idx.msk $0xffff, v5;
	v3 =	vld [tilespmem:s18+$0x30]  }
0x4e: {  	v5 =	vld [tilespmem:s18+$0x4B0]  }
0x4f: {  	[tilespmem:v2+s17+$0xA0 ss:$0x1] =	vst.idx.msk $0xffff, v4  }
0x50: {  	v4 =	vld [tilespmem:s18+$0x270];
	_ =	sdelay $0x1  }
0x51: {  	v59 =	vshll.u32 v3, $0x3  }
0x52: {  	v3 =	vand.u32 $0x7F, v3;
	v61 =	vshll.u32 v5, $0x3;
	v6 =	vand.u32 $0xFFFFFC00, v59  }
0x53: {  	v5 =	vand.u32 $0x7F, v5;
	v7 =	vand.u32 $0xFFFFFC00, v61;
	v6 =	vadd.s32 v0, v6  }
0x54: {  	v60 =	vshll.u32 v4, $0x3;
	v62 =	vadd.s32 v0, v7;
	v3 =	vor.u32 v3, v6  }
0x55: {  	v6 =	vand.u32 $0xFFFFFC00, v60;
	v5 =	vor.u32 v5, v62;
	v3 =	vor.u32 v1, v3  }
0x56: {  	v4 =	vand.u32 $0x7F, v4;
	v6 =	vadd.s32 v0, v6;
	v5 =	vor.u32 v1, v5  }
0x57: {  	v4 =	vor.u32 v4, v6  }
0x58: {  	v4 =	vor.u32 v1, v4;
	_ =	sdelay $0x1  }
0x59: {  	v3 =	vld.idx.msk [tilespmem:v3+s11+$0x0], $0xffff  }
0x5a: {  	v5 =	vld.idx.msk [tilespmem:v5+s11+$0x0], $0xffff;
	_ =	sdelay $0x1  }
0x5b: {  	v4 =	vld.idx.msk [tilespmem:v4+s11+$0x0], $0xffff;
	_ =	sdelay $0x1  }
0x5c: {  	[tilespmem:v2+s17+$0x30 ss:$0x1] =	vst.idx.msk $0xffff, v3  }
0x5d: {  	[tilespmem:v2+s17+$0x130 ss:$0x1] =	vst.idx.msk $0xffff, v5;
	v3 =	vld [tilespmem:s18+$0x40]  }
0x5e: {  	v5 =	vld [tilespmem:s18+$0x4C0]  }
0x5f: {  	[tilespmem:v2+s17+$0xB0 ss:$0x1] =	vst.idx.msk $0xffff, v4  }
0x60: {  	v4 =	vld [tilespmem:s18+$0x280];
	_ =	sdelay $0x1  }
0x61: {  	v63 =	vshll.u32 v3, $0x3  }
0x62: {  	v3 =	vand.u32 $0x7F, v3;
	v10 =	vshll.u32 v5, $0x3;
	v6 =	vand.u32 $0xFFFFFC00, v63  }
0x63: {  	v5 =	vand.u32 $0x7F, v5;
	v7 =	vand.u32 $0xFFFFFC00, v10;
	v6 =	vadd.s32 v0, v6  }
0x64: {  	v9 =	vshll.u32 v4, $0x3;
	v11 =	vadd.s32 v0, v7;
	v3 =	vor.u32 v3, v6  }
0x65: {  	v6 =	vand.u32 $0xFFFFFC00, v9;
	v5 =	vor.u32 v5, v11;
	v3 =	vor.u32 v1, v3  }
0x66: {  	v4 =	vand.u32 $0x7F, v4;
	v6 =	vadd.s32 v0, v6;
	v5 =	vor.u32 v1, v5  }
0x67: {  	v4 =	vor.u32 v4, v6  }
0x68: {  	v4 =	vor.u32 v1, v4;
	_ =	sdelay $0x1  }
0x69: {  	v3 =	vld.idx.msk [tilespmem:v3+s11+$0x0], $0xffff  }
0x6a: {  	v5 =	vld.idx.msk [tilespmem:v5+s11+$0x0], $0xffff;
	_ =	sdelay $0x1  }
0x6b: {  	v4 =	vld.idx.msk [tilespmem:v4+s11+$0x0], $0xffff;
	_ =	sdelay $0x1  }
0x6c: {  	[tilespmem:v2+s17+$0x40 ss:$0x1] =	vst.idx.msk $0xffff, v3  }
0x6d: {  	[tilespmem:v2+s17+$0x140 ss:$0x1] =	vst.idx.msk $0xffff, v5;
	v3 =	vld [tilespmem:s18+$0x50]  }
0x6e: {  	v5 =	vld [tilespmem:s18+$0x4D0]  }
0x6f: {  	[tilespmem:v2+s17+$0xC0 ss:$0x1] =	vst.idx.msk $0xffff, v4  }
0x70: {  	v4 =	vld [tilespmem:s18+$0x290];
	_ =	sdelay $0x1  }
0x71: {  	v12 =	vshll.u32 v3, $0x3  }
0x72: {  	v3 =	vand.u32 $0x7F, v3;
	v14 =	vshll.u32 v5, $0x3;
	v6 =	vand.u32 $0xFFFFFC00, v12  }
0x73: {  	v5 =	vand.u32 $0x7F, v5;
	v7 =	vand.u32 $0xFFFFFC00, v14;
	v6 =	vadd.s32 v0, v6  }
0x74: {  	v13 =	vshll.u32 v4, $0x3;
	v15 =	vadd.s32 v0, v7;
	v3 =	vor.u32 v3, v6  }
0x75: {  	v6 =	vand.u32 $0xFFFFFC00, v13;
	v5 =	vor.u32 v5, v15;
	v3 =	vor.u32 v1, v3  }
0x76: {  	v4 =	vand.u32 $0x7F, v4;
	v6 =	vadd.s32 v0, v6;
	v5 =	vor.u32 v1, v5  }
0x77: {  	v4 =	vor.u32 v4, v6  }
0x78: {  	v4 =	vor.u32 v1, v4;
	_ =	sdelay $0x1  }
0x79: {  	v3 =	vld.idx.msk [tilespmem:v3+s11+$0x0], $0xffff  }
0x7a: {  	v5 =	vld.idx.msk [tilespmem:v5+s11+$0x0], $0xffff;
	_ =	sdelay $0x1  }
0x7b: {  	v4 =	vld.idx.msk [tilespmem:v4+s11+$0x0], $0xffff;
	_ =	sdelay $0x1  }
0x7c: {  	[tilespmem:v2+s17+$0x50 ss:$0x1] =	vst.idx.msk $0xffff, v3  }
0x7d: {  	[tilespmem:v2+s17+$0x150 ss:$0x1] =	vst.idx.msk $0xffff, v5;
	v3 =	vld [tilespmem:s18+$0x60]  }
0x7e: {  	v5 =	vld [tilespmem:s18+$0x4E0]  }
0x7f: {  	[tilespmem:v2+s17+$0xD0 ss:$0x1] =	vst.idx.msk $0xffff, v4  }
0x80: {  	v4 =	vld [tilespmem:s18+$0x2A0];
	_ =	sdelay $0x1  }
0x81: {  	v16 =	vshll.u32 v3, $0x3  }
0x82: {  	v3 =	vand.u32 $0x7F, v3;
	v18 =	vshll.u32 v5, $0x3;
	v6 =	vand.u32 $0xFFFFFC00, v16  }
0x83: {  	v5 =	vand.u32 $0x7F, v5;
	v7 =	vand.u32 $0xFFFFFC00, v18;
	v6 =	vadd.s32 v0, v6  }
0x84: {  	v17 =	vshll.u32 v4, $0x3;
	v19 =	vadd.s32 v0, v7;
	v3 =	vor.u32 v3, v6  }
0x85: {  	v6 =	vand.u32 $0xFFFFFC00, v17;
	v5 =	vor.u32 v5, v19;
	v3 =	vor.u32 v1, v3  }
0x86: {  	v4 =	vand.u32 $0x7F, v4;
	v6 =	vadd.s32 v0, v6;
	v5 =	vor.u32 v1, v5  }
0x87: {  	v4 =	vor.u32 v4, v6  }
0x88: {  	v4 =	vor.u32 v1, v4;
	_ =	sdelay $0x1  }
0x89: {  	v3 =	vld.idx.msk [tilespmem:v3+s11+$0x0], $0xffff  }
0x8a: {  	v5 =	vld.idx.msk [tilespmem:v5+s11+$0x0], $0xffff;
	_ =	sdelay $0x1  }
0x8b: {  	v4 =	vld.idx.msk [tilespmem:v4+s11+$0x0], $0xffff;
	_ =	sdelay $0x1  }
0x8c: {  	[tilespmem:v2+s17+$0x60 ss:$0x1] =	vst.idx.msk $0xffff, v3  }
0x8d: {  	[tilespmem:v2+s17+$0x160 ss:$0x1] =	vst.idx.msk $0xffff, v5;
	v3 =	vld [tilespmem:s18+$0x70]  }
0x8e: {  	v5 =	vld [tilespmem:s18+$0x4F0]  }
0x8f: {  	[tilespmem:v2+s17+$0xE0 ss:$0x1] =	vst.idx.msk $0xffff, v4  }
0x90: {  	v4 =	vld [tilespmem:s18+$0x2B0];
	_ =	sdelay $0x1  }
0x91: {  	v20 =	vshll.u32 v3, $0x3  }
0x92: {  	v3 =	vand.u32 $0x7F, v3;
	v22 =	vshll.u32 v5, $0x3;
	v6 =	vand.u32 $0xFFFFFC00, v20  }
0x93: {  	v5 =	vand.u32 $0x7F, v5;
	v7 =	vand.u32 $0xFFFFFC00, v22;
	v6 =	vadd.s32 v0, v6  }
0x94: {  	v21 =	vshll.u32 v4, $0x3;
	v23 =	vadd.s32 v0, v7;
	v3 =	vor.u32 v3, v6  }
0x95: {  	v6 =	vand.u32 $0xFFFFFC00, v21;
	v5 =	vor.u32 v5, v23;
	v3 =	vor.u32 v1, v3  }
0x96: {  	v4 =	vand.u32 $0x7F, v4;
	v6 =	vadd.s32 v0, v6;
	v5 =	vor.u32 v1, v5  }
0x97: {  	v4 =	vor.u32 v4, v6  }
0x98: {  	v4 =	vor.u32 v1, v4;
	_ =	sdelay $0x1  }
0x99: {  	v3 =	vld.idx.msk [tilespmem:v3+s11+$0x0], $0xffff  }
0x9a: {  	v5 =	vld.idx.msk [tilespmem:v5+s11+$0x0], $0xffff;
	_ =	sdelay $0x1  }
0x9b: {  	v4 =	vld.idx.msk [tilespmem:v4+s11+$0x0], $0xffff;
	_ =	sdelay $0x1  }
0x9c: {  	[tilespmem:v2+s17+$0x70 ss:$0x1] =	vst.idx.msk $0xffff, v3  }
0x9d: {  	[tilespmem:v2+s17+$0x170 ss:$0x1] =	vst.idx.msk $0xffff, v5;
	v3 =	vld [tilespmem:s18+$0x80]  }
0x9e: {  	v5 =	vld [tilespmem:s18+$0x500]  }
0x9f: {  	[tilespmem:v2+s17+$0xF0 ss:$0x1] =	vst.idx.msk $0xffff, v4  }
0xa0: {  	v4 =	vld [tilespmem:s18+$0x2C0];
	_ =	sdelay $0x1  }
0xa1: {  	v24 =	vshll.u32 v3, $0x3  }
0xa2: {  	v3 =	vand.u32 $0x7F, v3;
	v26 =	vshll.u32 v5, $0x3;
	v6 =	vand.u32 $0xFFFFFC00, v24  }
0xa3: {  	v5 =	vand.u32 $0x7F, v5;
	v7 =	vand.u32 $0xFFFFFC00, v26;
	v6 =	vadd.s32 v0, v6  }
0xa4: {  	v25 =	vshll.u32 v4, $0x3;
	v27 =	vadd.s32 v0, v7;
	v3 =	vor.u32 v3, v6  }
0xa5: {  	v6 =	vand.u32 $0xFFFFFC00, v25;
	v5 =	vor.u32 v5, v27;
	v3 =	vor.u32 v1, v3  }
0xa6: {  	v4 =	vand.u32 $0x7F, v4;
	v6 =	vadd.s32 v0, v6;
	v5 =	vor.u32 v1, v5  }
0xa7: {  	v4 =	vor.u32 v4, v6  }
0xa8: {  	v4 =	vor.u32 v1, v4;
	_ =	sdelay $0x1  }
0xa9: {  	v3 =	vld.idx.msk [tilespmem:v3+s11+$0x0], $0xffff  }
0xaa: {  	v5 =	vld.idx.msk [tilespmem:v5+s11+$0x0], $0xffff;
	_ =	sdelay $0x1  }
0xab: {  	v4 =	vld.idx.msk [tilespmem:v4+s11+$0x0], $0xffff;
	_ =	sdelay $0x1  }
0xac: {  	[tilespmem:v2+s17+$0x400 ss:$0x1] =	vst.idx.msk $0xffff, v3  }
0xad: {  	[tilespmem:v2+s17+$0x500 ss:$0x1] =	vst.idx.msk $0xffff, v5;
	v3 =	vld [tilespmem:s18+$0x90]  }
0xae: {  	v5 =	vld [tilespmem:s18+$0x510]  }
0xaf: {  	[tilespmem:v2+s17+$0x480 ss:$0x1] =	vst.idx.msk $0xffff, v4  }
0xb0: {  	v4 =	vld [tilespmem:s18+$0x2D0];
	_ =	sdelay $0x1  }
0xb1: {  	v28 =	vshll.u32 v3, $0x3  }
0xb2: {  	v3 =	vand.u32 $0x7F, v3;
	v30 =	vshll.u32 v5, $0x3;
	v6 =	vand.u32 $0xFFFFFC00, v28  }
0xb3: {  	v5 =	vand.u32 $0x7F, v5;
	v7 =	vand.u32 $0xFFFFFC00, v30;
	v6 =	vadd.s32 v0, v6  }
0xb4: {  	v29 =	vshll.u32 v4, $0x3;
	v31 =	vadd.s32 v0, v7;
	v3 =	vor.u32 v3, v6  }
0xb5: {  	v6 =	vand.u32 $0xFFFFFC00, v29;
	v5 =	vor.u32 v5, v31;
	v3 =	vor.u32 v1, v3  }
0xb6: {  	v4 =	vand.u32 $0x7F, v4;
	v6 =	vadd.s32 v0, v6;
	v5 =	vor.u32 v1, v5  }
0xb7: {  	v4 =	vor.u32 v4, v6  }
0xb8: {  	v4 =	vor.u32 v1, v4;
	_ =	sdelay $0x1  }
0xb9: {  	v3 =	vld.idx.msk [tilespmem:v3+s11+$0x0], $0xffff  }
0xba: {  	v5 =	vld.idx.msk [tilespmem:v5+s11+$0x0], $0xffff;
	_ =	sdelay $0x1  }
0xbb: {  	v4 =	vld.idx.msk [tilespmem:v4+s11+$0x0], $0xffff;
	_ =	sdelay $0x1  }
0xbc: {  	[tilespmem:v2+s17+$0x410 ss:$0x1] =	vst.idx.msk $0xffff, v3  }
0xbd: {  	[tilespmem:v2+s17+$0x510 ss:$0x1] =	vst.idx.msk $0xffff, v5;
	v3 =	vld [tilespmem:s18+$0xA0]  }
0xbe: {  	v5 =	vld [tilespmem:s18+$0x520]  }
0xbf: {  	[tilespmem:v2+s17+$0x490 ss:$0x1] =	vst.idx.msk $0xffff, v4  }
0xc0: {  	v4 =	vld [tilespmem:s18+$0x2E0];
	_ =	sdelay $0x1  }
0xc1: {  	v32 =	vshll.u32 v3, $0x3  }
0xc2: {  	v3 =	vand.u32 $0x7F, v3;
	v34 =	vshll.u32 v5, $0x3;
	v6 =	vand.u32 $0xFFFFFC00, v32  }
0xc3: {  	v5 =	vand.u32 $0x7F, v5;
	v7 =	vand.u32 $0xFFFFFC00, v34;
	v6 =	vadd.s32 v0, v6  }
0xc4: {  	v33 =	vshll.u32 v4, $0x3;
	v35 =	vadd.s32 v0, v7;
	v3 =	vor.u32 v3, v6  }
0xc5: {  	v6 =	vand.u32 $0xFFFFFC00, v33;
	v5 =	vor.u32 v5, v35;
	v3 =	vor.u32 v1, v3  }
0xc6: {  	v4 =	vand.u32 $0x7F, v4;
	v6 =	vadd.s32 v0, v6;
	v5 =	vor.u32 v1, v5  }
0xc7: {  	v4 =	vor.u32 v4, v6  }
0xc8: {  	v4 =	vor.u32 v1, v4;
	_ =	sdelay $0x1  }
0xc9: {  	v3 =	vld.idx.msk [tilespmem:v3+s11+$0x0], $0xffff  }
0xca: {  	v5 =	vld.idx.msk [tilespmem:v5+s11+$0x0], $0xffff;
	_ =	sdelay $0x1  }
0xcb: {  	v4 =	vld.idx.msk [tilespmem:v4+s11+$0x0], $0xffff;
	_ =	sdelay $0x1  }
0xcc: {  	[tilespmem:v2+s17+$0x420 ss:$0x1] =	vst.idx.msk $0xffff, v3  }
0xcd: {  	[tilespmem:v2+s17+$0x520 ss:$0x1] =	vst.idx.msk $0xffff, v5;
	v3 =	vld [tilespmem:s18+$0xB0]  }
0xce: {  	v5 =	vld [tilespmem:s18+$0x530]  }
0xcf: {  	[tilespmem:v2+s17+$0x4A0 ss:$0x1] =	vst.idx.msk $0xffff, v4  }
0xd0: {  	v4 =	vld [tilespmem:s18+$0x2F0];
	_ =	sdelay $0x1  }
0xd1: {  	v36 =	vshll.u32 v3, $0x3  }
0xd2: {  	v3 =	vand.u32 $0x7F, v3;
	v38 =	vshll.u32 v5, $0x3;
	v6 =	vand.u32 $0xFFFFFC00, v36  }
0xd3: {  	v5 =	vand.u32 $0x7F, v5;
	v7 =	vand.u32 $0xFFFFFC00, v38;
	v6 =	vadd.s32 v0, v6  }
0xd4: {  	v37 =	vshll.u32 v4, $0x3;
	v39 =	vadd.s32 v0, v7;
	v3 =	vor.u32 v3, v6  }
0xd5: {  	v6 =	vand.u32 $0xFFFFFC00, v37;
	v5 =	vor.u32 v5, v39;
	v3 =	vor.u32 v1, v3  }
0xd6: {  	v4 =	vand.u32 $0x7F, v4;
	v6 =	vadd.s32 v0, v6;
	v5 =	vor.u32 v1, v5  }
0xd7: {  	v4 =	vor.u32 v4, v6  }
0xd8: {  	v4 =	vor.u32 v1, v4;
	_ =	sdelay $0x1  }
0xd9: {  	v3 =	vld.idx.msk [tilespmem:v3+s11+$0x0], $0xffff  }
0xda: {  	v5 =	vld.idx.msk [tilespmem:v5+s11+$0x0], $0xffff;
	_ =	sdelay $0x1  }
0xdb: {  	v4 =	vld.idx.msk [tilespmem:v4+s11+$0x0], $0xffff;
	_ =	sdelay $0x1  }
0xdc: {  	[tilespmem:v2+s17+$0x430 ss:$0x1] =	vst.idx.msk $0xffff, v3  }
0xdd: {  	[tilespmem:v2+s17+$0x530 ss:$0x1] =	vst.idx.msk $0xffff, v5;
	v3 =	vld [tilespmem:s18+$0xC0]  }
0xde: {  	v5 =	vld [tilespmem:s18+$0x540]  }
0xdf: {  	[tilespmem:v2+s17+$0x4B0 ss:$0x1] =	vst.idx.msk $0xffff, v4  }
0xe0: {  	v4 =	vld [tilespmem:s18+$0x300];
	_ =	sdelay $0x1  }
0xe1: {  	v40 =	vshll.u32 v3, $0x3  }
0xe2: {  	v3 =	vand.u32 $0x7F, v3;
	v42 =	vshll.u32 v5, $0x3;
	v6 =	vand.u32 $0xFFFFFC00, v40  }
0xe3: {  	v5 =	vand.u32 $0x7F, v5;
	v7 =	vand.u32 $0xFFFFFC00, v42;
	v6 =	vadd.s32 v0, v6  }
0xe4: {  	v41 =	vshll.u32 v4, $0x3;
	v43 =	vadd.s32 v0, v7;
	v3 =	vor.u32 v3, v6  }
0xe5: {  	v6 =	vand.u32 $0xFFFFFC00, v41;
	v5 =	vor.u32 v5, v43;
	v3 =	vor.u32 v1, v3  }
0xe6: {  	v4 =	vand.u32 $0x7F, v4;
	v6 =	vadd.s32 v0, v6;
	v5 =	vor.u32 v1, v5  }
0xe7: {  	v4 =	vor.u32 v4, v6  }
0xe8: {  	v4 =	vor.u32 v1, v4;
	_ =	sdelay $0x1  }
0xe9: {  	v3 =	vld.idx.msk [tilespmem:v3+s11+$0x0], $0xffff  }
0xea: {  	v5 =	vld.idx.msk [tilespmem:v5+s11+$0x0], $0xffff;
	_ =	sdelay $0x1  }
0xeb: {  	v4 =	vld.idx.msk [tilespmem:v4+s11+$0x0], $0xffff;
	_ =	sdelay $0x1  }
0xec: {  	[tilespmem:v2+s17+$0x440 ss:$0x1] =	vst.idx.msk $0xffff, v3  }
0xed: {  	[tilespmem:v2+s17+$0x540 ss:$0x1] =	vst.idx.msk $0xffff, v5;
	v3 =	vld [tilespmem:s18+$0xD0]  }
0xee: {  	v5 =	vld [tilespmem:s18+$0x550]  }
0xef: {  	[tilespmem:v2+s17+$0x4C0 ss:$0x1] =	vst.idx.msk $0xffff, v4  }
0xf0: {  	v4 =	vld [tilespmem:s18+$0x310];
	_ =	sdelay $0x1  }
0xf1: {  	v44 =	vshll.u32 v3, $0x3  }
0xf2: {  	v3 =	vand.u32 $0x7F, v3;
	v46 =	vshll.u32 v5, $0x3;
	v6 =	vand.u32 $0xFFFFFC00, v44  }
0xf3: {  	v5 =	vand.u32 $0x7F, v5;
	v7 =	vand.u32 $0xFFFFFC00, v46;
	v6 =	vadd.s32 v0, v6  }
0xf4: {  	v45 =	vshll.u32 v4, $0x3;
	v47 =	vadd.s32 v0, v7;
	v3 =	vor.u32 v3, v6  }
0xf5: {  	v6 =	vand.u32 $0xFFFFFC00, v45;
	v5 =	vor.u32 v5, v47;
	v3 =	vor.u32 v1, v3  }
0xf6: {  	v4 =	vand.u32 $0x7F, v4;
	v6 =	vadd.s32 v0, v6;
	v5 =	vor.u32 v1, v5  }
0xf7: {  	v4 =	vor.u32 v4, v6  }
0xf8: {  	v4 =	vor.u32 v1, v4;
	_ =	sdelay $0x1  }
0xf9: {  	v3 =	vld.idx.msk [tilespmem:v3+s11+$0x0], $0xffff  }
0xfa: {  	v5 =	vld.idx.msk [tilespmem:v5+s11+$0x0], $0xffff;
	_ =	sdelay $0x1  }
0xfb: {  	v4 =	vld.idx.msk [tilespmem:v4+s11+$0x0], $0xffff;
	_ =	sdelay $0x1  }
0xfc: {  	[tilespmem:v2+s17+$0x450 ss:$0x1] =	vst.idx.msk $0xffff, v3  }
0xfd: {  	[tilespmem:v2+s17+$0x550 ss:$0x1] =	vst.idx.msk $0xffff, v5;
	v3 =	vld [tilespmem:s18+$0xE0]  }
0xfe: {  	v5 =	vld [tilespmem:s18+$0x560]  }
0xff: {  	[tilespmem:v2+s17+$0x4D0 ss:$0x1] =	vst.idx.msk $0xffff, v4  }
0x100: {  	v4 =	vld [tilespmem:s18+$0x320];
	_ =	sdelay $0x1  }
0x101: {  	v48 =	vshll.u32 v3, $0x3  }
0x102: {  	v3 =	vand.u32 $0x7F, v3;
	v50 =	vshll.u32 v5, $0x3;
	v6 =	vand.u32 $0xFFFFFC00, v48  }
0x103: {  	v5 =	vand.u32 $0x7F, v5;
	v7 =	vand.u32 $0xFFFFFC00, v50;
	v6 =	vadd.s32 v0, v6  }
0x104: {  	v49 =	vshll.u32 v4, $0x3;
	v51 =	vadd.s32 v0, v7;
	v3 =	vor.u32 v3, v6  }
0x105: {  	v6 =	vand.u32 $0xFFFFFC00, v49;
	v5 =	vor.u32 v5, v51;
	v3 =	vor.u32 v1, v3  }
0x106: {  	v4 =	vand.u32 $0x7F, v4;
	v6 =	vadd.s32 v0, v6;
	v5 =	vor.u32 v1, v5  }
0x107: {  	v4 =	vor.u32 v4, v6  }
0x108: {  	v4 =	vor.u32 v1, v4;
	_ =	sdelay $0x1  }
0x109: {  	v3 =	vld.idx.msk [tilespmem:v3+s11+$0x0], $0xffff  }
0x10a: {  	v5 =	vld.idx.msk [tilespmem:v5+s11+$0x0], $0xffff;
	_ =	sdelay $0x1  }
0x10b: {  	v4 =	vld.idx.msk [tilespmem:v4+s11+$0x0], $0xffff;
	_ =	sdelay $0x1  }
0x10c: {  	[tilespmem:v2+s17+$0x460 ss:$0x1] =	vst.idx.msk $0xffff, v3  }
0x10d: {  	[tilespmem:v2+s17+$0x560 ss:$0x1] =	vst.idx.msk $0xffff, v5;
	v3 =	vld [tilespmem:s18+$0xF0]  }
0x10e: {  	v5 =	vld [tilespmem:s18+$0x570]  }
0x10f: {  	[tilespmem:v2+s17+$0x4E0 ss:$0x1] =	vst.idx.msk $0xffff, v4  }
0x110: {  	v4 =	vld [tilespmem:s18+$0x330];
	_ =	sdelay $0x1  }
0x111: {  	v52 =	vshll.u32 v3, $0x3  }
0x112: {  	v3 =	vand.u32 $0x7F, v3;
	v54 =	vshll.u32 v5, $0x3;
	v6 =	vand.u32 $0xFFFFFC00, v52  }
0x113: {  	v5 =	vand.u32 $0x7F, v5;
	v7 =	vand.u32 $0xFFFFFC00, v54;
	v6 =	vadd.s32 v0, v6  }
0x114: {  	v53 =	vshll.u32 v4, $0x3;
	v55 =	vadd.s32 v0, v7;
	v3 =	vor.u32 v3, v6  }
0x115: {  	v6 =	vand.u32 $0xFFFFFC00, v53;
	v5 =	vor.u32 v5, v55;
	v3 =	vor.u32 v1, v3  }
0x116: {  	v4 =	vand.u32 $0x7F, v4;
	v6 =	vadd.s32 v0, v6;
	v5 =	vor.u32 v1, v5  }
0x117: {  	v4 =	vor.u32 v4, v6  }
0x118: {  	v4 =	vor.u32 v1, v4;
	_ =	sdelay $0x1  }
0x119: {  	v3 =	vld.idx.msk [tilespmem:v3+s11+$0x0], $0xffff  }
0x11a: {  	v5 =	vld.idx.msk [tilespmem:v5+s11+$0x0], $0xffff;
	_ =	sdelay $0x1  }
0x11b: {  	v4 =	vld.idx.msk [tilespmem:v4+s11+$0x0], $0xffff;
	_ =	sdelay $0x1  }
0x11c: {  	[tilespmem:v2+s17+$0x470 ss:$0x1] =	vst.idx.msk $0xffff, v3  }
0x11d: {  	[tilespmem:v2+s17+$0x570 ss:$0x1] =	vst.idx.msk $0xffff, v5;
	v3 =	vld [tilespmem:s18+$0x100]  }
0x11e: {  	v5 =	vld [tilespmem:s18+$0x580]  }
0x11f: {  	[tilespmem:v2+s17+$0x4F0 ss:$0x1] =	vst.idx.msk $0xffff, v4  }
0x120: {  	v4 =	vld [tilespmem:s18+$0x340];
	_ =	sdelay $0x1  }
0x121: {  	v56 =	vshll.u32 v3, $0x3  }
0x122: {  	v3 =	vand.u32 $0x7F, v3;
	v58 =	vshll.u32 v5, $0x3;
	v6 =	vand.u32 $0xFFFFFC00, v56  }
0x123: {  	v5 =	vand.u32 $0x7F, v5;
	v7 =	vand.u32 $0xFFFFFC00, v58;
	v6 =	vadd.s32 v0, v6  }
0x124: {  	v57 =	vshll.u32 v4, $0x3;
	v59 =	vadd.s32 v0, v7;
	v3 =	vor.u32 v3, v6  }
0x125: {  	v6 =	vand.u32 $0xFFFFFC00, v57;
	v5 =	vor.u32 v5, v59;
	v3 =	vor.u32 v1, v3  }
0x126: {  	v4 =	vand.u32 $0x7F, v4;
	v6 =	vadd.s32 v0, v6;
	v5 =	vor.u32 v1, v5  }
0x127: {  	v4 =	vor.u32 v4, v6  }
0x128: {  	v4 =	vor.u32 v1, v4;
	_ =	sdelay $0x1  }
0x129: {  	v3 =	vld.idx.msk [tilespmem:v3+s11+$0x0], $0xffff  }
0x12a: {  	v5 =	vld.idx.msk [tilespmem:v5+s11+$0x0], $0xffff;
	_ =	sdelay $0x1  }
0x12b: {  	v4 =	vld.idx.msk [tilespmem:v4+s11+$0x0], $0xffff;
	_ =	sdelay $0x1  }
0x12c: {  	[tilespmem:v2+s17+$0x800 ss:$0x1] =	vst.idx.msk $0xffff, v3  }
0x12d: {  	[tilespmem:v2+s17+$0x900 ss:$0x1] =	vst.idx.msk $0xffff, v5;
	v3 =	vld [tilespmem:s18+$0x110]  }
0x12e: {  	v5 =	vld [tilespmem:s18+$0x590]  }
0x12f: {  	[tilespmem:v2+s17+$0x880 ss:$0x1] =	vst.idx.msk $0xffff, v4  }
0x130: {  	v4 =	vld [tilespmem:s18+$0x350];
	_ =	sdelay $0x1  }
0x131: {  	v60 =	vshll.u32 v3, $0x3  }
0x132: {  	v3 =	vand.u32 $0x7F, v3;
	v62 =	vshll.u32 v5, $0x3;
	v6 =	vand.u32 $0xFFFFFC00, v60  }
0x133: {  	v5 =	vand.u32 $0x7F, v5;
	v7 =	vand.u32 $0xFFFFFC00, v62;
	v6 =	vadd.s32 v0, v6  }
0x134: {  	v61 =	vshll.u32 v4, $0x3;
	v63 =	vadd.s32 v0, v7;
	v3 =	vor.u32 v3, v6  }
0x135: {  	v6 =	vand.u32 $0xFFFFFC00, v61;
	v5 =	vor.u32 v5, v63;
	v3 =	vor.u32 v1, v3  }
0x136: {  	v4 =	vand.u32 $0x7F, v4;
	v6 =	vadd.s32 v0, v6;
	v5 =	vor.u32 v1, v5  }
0x137: {  	v4 =	vor.u32 v4, v6  }
0x138: {  	v4 =	vor.u32 v1, v4;
	_ =	sdelay $0x1  }
0x139: {  	v3 =	vld.idx.msk [tilespmem:v3+s11+$0x0], $0xffff  }
0x13a: {  	v5 =	vld.idx.msk [tilespmem:v5+s11+$0x0], $0xffff;
	_ =	sdelay $0x1  }
0x13b: {  	v4 =	vld.idx.msk [tilespmem:v4+s11+$0x0], $0xffff;
	_ =	sdelay $0x1  }
0x13c: {  	[tilespmem:v2+s17+$0x810 ss:$0x1] =	vst.idx.msk $0xffff, v3  }
0x13d: {  	[tilespmem:v2+s17+$0x910 ss:$0x1] =	vst.idx.msk $0xffff, v5;
	v3 =	vld [tilespmem:s18+$0x120]  }
0x13e: {  	v5 =	vld [tilespmem:s18+$0x5A0]  }
0x13f: {  	[tilespmem:v2+s17+$0x890 ss:$0x1] =	vst.idx.msk $0xffff, v4  }
0x140: {  	v4 =	vld [tilespmem:s18+$0x360];
	_ =	sdelay $0x1  }
0x141: {  	v9 =	vshll.u32 v3, $0x3  }
0x142: {  	v3 =	vand.u32 $0x7F, v3;
	v11 =	vshll.u32 v5, $0x3;
	v6 =	vand.u32 $0xFFFFFC00, v9  }
0x143: {  	v5 =	vand.u32 $0x7F, v5;
	v7 =	vand.u32 $0xFFFFFC00, v11;
	v6 =	vadd.s32 v0, v6  }
0x144: {  	v10 =	vshll.u32 v4, $0x3;
	v12 =	vadd.s32 v0, v7;
	v3 =	vor.u32 v3, v6  }
0x145: {  	v6 =	vand.u32 $0xFFFFFC00, v10;
	v5 =	vor.u32 v5, v12;
	v3 =	vor.u32 v1, v3  }
0x146: {  	v4 =	vand.u32 $0x7F, v4;
	v6 =	vadd.s32 v0, v6;
	v5 =	vor.u32 v1, v5  }
0x147: {  	v4 =	vor.u32 v4, v6  }
0x148: {  	v4 =	vor.u32 v1, v4;
	_ =	sdelay $0x1  }
0x149: {  	v3 =	vld.idx.msk [tilespmem:v3+s11+$0x0], $0xffff  }
0x14a: {  	v5 =	vld.idx.msk [tilespmem:v5+s11+$0x0], $0xffff;
	_ =	sdelay $0x1  }
0x14b: {  	v4 =	vld.idx.msk [tilespmem:v4+s11+$0x0], $0xffff;
	_ =	sdelay $0x1  }
0x14c: {  	[tilespmem:v2+s17+$0x820 ss:$0x1] =	vst.idx.msk $0xffff, v3  }
0x14d: {  	[tilespmem:v2+s17+$0x920 ss:$0x1] =	vst.idx.msk $0xffff, v5;
	v3 =	vld [tilespmem:s18+$0x130]  }
0x14e: {  	v5 =	vld [tilespmem:s18+$0x5B0]  }
0x14f: {  	[tilespmem:v2+s17+$0x8A0 ss:$0x1] =	vst.idx.msk $0xffff, v4  }
0x150: {  	v4 =	vld [tilespmem:s18+$0x370];
	_ =	sdelay $0x1  }
0x151: {  	v13 =	vshll.u32 v3, $0x3  }
0x152: {  	v3 =	vand.u32 $0x7F, v3;
	v15 =	vshll.u32 v5, $0x3;
	v6 =	vand.u32 $0xFFFFFC00, v13  }
0x153: {  	v5 =	vand.u32 $0x7F, v5;
	v7 =	vand.u32 $0xFFFFFC00, v15;
	v6 =	vadd.s32 v0, v6  }
0x154: {  	v14 =	vshll.u32 v4, $0x3;
	v16 =	vadd.s32 v0, v7;
	v3 =	vor.u32 v3, v6  }
0x155: {  	v6 =	vand.u32 $0xFFFFFC00, v14;
	v5 =	vor.u32 v5, v16;
	v3 =	vor.u32 v1, v3  }
0x156: {  	v4 =	vand.u32 $0x7F, v4;
	v6 =	vadd.s32 v0, v6;
	v5 =	vor.u32 v1, v5  }
0x157: {  	v4 =	vor.u32 v4, v6  }
0x158: {  	v4 =	vor.u32 v1, v4;
	_ =	sdelay $0x1  }
0x159: {  	v3 =	vld.idx.msk [tilespmem:v3+s11+$0x0], $0xffff  }
0x15a: {  	v5 =	vld.idx.msk [tilespmem:v5+s11+$0x0], $0xffff;
	_ =	sdelay $0x1  }
0x15b: {  	v4 =	vld.idx.msk [tilespmem:v4+s11+$0x0], $0xffff;
	_ =	sdelay $0x1  }
0x15c: {  	[tilespmem:v2+s17+$0x830 ss:$0x1] =	vst.idx.msk $0xffff, v3  }
0x15d: {  	[tilespmem:v2+s17+$0x930 ss:$0x1] =	vst.idx.msk $0xffff, v5;
	v3 =	vld [tilespmem:s18+$0x140]  }
0x15e: {  	v5 =	vld [tilespmem:s18+$0x5C0]  }
0x15f: {  	[tilespmem:v2+s17+$0x8B0 ss:$0x1] =	vst.idx.msk $0xffff, v4  }
0x160: {  	v4 =	vld [tilespmem:s18+$0x380];
	_ =	sdelay $0x1  }
0x161: {  	v17 =	vshll.u32 v3, $0x3  }
0x162: {  	v3 =	vand.u32 $0x7F, v3;
	v19 =	vshll.u32 v5, $0x3;
	v6 =	vand.u32 $0xFFFFFC00, v17  }
0x163: {  	v5 =	vand.u32 $0x7F, v5;
	v7 =	vand.u32 $0xFFFFFC00, v19;
	v6 =	vadd.s32 v0, v6  }
0x164: {  	v18 =	vshll.u32 v4, $0x3;
	v20 =	vadd.s32 v0, v7;
	v3 =	vor.u32 v3, v6  }
0x165: {  	v6 =	vand.u32 $0xFFFFFC00, v18;
	v5 =	vor.u32 v5, v20;
	v3 =	vor.u32 v1, v3  }
0x166: {  	v4 =	vand.u32 $0x7F, v4;
	v6 =	vadd.s32 v0, v6;
	v5 =	vor.u32 v1, v5  }
0x167: {  	v4 =	vor.u32 v4, v6  }
0x168: {  	v4 =	vor.u32 v1, v4;
	_ =	sdelay $0x1  }
0x169: {  	v3 =	vld.idx.msk [tilespmem:v3+s11+$0x0], $0xffff  }
0x16a: {  	v5 =	vld.idx.msk [tilespmem:v5+s11+$0x0], $0xffff;
	_ =	sdelay $0x1  }
0x16b: {  	v4 =	vld.idx.msk [tilespmem:v4+s11+$0x0], $0xffff;
	_ =	sdelay $0x1  }
0x16c: {  	[tilespmem:v2+s17+$0x840 ss:$0x1] =	vst.idx.msk $0xffff, v3  }
0x16d: {  	[tilespmem:v2+s17+$0x940 ss:$0x1] =	vst.idx.msk $0xffff, v5;
	v3 =	vld [tilespmem:s18+$0x150]  }
0x16e: {  	v5 =	vld [tilespmem:s18+$0x5D0]  }
0x16f: {  	[tilespmem:v2+s17+$0x8C0 ss:$0x1] =	vst.idx.msk $0xffff, v4  }
0x170: {  	v4 =	vld [tilespmem:s18+$0x390];
	_ =	sdelay $0x1  }
0x171: {  	v21 =	vshll.u32 v3, $0x3  }
0x172: {  	v3 =	vand.u32 $0x7F, v3;
	v23 =	vshll.u32 v5, $0x3;
	v6 =	vand.u32 $0xFFFFFC00, v21  }
0x173: {  	v5 =	vand.u32 $0x7F, v5;
	v7 =	vand.u32 $0xFFFFFC00, v23;
	v6 =	vadd.s32 v0, v6  }
0x174: {  	v22 =	vshll.u32 v4, $0x3;
	v24 =	vadd.s32 v0, v7;
	v3 =	vor.u32 v3, v6  }
0x175: {  	v6 =	vand.u32 $0xFFFFFC00, v22;
	v5 =	vor.u32 v5, v24;
	v3 =	vor.u32 v1, v3  }
0x176: {  	v4 =	vand.u32 $0x7F, v4;
	v6 =	vadd.s32 v0, v6;
	v5 =	vor.u32 v1, v5  }
0x177: {  	v4 =	vor.u32 v4, v6  }
0x178: {  	v4 =	vor.u32 v1, v4;
	_ =	sdelay $0x1  }
0x179: {  	v3 =	vld.idx.msk [tilespmem:v3+s11+$0x0], $0xffff  }
0x17a: {  	v5 =	vld.idx.msk [tilespmem:v5+s11+$0x0], $0xffff;
	_ =	sdelay $0x1  }
0x17b: {  	v4 =	vld.idx.msk [tilespmem:v4+s11+$0x0], $0xffff;
	_ =	sdelay $0x1  }
0x17c: {  	[tilespmem:v2+s17+$0x850 ss:$0x1] =	vst.idx.msk $0xffff, v3  }
0x17d: {  	[tilespmem:v2+s17+$0x950 ss:$0x1] =	vst.idx.msk $0xffff, v5;
	v3 =	vld [tilespmem:s18+$0x160]  }
0x17e: {  	v5 =	vld [tilespmem:s18+$0x5E0]  }
0x17f: {  	[tilespmem:v2+s17+$0x8D0 ss:$0x1] =	vst.idx.msk $0xffff, v4  }
0x180: {  	v4 =	vld [tilespmem:s18+$0x3A0];
	_ =	sdelay $0x2  }
0x181: {  	v25 =	vshll.u32 v3, $0x3;
	v3 =	vand.u32 $0x7F, v3;
	v27 =	vshll.u32 v5, $0x3  }
0x182: {  	v5 =	vand.u32 $0x7F, v5;
	v6 =	vand.u32 $0xFFFFFC00, v25;
	v7 =	vand.u32 $0xFFFFFC00, v27  }
0x183: {  	v6 =	vadd.s32 v0, v6;
	v26 =	vshll.u32 v4, $0x3;
	v4 =	vand.u32 $0x7F, v4  }
0x184: {  	v28 =	vadd.s32 v0, v7;
	v3 =	vor.u32 v3, v6;
	v6 =	vand.u32 $0xFFFFFC00, v26  }
0x185: {  	v5 =	vor.u32 v5, v28;
	v3 =	vor.u32 v1, v3;
	v6 =	vadd.s32 v0, v6  }
0x186: {  	v5 =	vor.u32 v1, v5;
	v4 =	vor.u32 v4, v6  }
0x187: {  	v29 =	vld [tilespmem:s18+$0x6C0];
	v4 =	vor.u32 v1, v4;
	_ =	sdelay $0x2  }
0x188: {  	v3 =	vld.idx.msk [tilespmem:v3+s11+$0x0], $0xffff  }
0x189: {  	v5 =	vld.idx.msk [tilespmem:v5+s11+$0x0], $0xffff  }
0x18a: {  	v30 =	vshll.u32 v29, $0x3;
	v4 =	vld.idx.msk [tilespmem:v4+s11+$0x0], $0xffff  }
0x18b: {  	v6 =	vand.u32 $0xFFFFFC00, v30  }
0x18c: {  	v7 =	vand.u32 $0x7F, v29;
	v6 =	vadd.s32 v0, v6  }
0x18d: {  	[tilespmem:v2+s17+$0x860 ss:$0x1] =	vst.idx.msk $0xffff, v3;
	v3 =	vor.u32 v7, v6  }
0x18e: {  	[tilespmem:v2+s17+$0x960 ss:$0x1] =	vst.idx.msk $0xffff, v5;
	v31 =	vld [tilespmem:s18+$0x170];
	v3 =	vor.u32 v1, v3  }
0x18f: {  	v5 =	vld [tilespmem:s18+$0x5F0];
	[tilespmem:v2+s17+$0x8E0 ss:$0x1] =	vst.idx.msk $0xffff, v4  }
0x190: {  	v4 =	vld [tilespmem:s18+$0x3B0];
	_ =	sdelay $0x2  }
0x191: {  	v32 =	vshll.u32 v31, $0x3;
	v3 =	vld.idx.msk [tilespmem:v3+s11+$0x0], $0xffff  }
0x192: {  	v6 =	vand.u32 $0x7F, v31;
	v7 =	vand.u32 $0xFFFFFC00, v32  }
0x193: {  	v8 =	vshll.u32 v5, $0x3;
	v7 =	vadd.s32 v0, v7;
	v33 =	vshll.u32 v4, $0x3  }
0x194: {  	v8 =	vand.u32 $0xFFFFFC00, v8;
	v6 =	vor.u32 v6, v7;
	v7 =	vand.u32 $0xFFFFFC00, v33  }
0x195: {  	v4 =	vand.u32 $0x7F, v4;
	v35 =	vadd.s32 v0, v8;
	v7 =	vadd.s32 v0, v7  }
0x196: {  	v34 =	vand.u32 $0x7F, v5;
	v6 =	vor.u32 v1, v6;
	[tilespmem:v2+s17+$0x180 ss:$0x1] =	vst.idx.msk $0xffff, v3;
	v3 =	vor.u32 v4, v7  }
0x197: {  	v4 =	vor.u32 v34, v35;
	v3 =	vor.u32 v1, v3  }
0x198: {  	v4 =	vor.u32 v1, v4;
	_ =	sdelay $0x1  }
0x199: {  	v36 =	vld [tilespmem:s18+$0x6D0]  }
0x19a: {  	v37 =	vld.idx.msk [tilespmem:v6+s11+$0x0], $0xffff  }
0x19b: {  	v3 =	vld.idx.msk [tilespmem:v3+s11+$0x0], $0xffff  }
0x19c: {  	v4 =	vld.idx.msk [tilespmem:v4+s11+$0x0], $0xffff;
	_ =	sdelay $0x2  }
0x19d: {  	v38 =	vshll.u32 v36, $0x3;
	[tilespmem:v2+s17+$0x870 ss:$0x1] =	vst.idx.msk $0xffff, v37  }
0x19e: {  	v6 =	vand.u32 $0xFFFFFC00, v38;
	v40 =	vld [tilespmem:s18+$0x180];
	[tilespmem:v2+s17+$0x8F0 ss:$0x1] =	vst.idx.msk $0xffff, v3  }
0x19f: {  	v7 =	vand.u32 $0x7F, v36;
	v6 =	vadd.s32 v0, v6;
	[tilespmem:v2+s17+$0x970 ss:$0x1] =	vst.idx.msk $0xffff, v4;
	v3 =	vld [tilespmem:s18+$0x3C0]  }
0x1a0: {  	v39 =	vor.u32 v7, v6;
	v4 =	vld [tilespmem:s18+$0x600]  }
0x1a1: {  	v5 =	vor.u32 v1, v39;
	_ =	sdelay $0x1  }
0x1a2: {  	v41 =	vshll.u32 v40, $0x3  }
0x1a3: {  	v6 =	vand.u32 $0x7F, v40;
	v7 =	vand.u32 $0xFFFFFC00, v41  }
0x1a4: {  	v7 =	vadd.s32 v0, v7;
	v42 =	vshll.u32 v3, $0x3;
	v43 =	vshll.u32 v4, $0x3  }
0x1a5: {  	v5 =	vld.idx.msk [tilespmem:v5+s11+$0x0], $0xffff;
	v3 =	vand.u32 $0x7F, v3;
	v6 =	vor.u32 v6, v7;
	v7 =	vand.u32 $0xFFFFFC00, v42  }
0x1a6: {  	v4 =	vand.u32 $0x7F, v4;
	v8 =	vand.u32 $0xFFFFFC00, v43;
	v7 =	vadd.s32 v0, v7  }
0x1a7: {  	v6 =	vor.u32 v1, v6;
	v44 =	vadd.s32 v0, v8;
	v3 =	vor.u32 v3, v7  }
0x1a8: {  	v4 =	vor.u32 v4, v44;
	v3 =	vor.u32 v1, v3  }
0x1a9: {  	v4 =	vor.u32 v1, v4  }
0x1aa: {  	[tilespmem:v2+s17+$0x190 ss:$0x1] =	vst.idx.msk $0xffff, v5  }
0x1ab: {  	v45 =	vld [tilespmem:s18+$0x6E0]  }
0x1ac: {  	v46 =	vld.idx.msk [tilespmem:v6+s11+$0x0], $0xffff  }
0x1ad: {  	v3 =	vld.idx.msk [tilespmem:v3+s11+$0x0], $0xffff  }
0x1ae: {  	v4 =	vld.idx.msk [tilespmem:v4+s11+$0x0], $0xffff;
	_ =	sdelay $0x2  }
0x1af: {  	v47 =	vshll.u32 v45, $0x3;
	[tilespmem:v2+s17+$0xC00 ss:$0x1] =	vst.idx.msk $0xffff, v46  }
0x1b0: {  	v6 =	vand.u32 $0xFFFFFC00, v47;
	v49 =	vld [tilespmem:s18+$0x190];
	[tilespmem:v2+s17+$0xC80 ss:$0x1] =	vst.idx.msk $0xffff, v3  }
0x1b1: {  	v7 =	vand.u32 $0x7F, v45;
	v6 =	vadd.s32 v0, v6;
	[tilespmem:v2+s17+$0xD00 ss:$0x1] =	vst.idx.msk $0xffff, v4;
	v3 =	vld [tilespmem:s18+$0x3D0]  }
0x1b2: {  	v48 =	vor.u32 v7, v6;
	v4 =	vld [tilespmem:s18+$0x610]  }
0x1b3: {  	v5 =	vor.u32 v1, v48;
	_ =	sdelay $0x1  }
0x1b4: {  	v50 =	vshll.u32 v49, $0x3  }
0x1b5: {  	v6 =	vand.u32 $0x7F, v49;
	v7 =	vand.u32 $0xFFFFFC00, v50  }
0x1b6: {  	v7 =	vadd.s32 v0, v7;
	v51 =	vshll.u32 v3, $0x3;
	v52 =	vshll.u32 v4, $0x3  }
0x1b7: {  	v5 =	vld.idx.msk [tilespmem:v5+s11+$0x0], $0xffff;
	v3 =	vand.u32 $0x7F, v3;
	v6 =	vor.u32 v6, v7;
	v7 =	vand.u32 $0xFFFFFC00, v51  }
0x1b8: {  	v4 =	vand.u32 $0x7F, v4;
	v8 =	vand.u32 $0xFFFFFC00, v52;
	v7 =	vadd.s32 v0, v7  }
0x1b9: {  	v6 =	vor.u32 v1, v6;
	v53 =	vadd.s32 v0, v8;
	v3 =	vor.u32 v3, v7  }
0x1ba: {  	v4 =	vor.u32 v4, v53;
	v3 =	vor.u32 v1, v3  }
0x1bb: {  	v4 =	vor.u32 v1, v4  }
0x1bc: {  	[tilespmem:v2+s17+$0x1A0 ss:$0x1] =	vst.idx.msk $0xffff, v5  }
0x1bd: {  	v54 =	vld [tilespmem:s18+$0x6F0]  }
0x1be: {  	v55 =	vld.idx.msk [tilespmem:v6+s11+$0x0], $0xffff  }
0x1bf: {  	v3 =	vld.idx.msk [tilespmem:v3+s11+$0x0], $0xffff  }
0x1c0: {  	v4 =	vld.idx.msk [tilespmem:v4+s11+$0x0], $0xffff;
	_ =	sdelay $0x2  }
0x1c1: {  	v56 =	vshll.u32 v54, $0x3;
	[tilespmem:v2+s17+$0xC10 ss:$0x1] =	vst.idx.msk $0xffff, v55  }
0x1c2: {  	v6 =	vand.u32 $0xFFFFFC00, v56;
	v58 =	vld [tilespmem:s18+$0x1A0];
	[tilespmem:v2+s17+$0xC90 ss:$0x1] =	vst.idx.msk $0xffff, v3  }
0x1c3: {  	v7 =	vand.u32 $0x7F, v54;
	v6 =	vadd.s32 v0, v6;
	[tilespmem:v2+s17+$0xD10 ss:$0x1] =	vst.idx.msk $0xffff, v4;
	v3 =	vld [tilespmem:s18+$0x3E0]  }
0x1c4: {  	v57 =	vor.u32 v7, v6;
	v4 =	vld [tilespmem:s18+$0x620]  }
0x1c5: {  	v5 =	vor.u32 v1, v57;
	_ =	sdelay $0x1  }
0x1c6: {  	v59 =	vshll.u32 v58, $0x3  }
0x1c7: {  	v6 =	vand.u32 $0x7F, v58;
	v7 =	vand.u32 $0xFFFFFC00, v59  }
0x1c8: {  	v7 =	vadd.s32 v0, v7;
	v60 =	vshll.u32 v3, $0x3;
	v61 =	vshll.u32 v4, $0x3  }
0x1c9: {  	v5 =	vld.idx.msk [tilespmem:v5+s11+$0x0], $0xffff;
	v3 =	vand.u32 $0x7F, v3;
	v6 =	vor.u32 v6, v7;
	v7 =	vand.u32 $0xFFFFFC00, v60  }
0x1ca: {  	v4 =	vand.u32 $0x7F, v4;
	v8 =	vand.u32 $0xFFFFFC00, v61;
	v7 =	vadd.s32 v0, v7  }
0x1cb: {  	v6 =	vor.u32 v1, v6;
	v62 =	vadd.s32 v0, v8;
	v3 =	vor.u32 v3, v7  }
0x1cc: {  	v4 =	vor.u32 v4, v62;
	v3 =	vor.u32 v1, v3  }
0x1cd: {  	v4 =	vor.u32 v1, v4  }
0x1ce: {  	[tilespmem:v2+s17+$0x1B0 ss:$0x1] =	vst.idx.msk $0xffff, v5  }
0x1cf: {  	v63 =	vld [tilespmem:s18+$0x700]  }
0x1d0: {  	v9 =	vld.idx.msk [tilespmem:v6+s11+$0x0], $0xffff  }
0x1d1: {  	v3 =	vld.idx.msk [tilespmem:v3+s11+$0x0], $0xffff  }
0x1d2: {  	v4 =	vld.idx.msk [tilespmem:v4+s11+$0x0], $0xffff;
	_ =	sdelay $0x2  }
0x1d3: {  	v10 =	vshll.u32 v63, $0x3;
	[tilespmem:v2+s17+$0xC20 ss:$0x1] =	vst.idx.msk $0xffff, v9  }
0x1d4: {  	v6 =	vand.u32 $0xFFFFFC00, v10;
	v12 =	vld [tilespmem:s18+$0x1B0];
	[tilespmem:v2+s17+$0xCA0 ss:$0x1] =	vst.idx.msk $0xffff, v3  }
0x1d5: {  	v7 =	vand.u32 $0x7F, v63;
	v6 =	vadd.s32 v0, v6;
	[tilespmem:v2+s17+$0xD20 ss:$0x1] =	vst.idx.msk $0xffff, v4;
	v3 =	vld [tilespmem:s18+$0x3F0]  }
0x1d6: {  	v11 =	vor.u32 v7, v6;
	v4 =	vld [tilespmem:s18+$0x630]  }
0x1d7: {  	v5 =	vor.u32 v1, v11;
	_ =	sdelay $0x1  }
0x1d8: {  	v13 =	vshll.u32 v12, $0x3  }
0x1d9: {  	v6 =	vand.u32 $0x7F, v12;
	v7 =	vand.u32 $0xFFFFFC00, v13  }
0x1da: {  	v7 =	vadd.s32 v0, v7;
	v14 =	vshll.u32 v3, $0x3;
	v15 =	vshll.u32 v4, $0x3  }
0x1db: {  	v5 =	vld.idx.msk [tilespmem:v5+s11+$0x0], $0xffff;
	v3 =	vand.u32 $0x7F, v3;
	v6 =	vor.u32 v6, v7;
	v7 =	vand.u32 $0xFFFFFC00, v14  }
0x1dc: {  	v4 =	vand.u32 $0x7F, v4;
	v8 =	vand.u32 $0xFFFFFC00, v15;
	v7 =	vadd.s32 v0, v7  }
0x1dd: {  	v6 =	vor.u32 v1, v6;
	v16 =	vadd.s32 v0, v8;
	v3 =	vor.u32 v3, v7  }
0x1de: {  	v4 =	vor.u32 v4, v16;
	v3 =	vor.u32 v1, v3  }
0x1df: {  	v4 =	vor.u32 v1, v4  }
0x1e0: {  	[tilespmem:v2+s17+$0x1C0 ss:$0x1] =	vst.idx.msk $0xffff, v5  }
0x1e1: {  	v17 =	vld [tilespmem:s18+$0x710]  }
0x1e2: {  	v18 =	vld.idx.msk [tilespmem:v6+s11+$0x0], $0xffff  }
0x1e3: {  	v3 =	vld.idx.msk [tilespmem:v3+s11+$0x0], $0xffff  }
0x1e4: {  	v4 =	vld.idx.msk [tilespmem:v4+s11+$0x0], $0xffff;
	_ =	sdelay $0x2  }
0x1e5: {  	v19 =	vshll.u32 v17, $0x3;
	[tilespmem:v2+s17+$0xC30 ss:$0x1] =	vst.idx.msk $0xffff, v18  }
0x1e6: {  	v6 =	vand.u32 $0xFFFFFC00, v19;
	v21 =	vld [tilespmem:s18+$0x1C0];
	[tilespmem:v2+s17+$0xCB0 ss:$0x1] =	vst.idx.msk $0xffff, v3  }
0x1e7: {  	v7 =	vand.u32 $0x7F, v17;
	v6 =	vadd.s32 v0, v6;
	[tilespmem:v2+s17+$0xD30 ss:$0x1] =	vst.idx.msk $0xffff, v4;
	v3 =	vld [tilespmem:s18+$0x400]  }
0x1e8: {  	v20 =	vor.u32 v7, v6;
	v4 =	vld [tilespmem:s18+$0x640]  }
0x1e9: {  	v5 =	vor.u32 v1, v20;
	_ =	sdelay $0x1  }
0x1ea: {  	v22 =	vshll.u32 v21, $0x3  }
0x1eb: {  	v6 =	vand.u32 $0x7F, v21;
	v7 =	vand.u32 $0xFFFFFC00, v22  }
0x1ec: {  	v7 =	vadd.s32 v0, v7;
	v23 =	vshll.u32 v3, $0x3;
	v24 =	vshll.u32 v4, $0x3  }
0x1ed: {  	v5 =	vld.idx.msk [tilespmem:v5+s11+$0x0], $0xffff;
	v3 =	vand.u32 $0x7F, v3;
	v6 =	vor.u32 v6, v7;
	v7 =	vand.u32 $0xFFFFFC00, v23  }
0x1ee: {  	v4 =	vand.u32 $0x7F, v4;
	v8 =	vand.u32 $0xFFFFFC00, v24;
	v7 =	vadd.s32 v0, v7  }
0x1ef: {  	v6 =	vor.u32 v1, v6;
	v25 =	vadd.s32 v0, v8;
	v3 =	vor.u32 v3, v7  }
0x1f0: {  	v4 =	vor.u32 v4, v25;
	v3 =	vor.u32 v1, v3  }
0x1f1: {  	v4 =	vor.u32 v1, v4  }
0x1f2: {  	[tilespmem:v2+s17+$0x1D0 ss:$0x1] =	vst.idx.msk $0xffff, v5  }
0x1f3: {  	v26 =	vld [tilespmem:s18+$0x720]  }
0x1f4: {  	v27 =	vld.idx.msk [tilespmem:v6+s11+$0x0], $0xffff  }
0x1f5: {  	v3 =	vld.idx.msk [tilespmem:v3+s11+$0x0], $0xffff  }
0x1f6: {  	v4 =	vld.idx.msk [tilespmem:v4+s11+$0x0], $0xffff;
	_ =	sdelay $0x2  }
0x1f7: {  	v28 =	vshll.u32 v26, $0x3;
	[tilespmem:v2+s17+$0xC40 ss:$0x1] =	vst.idx.msk $0xffff, v27  }
0x1f8: {  	v6 =	vand.u32 $0xFFFFFC00, v28;
	v30 =	vld [tilespmem:s18+$0x1D0];
	[tilespmem:v2+s17+$0xCC0 ss:$0x1] =	vst.idx.msk $0xffff, v3  }
0x1f9: {  	v7 =	vand.u32 $0x7F, v26;
	v6 =	vadd.s32 v0, v6;
	[tilespmem:v2+s17+$0xD40 ss:$0x1] =	vst.idx.msk $0xffff, v4;
	v3 =	vld [tilespmem:s18+$0x410]  }
0x1fa: {  	v29 =	vor.u32 v7, v6;
	v4 =	vld [tilespmem:s18+$0x650]  }
0x1fb: {  	v5 =	vor.u32 v1, v29;
	_ =	sdelay $0x1  }
0x1fc: {  	v31 =	vshll.u32 v30, $0x3  }
0x1fd: {  	v6 =	vand.u32 $0x7F, v30;
	v7 =	vand.u32 $0xFFFFFC00, v31  }
0x1fe: {  	v7 =	vadd.s32 v0, v7;
	v32 =	vshll.u32 v3, $0x3;
	v33 =	vshll.u32 v4, $0x3  }
0x1ff: {  	v5 =	vld.idx.msk [tilespmem:v5+s11+$0x0], $0xffff;
	v3 =	vand.u32 $0x7F, v3;
	v6 =	vor.u32 v6, v7;
	v7 =	vand.u32 $0xFFFFFC00, v32  }
0x200: {  	v4 =	vand.u32 $0x7F, v4;
	v8 =	vand.u32 $0xFFFFFC00, v33;
	v7 =	vadd.s32 v0, v7  }
0x201: {  	v6 =	vor.u32 v1, v6;
	v34 =	vadd.s32 v0, v8;
	v3 =	vor.u32 v3, v7  }
0x202: {  	v4 =	vor.u32 v4, v34;
	v3 =	vor.u32 v1, v3  }
0x203: {  	v4 =	vor.u32 v1, v4  }
0x204: {  	[tilespmem:v2+s17+$0x1E0 ss:$0x1] =	vst.idx.msk $0xffff, v5  }
0x205: {  	v35 =	vld [tilespmem:s18+$0x730]  }
0x206: {  	v36 =	vld.idx.msk [tilespmem:v6+s11+$0x0], $0xffff  }
0x207: {  	v3 =	vld.idx.msk [tilespmem:v3+s11+$0x0], $0xffff  }
0x208: {  	v4 =	vld.idx.msk [tilespmem:v4+s11+$0x0], $0xffff;
	_ =	sdelay $0x2  }
0x209: {  	v37 =	vshll.u32 v35, $0x3;
	[tilespmem:v2+s17+$0xC50 ss:$0x1] =	vst.idx.msk $0xffff, v36  }
0x20a: {  	v6 =	vand.u32 $0xFFFFFC00, v37;
	v39 =	vld [tilespmem:s18+$0x1E0];
	[tilespmem:v2+s17+$0xCD0 ss:$0x1] =	vst.idx.msk $0xffff, v3  }
0x20b: {  	v7 =	vand.u32 $0x7F, v35;
	v6 =	vadd.s32 v0, v6;
	[tilespmem:v2+s17+$0xD50 ss:$0x1] =	vst.idx.msk $0xffff, v4;
	v3 =	vld [tilespmem:s18+$0x420]  }
0x20c: {  	v38 =	vor.u32 v7, v6;
	v4 =	vld [tilespmem:s18+$0x660]  }
0x20d: {  	v5 =	vor.u32 v1, v38;
	_ =	sdelay $0x1  }
0x20e: {  	v40 =	vshll.u32 v39, $0x3  }
0x20f: {  	v6 =	vand.u32 $0x7F, v39;
	v7 =	vand.u32 $0xFFFFFC00, v40  }
0x210: {  	v7 =	vadd.s32 v0, v7;
	v41 =	vshll.u32 v3, $0x3;
	v42 =	vshll.u32 v4, $0x3  }
0x211: {  	v5 =	vld.idx.msk [tilespmem:v5+s11+$0x0], $0xffff;
	v3 =	vand.u32 $0x7F, v3;
	v6 =	vor.u32 v6, v7;
	v7 =	vand.u32 $0xFFFFFC00, v41  }
0x212: {  	v4 =	vand.u32 $0x7F, v4;
	v8 =	vand.u32 $0xFFFFFC00, v42;
	v7 =	vadd.s32 v0, v7  }
0x213: {  	v6 =	vor.u32 v1, v6;
	v43 =	vadd.s32 v0, v8;
	v3 =	vor.u32 v3, v7  }
0x214: {  	v4 =	vor.u32 v4, v43;
	v3 =	vor.u32 v1, v3  }
0x215: {  	v4 =	vor.u32 v1, v4  }
0x216: {  	[tilespmem:v2+s17+$0x1F0 ss:$0x1] =	vst.idx.msk $0xffff, v5  }
0x217: {  	v44 =	vld [tilespmem:s18+$0x740]  }
0x218: {  	v45 =	vld.idx.msk [tilespmem:v6+s11+$0x0], $0xffff  }
0x219: {  	v3 =	vld.idx.msk [tilespmem:v3+s11+$0x0], $0xffff  }
0x21a: {  	v4 =	vld.idx.msk [tilespmem:v4+s11+$0x0], $0xffff;
	_ =	sdelay $0x1  }
0x21b: {  	v46 =	vshll.u32 v44, $0x3  }
0x21c: {  	v6 =	vand.u32 $0xFFFFFC00, v46;
	[tilespmem:v2+s17+$0xC60 ss:$0x1] =	vst.idx.msk $0xffff, v45  }
0x21d: {  	v7 =	vand.u32 $0x7F, v44;
	v6 =	vadd.s32 v0, v6;
	v48 =	vld [tilespmem:s18+$0x1F0];
	[tilespmem:v2+s17+$0xCE0 ss:$0x1] =	vst.idx.msk $0xffff, v3  }
0x21e: {  	v47 =	vor.u32 v7, v6;
	[tilespmem:v2+s17+$0xD60 ss:$0x1] =	vst.idx.msk $0xffff, v4;
	v3 =	vld [tilespmem:s18+$0x430]  }
0x21f: {  	v5 =	vor.u32 v1, v47;
	v4 =	vld [tilespmem:s18+$0x670];
	_ =	sdelay $0x2  }
0x220: {  	v49 =	vshll.u32 v48, $0x3  }
0x221: {  	v6 =	vand.u32 $0x7F, v48;
	v7 =	vand.u32 $0xFFFFFC00, v49  }
0x222: {  	v5 =	vld.idx.msk [tilespmem:v5+s11+$0x0], $0xffff;
	v7 =	vadd.s32 v0, v7;
	v50 =	vshll.u32 v3, $0x3;
	v51 =	vshll.u32 v4, $0x3  }
0x223: {  	v3 =	vand.u32 $0x7F, v3;
	v6 =	vor.u32 v6, v7;
	v7 =	vand.u32 $0xFFFFFC00, v50  }
0x224: {  	v4 =	vand.u32 $0x7F, v4;
	v8 =	vand.u32 $0xFFFFFC00, v51;
	v7 =	vadd.s32 v0, v7  }
0x225: {  	v6 =	vor.u32 v1, v6;
	v52 =	vadd.s32 v0, v8;
	v3 =	vor.u32 v3, v7  }
0x226: {  	v4 =	vor.u32 v4, v52;
	v3 =	vor.u32 v1, v3  }
0x227: {  	[tilespmem:v2+s17+$0x580 ss:$0x1] =	vst.idx.msk $0xffff, v5;
	v4 =	vor.u32 v1, v4  }
0x228: {  	v53 =	vld [tilespmem:s18+$0x750];
	_ =	sdelay $0x1  }
0x229: {  	v54 =	vld.idx.msk [tilespmem:v6+s11+$0x0], $0xffff  }
0x22a: {  	v3 =	vld.idx.msk [tilespmem:v3+s11+$0x0], $0xffff  }
0x22b: {  	v4 =	vld.idx.msk [tilespmem:v4+s11+$0x0], $0xffff  }
0x22c: {  	v55 =	vshll.u32 v53, $0x3  }
0x22d: {  	v6 =	vand.u32 $0xFFFFFC00, v55  }
0x22e: {  	v7 =	vand.u32 $0x7F, v53;
	v6 =	vadd.s32 v0, v6;
	[tilespmem:v2+s17+$0xC70 ss:$0x1] =	vst.idx.msk $0xffff, v54  }
0x22f: {  	v56 =	vor.u32 v7, v6;
	v57 =	vld [tilespmem:s18+$0x200];
	[tilespmem:v2+s17+$0xCF0 ss:$0x1] =	vst.idx.msk $0xffff, v3  }
0x230: {  	v5 =	vor.u32 v1, v56;
	[tilespmem:v2+s17+$0xD70 ss:$0x1] =	vst.idx.msk $0xffff, v4;
	v3 =	vld [tilespmem:s18+$0x440]  }
0x231: {  	v4 =	vld [tilespmem:s18+$0x680];
	_ =	sdelay $0x2  }
0x232: {  	v58 =	vshll.u32 v57, $0x3  }
0x233: {  	v5 =	vld.idx.msk [tilespmem:v5+s11+$0x0], $0xffff;
	v6 =	vand.u32 $0x7F, v57;
	v7 =	vand.u32 $0xFFFFFC00, v58  }
0x234: {  	v7 =	vadd.s32 v0, v7;
	v59 =	vshll.u32 v3, $0x3;
	v60 =	vshll.u32 v4, $0x3  }
0x235: {  	v3 =	vand.u32 $0x7F, v3;
	v6 =	vor.u32 v6, v7;
	v7 =	vand.u32 $0xFFFFFC00, v59  }
0x236: {  	v4 =	vand.u32 $0x7F, v4;
	v8 =	vand.u32 $0xFFFFFC00, v60;
	v7 =	vadd.s32 v0, v7  }
0x237: {  	v6 =	vor.u32 v1, v6;
	v61 =	vadd.s32 v0, v8;
	v3 =	vor.u32 v3, v7  }
0x238: {  	[tilespmem:v2+s17+$0x590 ss:$0x1] =	vst.idx.msk $0xffff, v5;
	v4 =	vor.u32 v4, v61;
	v3 =	vor.u32 v1, v3  }
0x239: {  	v62 =	vld [tilespmem:s18+$0x760];
	v4 =	vor.u32 v1, v4;
	_ =	sdelay $0x2  }
0x23a: {  	v63 =	vld.idx.msk [tilespmem:v6+s11+$0x0], $0xffff  }
0x23b: {  	v3 =	vld.idx.msk [tilespmem:v3+s11+$0x0], $0xffff  }
0x23c: {  	v9 =	vshll.u32 v62, $0x3;
	v4 =	vld.idx.msk [tilespmem:v4+s11+$0x0], $0xffff  }
0x23d: {  	v6 =	vand.u32 $0xFFFFFC00, v9  }
0x23e: {  	v7 =	vand.u32 $0x7F, v62;
	v6 =	vadd.s32 v0, v6  }
0x23f: {  	[tilespmem:v2+s17+$0x1000 ss:$0x1] =	vst.idx.msk $0xffff, v63;
	v10 =	vor.u32 v7, v6  }
0x240: {  	v11 =	vld [tilespmem:s18+$0x210];
	v5 =	vor.u32 v1, v10;
	[tilespmem:v2+s17+$0x1080 ss:$0x1] =	vst.idx.msk $0xffff, v3  }
0x241: {  	[tilespmem:v2+s17+$0x1100 ss:$0x1] =	vst.idx.msk $0xffff, v4;
	v3 =	vld [tilespmem:s18+$0x450]  }
0x242: {  	v4 =	vld [tilespmem:s18+$0x690];
	_ =	sdelay $0x2  }
0x243: {  	v12 =	vshll.u32 v11, $0x3;
	v5 =	vld.idx.msk [tilespmem:v5+s11+$0x0], $0xffff  }
0x244: {  	v6 =	vand.u32 $0x7F, v11;
	v7 =	vand.u32 $0xFFFFFC00, v12  }
0x245: {  	v7 =	vadd.s32 v0, v7;
	v13 =	vshll.u32 v3, $0x3;
	v14 =	vshll.u32 v4, $0x3  }
0x246: {  	v3 =	vand.u32 $0x7F, v3;
	v6 =	vor.u32 v6, v7;
	v7 =	vand.u32 $0xFFFFFC00, v13  }
0x247: {  	v8 =	vand.u32 $0xFFFFFC00, v14;
	v6 =	vor.u32 v1, v6;
	v7 =	vadd.s32 v0, v7  }
0x248: {  	v4 =	vand.u32 $0x7F, v4;
	v15 =	vadd.s32 v0, v8;
	[tilespmem:v2+s17+$0x5A0 ss:$0x1] =	vst.idx.msk $0xffff, v5;
	v3 =	vor.u32 v3, v7  }
0x249: {  	v4 =	vor.u32 v4, v15;
	v16 =	vld [tilespmem:s18+$0x770];
	v3 =	vor.u32 v1, v3  }
0x24a: {  	v4 =	vor.u32 v1, v4;
	_ =	sdelay $0x2  }
0x24b: {  	v17 =	vld.idx.msk [tilespmem:v6+s11+$0x0], $0xffff  }
0x24c: {  	v18 =	vshll.u32 v16, $0x3;
	v3 =	vld.idx.msk [tilespmem:v3+s11+$0x0], $0xffff  }
0x24d: {  	v4 =	vld.idx.msk [tilespmem:v4+s11+$0x0], $0xffff;
	v6 =	vand.u32 $0xFFFFFC00, v18  }
0x24e: {  	v7 =	vand.u32 $0x7F, v16;
	v6 =	vadd.s32 v0, v6  }
0x24f: {  	v19 =	vor.u32 v7, v6  }
0x250: {  	[tilespmem:v2+s17+$0x1010 ss:$0x1] =	vst.idx.msk $0xffff, v17;
	v5 =	vor.u32 v1, v19  }
0x251: {  	v20 =	vld [tilespmem:s18+$0x220];
	[tilespmem:v2+s17+$0x1090 ss:$0x1] =	vst.idx.msk $0xffff, v3  }
0x252: {  	[tilespmem:v2+s17+$0x1110 ss:$0x1] =	vst.idx.msk $0xffff, v4;
	v3 =	vld [tilespmem:s18+$0x460]  }
0x253: {  	v4 =	vld [tilespmem:s18+$0x6A0];
	_ =	sdelay $0x1  }
0x254: {  	v5 =	vld.idx.msk [tilespmem:v5+s11+$0x0], $0xffff  }
0x255: {  	v21 =	vshll.u32 v20, $0x3  }
0x256: {  	v6 =	vand.u32 $0x7F, v20;
	v7 =	vand.u32 $0xFFFFFC00, v21  }
0x257: {  	v7 =	vadd.s32 v0, v7;
	v22 =	vshll.u32 v3, $0x3;
	v23 =	vshll.u32 v4, $0x3  }
0x258: {  	v3 =	vand.u32 $0x7F, v3;
	v6 =	vor.u32 v6, v7;
	v7 =	vand.u32 $0xFFFFFC00, v22  }
0x259: {  	v4 =	vand.u32 $0x7F, v4;
	v8 =	vand.u32 $0xFFFFFC00, v23;
	v7 =	vadd.s32 v0, v7;
	[tilespmem:v2+s17+$0x5B0 ss:$0x1] =	vst.idx.msk $0xffff, v5  }
0x25a: {  	v6 =	vor.u32 v1, v6;
	v24 =	vadd.s32 v0, v8;
	v3 =	vor.u32 v3, v7;
	v25 =	vld [tilespmem:s18+$0x780]  }
0x25b: {  	v4 =	vor.u32 v4, v24;
	v3 =	vor.u32 v1, v3  }
0x25c: {  	v4 =	vor.u32 v1, v4;
	_ =	sdelay $0x2  }
0x25d: {  	v26 =	vld.idx.msk [tilespmem:v6+s11+$0x0], $0xffff;
	v27 =	vshll.u32 v25, $0x3  }
0x25e: {  	v3 =	vld.idx.msk [tilespmem:v3+s11+$0x0], $0xffff;
	v6 =	vand.u32 $0xFFFFFC00, v27  }
0x25f: {  	v4 =	vld.idx.msk [tilespmem:v4+s11+$0x0], $0xffff;
	v7 =	vand.u32 $0x7F, v25;
	v6 =	vadd.s32 v0, v6  }
0x260: {  	v6 =	vor.u32 v7, v6  }
0x261: {  	v28 =	vor.u32 v1, v6  }
0x262: {  	[tilespmem:v2+s17+$0x1020 ss:$0x1] =	vst.idx.msk $0xffff, v26  }
0x263: {  	v29 =	vld [tilespmem:s18+$0x230];
	[tilespmem:v2+s17+$0x10A0 ss:$0x1] =	vst.idx.msk $0xffff, v3  }
0x264: {  	[tilespmem:v2+s17+$0x1120 ss:$0x1] =	vst.idx.msk $0xffff, v4;
	v3 =	vld [tilespmem:s18+$0x470]  }
0x265: {  	v4 =	vld [tilespmem:s18+$0x6B0]  }
0x266: {  	v5 =	vld.idx.msk [tilespmem:v28+s11+$0x0], $0xffff;
	_ =	sdelay $0x1  }
0x267: {  	v30 =	vshll.u32 v29, $0x3  }
0x268: {  	v6 =	vand.u32 $0x7F, v29;
	v7 =	vand.u32 $0xFFFFFC00, v30  }
0x269: {  	v7 =	vadd.s32 v0, v7;
	v31 =	vshll.u32 v3, $0x3;
	v32 =	vshll.u32 v4, $0x3  }
0x26a: {  	v3 =	vand.u32 $0x7F, v3;
	v6 =	vor.u32 v6, v7;
	v7 =	vand.u32 $0xFFFFFC00, v31;
	[tilespmem:v2+s17+$0x5C0 ss:$0x1] =	vst.idx.msk $0xffff, v5  }
0x26b: {  	v4 =	vand.u32 $0x7F, v4;
	v34 =	vand.u32 $0xFFFFFC00, v32;
	v33 =	vadd.s32 v0, v7;
	v35 =	vld [tilespmem:s18+$0x790]  }
0x26c: {  	v6 =	vor.u32 v1, v6;
	v36 =	vadd.s32 v0, v34;
	v3 =	vor.u32 v3, v33  }
0x26d: {  	v4 =	vor.u32 v4, v36;
	v3 =	vor.u32 v1, v3  }
0x26e: {  	v4 =	vor.u32 v1, v4;
	_ =	sdelay $0x1  }
0x26f: {  	v37 =	vshll.u32 v35, $0x3  }
0x270: {  	v6 =	vld.idx.msk [tilespmem:v6+s11+$0x0], $0xffff;
	v5 =	vand.u32 $0xFFFFFC00, v37  }
0x271: {  	v3 =	vld.idx.msk [tilespmem:v3+s11+$0x0], $0xffff;
	v38 =	vand.u32 $0x7F, v35;
	v5 =	vadd.s32 v0, v5  }
0x272: {  	v4 =	vld.idx.msk [tilespmem:v4+s11+$0x0], $0xffff;
	v5 =	vor.u32 v38, v5  }
0x273: {  	v5 =	vor.u32 v1, v5;
	_ =	sdelay $0x1  }
0x274: {  	[tilespmem:v2+s17+$0x1030 ss:$0x1] =	vst.idx.msk $0xffff, v6  }
0x275: {  	[tilespmem:v2+s17+$0x10B0 ss:$0x1] =	vst.idx.msk $0xffff, v3  }
0x276: {  	[tilespmem:v2+s17+$0x1130 ss:$0x1] =	vst.idx.msk $0xffff, v4  }
0x277: {  	v3 =	vld.idx.msk [tilespmem:v5+s11+$0x0], $0xffff  }
0x278: {  	v39 =	vld [tilespmem:s18+$0x900];
	_ =	sdelay $0x1  }
0x279: {  	v5 =	vld [tilespmem:s18+$0xB40];
	_ =	sdelay $0x2  }
0x27a: {  	v41 =	vld [tilespmem:s18+$0xD80];
	v40 =	vshll.u32 v39, $0x3  }
0x27b: {  	v6 =	vand.u32 $0xFFFFFC00, v40  }
0x27c: {  	v9 =	vld [tilespmem:s18+$0xFC0];
	v4 =	vand.u32 $0x7F, v39;
	v42 =	vshll.u32 v5, $0x3;
	v6 =	vadd.s32 v0, v6  }
0x27d: {  	v43 =	vand.u32 $0xFFFFFC00, v42;
	v4 =	vor.u32 v4, v6  }
0x27e: {  	v5 =	vand.u32 $0x7F, v5;
	v6 =	vadd.s32 v0, v43;
	v4 =	vor.u32 v1, v4  }
0x27f: {  	v44 =	vshll.u32 v41, $0x3;
	v5 =	vor.u32 v5, v6  }
0x280: {  	v6 =	vand.u32 $0xFFFFFC00, v44;
	v5 =	vor.u32 v1, v5  }
0x281: {  	v7 =	vand.u32 $0x7F, v41;
	v45 =	vshll.u32 v9, $0x3;
	v6 =	vadd.s32 v0, v6  }
0x282: {  	v46 =	vand.u32 $0xFFFFFC00, v45;
	v6 =	vor.u32 v7, v6  }
0x283: {  	v47 =	vand.u32 $0x7F, v9;
	v7 =	vadd.s32 v0, v46;
	v6 =	vor.u32 v1, v6;
	v4 =	vld.idx.msk [tilespmem:v4+s11+$0x0], $0xffff  }
0x284: {  	v7 =	vor.u32 v47, v7  }
0x285: {  	v7 =	vor.u32 v1, v7;
	v5 =	vld.idx.msk [tilespmem:v5+s11+$0x0], $0xffff;
	_ =	sdelay $0x2  }
0x286: {  	v48 =	vld.idx.msk [tilespmem:v6+s11+$0x0], $0xffff;
	[tilespmem:v2+s17+$0x200 ss:$0x1] =	vst.idx.msk $0xffff, v4  }
0x287: {  	v49 =	vld [tilespmem:s18+$0x910]  }
0x288: {  	v50 =	vld.idx.msk [tilespmem:v7+s11+$0x0], $0xffff;
	[tilespmem:v2+s17+$0x280 ss:$0x1] =	vst.idx.msk $0xffff, v5  }
0x289: {  	v51 =	vld [tilespmem:s18+$0xB50];
	_ =	sdelay $0x1  }
0x28a: {  	[tilespmem:v2+s17+$0x300 ss:$0x1] =	vst.idx.msk $0xffff, v48  }
0x28b: {  	v53 =	vld [tilespmem:s18+$0xD90];
	v52 =	vshll.u32 v49, $0x3  }
0x28c: {  	[tilespmem:v2+s17+$0x380 ss:$0x1] =	vst.idx.msk $0xffff, v50;
	v4 =	vand.u32 $0xFFFFFC00, v52  }
0x28d: {  	v56 =	vld [tilespmem:s18+$0xFD0];
	v54 =	vand.u32 $0x7F, v49;
	v55 =	vshll.u32 v51, $0x3;
	v4 =	vadd.s32 v0, v4  }
0x28e: {  	v57 =	vand.u32 $0xFFFFFC00, v55;
	v4 =	vor.u32 v54, v4  }
0x28f: {  	v58 =	vand.u32 $0x7F, v51;
	v5 =	vadd.s32 v0, v57;
	v4 =	vor.u32 v1, v4  }
0x290: {  	v59 =	vshll.u32 v53, $0x3;
	v5 =	vor.u32 v58, v5  }
0x291: {  	v6 =	vand.u32 $0xFFFFFC00, v59;
	v5 =	vor.u32 v1, v5  }
0x292: {  	v60 =	vand.u32 $0x7F, v53;
	v61 =	vshll.u32 v56, $0x3;
	v6 =	vadd.s32 v0, v6  }
0x293: {  	v62 =	vand.u32 $0xFFFFFC00, v61;
	v6 =	vor.u32 v60, v6  }
0x294: {  	v63 =	vand.u32 $0x7F, v56;
	v7 =	vadd.s32 v0, v62;
	v6 =	vor.u32 v1, v6;
	v4 =	vld.idx.msk [tilespmem:v4+s11+$0x0], $0xffff  }
0x295: {  	v7 =	vor.u32 v63, v7  }
0x296: {  	v7 =	vor.u32 v1, v7;
	v5 =	vld.idx.msk [tilespmem:v5+s11+$0x0], $0xffff;
	_ =	sdelay $0x2  }
0x297: {  	v11 =	vld.idx.msk [tilespmem:v6+s11+$0x0], $0xffff;
	[tilespmem:v2+s17+$0x210 ss:$0x1] =	vst.idx.msk $0xffff, v4  }
0x298: {  	v12 =	vld [tilespmem:s18+$0x920]  }
0x299: {  	v13 =	vld.idx.msk [tilespmem:v7+s11+$0x0], $0xffff;
	[tilespmem:v2+s17+$0x290 ss:$0x1] =	vst.idx.msk $0xffff, v5  }
0x29a: {  	v14 =	vld [tilespmem:s18+$0xB60];
	_ =	sdelay $0x1  }
0x29b: {  	[tilespmem:v2+s17+$0x310 ss:$0x1] =	vst.idx.msk $0xffff, v11  }
0x29c: {  	v16 =	vld [tilespmem:s18+$0xDA0];
	v15 =	vshll.u32 v12, $0x3  }
0x29d: {  	[tilespmem:v2+s17+$0x390 ss:$0x1] =	vst.idx.msk $0xffff, v13;
	v4 =	vand.u32 $0xFFFFFC00, v15  }
0x29e: {  	v19 =	vld [tilespmem:s18+$0xFE0];
	v17 =	vand.u32 $0x7F, v12;
	v18 =	vshll.u32 v14, $0x3;
	v4 =	vadd.s32 v0, v4  }
0x29f: {  	v20 =	vand.u32 $0xFFFFFC00, v18;
	v4 =	vor.u32 v17, v4  }
0x2a0: {  	v21 =	vand.u32 $0x7F, v14;
	v5 =	vadd.s32 v0, v20;
	v4 =	vor.u32 v1, v4  }
0x2a1: {  	v22 =	vshll.u32 v16, $0x3;
	v5 =	vor.u32 v21, v5  }
0x2a2: {  	v6 =	vand.u32 $0xFFFFFC00, v22;
	v5 =	vor.u32 v1, v5  }
0x2a3: {  	v23 =	vand.u32 $0x7F, v16;
	v24 =	vshll.u32 v19, $0x3;
	v6 =	vadd.s32 v0, v6  }
0x2a4: {  	v25 =	vand.u32 $0xFFFFFC00, v24;
	v6 =	vor.u32 v23, v6  }
0x2a5: {  	v26 =	vand.u32 $0x7F, v19;
	v7 =	vadd.s32 v0, v25;
	v6 =	vor.u32 v1, v6;
	v4 =	vld.idx.msk [tilespmem:v4+s11+$0x0], $0xffff  }
0x2a6: {  	v7 =	vor.u32 v26, v7  }
0x2a7: {  	v7 =	vor.u32 v1, v7;
	v5 =	vld.idx.msk [tilespmem:v5+s11+$0x0], $0xffff;
	_ =	sdelay $0x2  }
0x2a8: {  	v27 =	vld.idx.msk [tilespmem:v6+s11+$0x0], $0xffff;
	[tilespmem:v2+s17+$0x220 ss:$0x1] =	vst.idx.msk $0xffff, v4  }
0x2a9: {  	v28 =	vld [tilespmem:s18+$0x930]  }
0x2aa: {  	v29 =	vld.idx.msk [tilespmem:v7+s11+$0x0], $0xffff;
	[tilespmem:v2+s17+$0x2A0 ss:$0x1] =	vst.idx.msk $0xffff, v5  }
0x2ab: {  	v30 =	vld [tilespmem:s18+$0xB70];
	_ =	sdelay $0x1  }
0x2ac: {  	[tilespmem:v2+s17+$0x320 ss:$0x1] =	vst.idx.msk $0xffff, v27  }
0x2ad: {  	v32 =	vld [tilespmem:s18+$0xDB0];
	v31 =	vshll.u32 v28, $0x3  }
0x2ae: {  	[tilespmem:v2+s17+$0x3A0 ss:$0x1] =	vst.idx.msk $0xffff, v29;
	v4 =	vand.u32 $0xFFFFFC00, v31  }
0x2af: {  	v35 =	vld [tilespmem:s18+$0xFF0];
	v33 =	vand.u32 $0x7F, v28;
	v34 =	vshll.u32 v30, $0x3;
	v4 =	vadd.s32 v0, v4  }
0x2b0: {  	v36 =	vand.u32 $0xFFFFFC00, v34;
	v4 =	vor.u32 v33, v4  }
0x2b1: {  	v37 =	vand.u32 $0x7F, v30;
	v5 =	vadd.s32 v0, v36;
	v4 =	vor.u32 v1, v4  }
0x2b2: {  	v38 =	vshll.u32 v32, $0x3;
	v5 =	vor.u32 v37, v5  }
0x2b3: {  	v6 =	vand.u32 $0xFFFFFC00, v38;
	v5 =	vor.u32 v1, v5  }
0x2b4: {  	v39 =	vand.u32 $0x7F, v32;
	v40 =	vshll.u32 v35, $0x3;
	v6 =	vadd.s32 v0, v6  }
0x2b5: {  	v41 =	vand.u32 $0xFFFFFC00, v40;
	v6 =	vor.u32 v39, v6  }
0x2b6: {  	v42 =	vand.u32 $0x7F, v35;
	v7 =	vadd.s32 v0, v41;
	v6 =	vor.u32 v1, v6;
	v4 =	vld.idx.msk [tilespmem:v4+s11+$0x0], $0xffff  }
0x2b7: {  	v7 =	vor.u32 v42, v7  }
0x2b8: {  	v7 =	vor.u32 v1, v7;
	v5 =	vld.idx.msk [tilespmem:v5+s11+$0x0], $0xffff;
	_ =	sdelay $0x2  }
0x2b9: {  	v43 =	vld.idx.msk [tilespmem:v6+s11+$0x0], $0xffff;
	[tilespmem:v2+s17+$0x230 ss:$0x1] =	vst.idx.msk $0xffff, v4  }
0x2ba: {  	v44 =	vld [tilespmem:s18+$0x940]  }
0x2bb: {  	v45 =	vld.idx.msk [tilespmem:v7+s11+$0x0], $0xffff;
	[tilespmem:v2+s17+$0x2B0 ss:$0x1] =	vst.idx.msk $0xffff, v5  }
0x2bc: {  	v46 =	vld [tilespmem:s18+$0xB80];
	_ =	sdelay $0x1  }
0x2bd: {  	[tilespmem:v2+s17+$0x330 ss:$0x1] =	vst.idx.msk $0xffff, v43  }
0x2be: {  	v48 =	vld [tilespmem:s18+$0xDC0];
	v47 =	vshll.u32 v44, $0x3  }
0x2bf: {  	[tilespmem:v2+s17+$0x3B0 ss:$0x1] =	vst.idx.msk $0xffff, v45;
	v4 =	vand.u32 $0xFFFFFC00, v47  }
0x2c0: {  	v51 =	vld [tilespmem:s18+$0x1000];
	v49 =	vand.u32 $0x7F, v44;
	v50 =	vshll.u32 v46, $0x3;
	v4 =	vadd.s32 v0, v4  }
0x2c1: {  	v52 =	vand.u32 $0xFFFFFC00, v50;
	v4 =	vor.u32 v49, v4  }
0x2c2: {  	v53 =	vand.u32 $0x7F, v46;
	v5 =	vadd.s32 v0, v52;
	v4 =	vor.u32 v1, v4  }
0x2c3: {  	v54 =	vshll.u32 v48, $0x3;
	v5 =	vor.u32 v53, v5  }
0x2c4: {  	v6 =	vand.u32 $0xFFFFFC00, v54;
	v5 =	vor.u32 v1, v5  }
0x2c5: {  	v55 =	vand.u32 $0x7F, v48;
	v56 =	vshll.u32 v51, $0x3;
	v6 =	vadd.s32 v0, v6  }
0x2c6: {  	v57 =	vand.u32 $0xFFFFFC00, v56;
	v6 =	vor.u32 v55, v6  }
0x2c7: {  	v58 =	vand.u32 $0x7F, v51;
	v7 =	vadd.s32 v0, v57;
	v6 =	vor.u32 v1, v6;
	v4 =	vld.idx.msk [tilespmem:v4+s11+$0x0], $0xffff  }
0x2c8: {  	v7 =	vor.u32 v58, v7  }
0x2c9: {  	v7 =	vor.u32 v1, v7;
	v5 =	vld.idx.msk [tilespmem:v5+s11+$0x0], $0xffff;
	_ =	sdelay $0x2  }
0x2ca: {  	v59 =	vld.idx.msk [tilespmem:v6+s11+$0x0], $0xffff;
	[tilespmem:v2+s17+$0x240 ss:$0x1] =	vst.idx.msk $0xffff, v4  }
0x2cb: {  	v60 =	vld [tilespmem:s18+$0x950]  }
0x2cc: {  	v61 =	vld.idx.msk [tilespmem:v7+s11+$0x0], $0xffff;
	[tilespmem:v2+s17+$0x2C0 ss:$0x1] =	vst.idx.msk $0xffff, v5  }
0x2cd: {  	v62 =	vld [tilespmem:s18+$0xB90];
	_ =	sdelay $0x1  }
0x2ce: {  	[tilespmem:v2+s17+$0x340 ss:$0x1] =	vst.idx.msk $0xffff, v59  }
0x2cf: {  	v12 =	vld [tilespmem:s18+$0xDD0];
	v63 =	vshll.u32 v60, $0x3  }
0x2d0: {  	[tilespmem:v2+s17+$0x3C0 ss:$0x1] =	vst.idx.msk $0xffff, v61;
	v4 =	vand.u32 $0xFFFFFC00, v63  }
0x2d1: {  	v15 =	vld [tilespmem:s18+$0x1010];
	v13 =	vand.u32 $0x7F, v60;
	v14 =	vshll.u32 v62, $0x3;
	v4 =	vadd.s32 v0, v4  }
0x2d2: {  	v16 =	vand.u32 $0xFFFFFC00, v14;
	v4 =	vor.u32 v13, v4  }
0x2d3: {  	v17 =	vand.u32 $0x7F, v62;
	v5 =	vadd.s32 v0, v16;
	v4 =	vor.u32 v1, v4  }
0x2d4: {  	v18 =	vshll.u32 v12, $0x3;
	v5 =	vor.u32 v17, v5  }
0x2d5: {  	v6 =	vand.u32 $0xFFFFFC00, v18;
	v5 =	vor.u32 v1, v5  }
0x2d6: {  	v19 =	vand.u32 $0x7F, v12;
	v20 =	vshll.u32 v15, $0x3;
	v6 =	vadd.s32 v0, v6  }
0x2d7: {  	v21 =	vand.u32 $0xFFFFFC00, v20;
	v6 =	vor.u32 v19, v6  }
0x2d8: {  	v22 =	vand.u32 $0x7F, v15;
	v7 =	vadd.s32 v0, v21;
	v6 =	vor.u32 v1, v6;
	v4 =	vld.idx.msk [tilespmem:v4+s11+$0x0], $0xffff  }
0x2d9: {  	v7 =	vor.u32 v22, v7  }
0x2da: {  	v7 =	vor.u32 v1, v7;
	v5 =	vld.idx.msk [tilespmem:v5+s11+$0x0], $0xffff;
	_ =	sdelay $0x2  }
0x2db: {  	v23 =	vld.idx.msk [tilespmem:v6+s11+$0x0], $0xffff;
	[tilespmem:v2+s17+$0x250 ss:$0x1] =	vst.idx.msk $0xffff, v4  }
0x2dc: {  	v24 =	vld [tilespmem:s18+$0x960]  }
0x2dd: {  	v25 =	vld.idx.msk [tilespmem:v7+s11+$0x0], $0xffff;
	[tilespmem:v2+s17+$0x2D0 ss:$0x1] =	vst.idx.msk $0xffff, v5  }
0x2de: {  	v26 =	vld [tilespmem:s18+$0xBA0];
	_ =	sdelay $0x1  }
0x2df: {  	[tilespmem:v2+s17+$0x350 ss:$0x1] =	vst.idx.msk $0xffff, v23  }
0x2e0: {  	v28 =	vld [tilespmem:s18+$0xDE0];
	v27 =	vshll.u32 v24, $0x3  }
0x2e1: {  	[tilespmem:v2+s17+$0x3D0 ss:$0x1] =	vst.idx.msk $0xffff, v25;
	v4 =	vand.u32 $0xFFFFFC00, v27  }
0x2e2: {  	v31 =	vld [tilespmem:s18+$0x1020];
	v29 =	vand.u32 $0x7F, v24;
	v30 =	vshll.u32 v26, $0x3;
	v4 =	vadd.s32 v0, v4  }
0x2e3: {  	v32 =	vand.u32 $0xFFFFFC00, v30;
	v4 =	vor.u32 v29, v4  }
0x2e4: {  	v33 =	vand.u32 $0x7F, v26;
	v5 =	vadd.s32 v0, v32;
	v4 =	vor.u32 v1, v4  }
0x2e5: {  	v34 =	vshll.u32 v28, $0x3;
	v5 =	vor.u32 v33, v5  }
0x2e6: {  	v6 =	vand.u32 $0xFFFFFC00, v34;
	v5 =	vor.u32 v1, v5  }
0x2e7: {  	v35 =	vand.u32 $0x7F, v28;
	v36 =	vshll.u32 v31, $0x3;
	v6 =	vadd.s32 v0, v6  }
0x2e8: {  	v37 =	vand.u32 $0xFFFFFC00, v36;
	v6 =	vor.u32 v35, v6  }
0x2e9: {  	v38 =	vand.u32 $0x7F, v31;
	v7 =	vadd.s32 v0, v37;
	v6 =	vor.u32 v1, v6;
	v4 =	vld.idx.msk [tilespmem:v4+s11+$0x0], $0xffff  }
0x2ea: {  	v7 =	vor.u32 v38, v7  }
0x2eb: {  	v7 =	vor.u32 v1, v7;
	v5 =	vld.idx.msk [tilespmem:v5+s11+$0x0], $0xffff;
	_ =	sdelay $0x2  }
0x2ec: {  	v39 =	vld.idx.msk [tilespmem:v6+s11+$0x0], $0xffff;
	[tilespmem:v2+s17+$0x260 ss:$0x1] =	vst.idx.msk $0xffff, v4  }
0x2ed: {  	v40 =	vld [tilespmem:s18+$0x970]  }
0x2ee: {  	v41 =	vld.idx.msk [tilespmem:v7+s11+$0x0], $0xffff;
	[tilespmem:v2+s17+$0x2E0 ss:$0x1] =	vst.idx.msk $0xffff, v5  }
0x2ef: {  	v42 =	vld [tilespmem:s18+$0xBB0];
	_ =	sdelay $0x1  }
0x2f0: {  	[tilespmem:v2+s17+$0x360 ss:$0x1] =	vst.idx.msk $0xffff, v39  }
0x2f1: {  	v44 =	vld [tilespmem:s18+$0xDF0];
	v43 =	vshll.u32 v40, $0x3  }
0x2f2: {  	[tilespmem:v2+s17+$0x3E0 ss:$0x1] =	vst.idx.msk $0xffff, v41;
	v4 =	vand.u32 $0xFFFFFC00, v43  }
0x2f3: {  	v47 =	vld [tilespmem:s18+$0x1030];
	v45 =	vand.u32 $0x7F, v40;
	v46 =	vshll.u32 v42, $0x3;
	v4 =	vadd.s32 v0, v4  }
0x2f4: {  	v48 =	vand.u32 $0xFFFFFC00, v46;
	v4 =	vor.u32 v45, v4  }
0x2f5: {  	v49 =	vand.u32 $0x7F, v42;
	v5 =	vadd.s32 v0, v48;
	v4 =	vor.u32 v1, v4  }
0x2f6: {  	v50 =	vshll.u32 v44, $0x3;
	v5 =	vor.u32 v49, v5  }
0x2f7: {  	v6 =	vand.u32 $0xFFFFFC00, v50;
	v5 =	vor.u32 v1, v5  }
0x2f8: {  	v51 =	vand.u32 $0x7F, v44;
	v52 =	vshll.u32 v47, $0x3;
	v6 =	vadd.s32 v0, v6  }
0x2f9: {  	v53 =	vand.u32 $0xFFFFFC00, v52;
	v6 =	vor.u32 v51, v6  }
0x2fa: {  	v54 =	vand.u32 $0x7F, v47;
	v7 =	vadd.s32 v0, v53;
	v6 =	vor.u32 v1, v6;
	v4 =	vld.idx.msk [tilespmem:v4+s11+$0x0], $0xffff  }
0x2fb: {  	v7 =	vor.u32 v54, v7  }
0x2fc: {  	v7 =	vor.u32 v1, v7;
	v5 =	vld.idx.msk [tilespmem:v5+s11+$0x0], $0xffff;
	_ =	sdelay $0x2  }
0x2fd: {  	v55 =	vld.idx.msk [tilespmem:v6+s11+$0x0], $0xffff;
	[tilespmem:v2+s17+$0x270 ss:$0x1] =	vst.idx.msk $0xffff, v4  }
0x2fe: {  	v56 =	vld [tilespmem:s18+$0x980]  }
0x2ff: {  	v57 =	vld.idx.msk [tilespmem:v7+s11+$0x0], $0xffff;
	[tilespmem:v2+s17+$0x2F0 ss:$0x1] =	vst.idx.msk $0xffff, v5  }
0x300: {  	v58 =	vld [tilespmem:s18+$0xBC0];
	_ =	sdelay $0x1  }
0x301: {  	[tilespmem:v2+s17+$0x370 ss:$0x1] =	vst.idx.msk $0xffff, v55  }
0x302: {  	v60 =	vld [tilespmem:s18+$0xE00];
	v59 =	vshll.u32 v56, $0x3  }
0x303: {  	[tilespmem:v2+s17+$0x3F0 ss:$0x1] =	vst.idx.msk $0xffff, v57;
	v4 =	vand.u32 $0xFFFFFC00, v59  }
0x304: {  	v63 =	vld [tilespmem:s18+$0x1040];
	v61 =	vand.u32 $0x7F, v56;
	v62 =	vshll.u32 v58, $0x3;
	v4 =	vadd.s32 v0, v4  }
0x305: {  	v12 =	vand.u32 $0xFFFFFC00, v62;
	v4 =	vor.u32 v61, v4  }
0x306: {  	v13 =	vand.u32 $0x7F, v58;
	v5 =	vadd.s32 v0, v12;
	v4 =	vor.u32 v1, v4  }
0x307: {  	v14 =	vshll.u32 v60, $0x3;
	v5 =	vor.u32 v13, v5  }
0x308: {  	v6 =	vand.u32 $0xFFFFFC00, v14;
	v5 =	vor.u32 v1, v5  }
0x309: {  	v15 =	vand.u32 $0x7F, v60;
	v16 =	vshll.u32 v63, $0x3;
	v6 =	vadd.s32 v0, v6  }
0x30a: {  	v17 =	vand.u32 $0xFFFFFC00, v16;
	v6 =	vor.u32 v15, v6  }
0x30b: {  	v18 =	vand.u32 $0x7F, v63;
	v7 =	vadd.s32 v0, v17;
	v6 =	vor.u32 v1, v6;
	v4 =	vld.idx.msk [tilespmem:v4+s11+$0x0], $0xffff  }
0x30c: {  	v7 =	vor.u32 v18, v7  }
0x30d: {  	v7 =	vor.u32 v1, v7;
	v5 =	vld.idx.msk [tilespmem:v5+s11+$0x0], $0xffff;
	_ =	sdelay $0x2  }
0x30e: {  	v19 =	vld.idx.msk [tilespmem:v6+s11+$0x0], $0xffff;
	[tilespmem:v2+s17+$0x600 ss:$0x1] =	vst.idx.msk $0xffff, v4  }
0x30f: {  	v20 =	vld [tilespmem:s18+$0x990]  }
0x310: {  	v21 =	vld.idx.msk [tilespmem:v7+s11+$0x0], $0xffff;
	[tilespmem:v2+s17+$0x680 ss:$0x1] =	vst.idx.msk $0xffff, v5  }
0x311: {  	v22 =	vld [tilespmem:s18+$0xBD0];
	_ =	sdelay $0x1  }
0x312: {  	[tilespmem:v2+s17+$0x700 ss:$0x1] =	vst.idx.msk $0xffff, v19  }
0x313: {  	v24 =	vld [tilespmem:s18+$0xE10];
	v23 =	vshll.u32 v20, $0x3  }
0x314: {  	[tilespmem:v2+s17+$0x780 ss:$0x1] =	vst.idx.msk $0xffff, v21;
	v4 =	vand.u32 $0xFFFFFC00, v23  }
0x315: {  	v27 =	vld [tilespmem:s18+$0x1050];
	v25 =	vand.u32 $0x7F, v20;
	v26 =	vshll.u32 v22, $0x3;
	v4 =	vadd.s32 v0, v4  }
0x316: {  	v28 =	vand.u32 $0xFFFFFC00, v26;
	v4 =	vor.u32 v25, v4  }
0x317: {  	v29 =	vand.u32 $0x7F, v22;
	v5 =	vadd.s32 v0, v28;
	v4 =	vor.u32 v1, v4  }
0x318: {  	v30 =	vshll.u32 v24, $0x3;
	v5 =	vor.u32 v29, v5  }
0x319: {  	v6 =	vand.u32 $0xFFFFFC00, v30;
	v5 =	vor.u32 v1, v5  }
0x31a: {  	v31 =	vand.u32 $0x7F, v24;
	v32 =	vshll.u32 v27, $0x3;
	v6 =	vadd.s32 v0, v6  }
0x31b: {  	v33 =	vand.u32 $0xFFFFFC00, v32;
	v6 =	vor.u32 v31, v6  }
0x31c: {  	v34 =	vand.u32 $0x7F, v27;
	v7 =	vadd.s32 v0, v33;
	v6 =	vor.u32 v1, v6;
	v4 =	vld.idx.msk [tilespmem:v4+s11+$0x0], $0xffff  }
0x31d: {  	v7 =	vor.u32 v34, v7  }
0x31e: {  	v7 =	vor.u32 v1, v7;
	v5 =	vld.idx.msk [tilespmem:v5+s11+$0x0], $0xffff;
	_ =	sdelay $0x2  }
0x31f: {  	v35 =	vld.idx.msk [tilespmem:v6+s11+$0x0], $0xffff;
	[tilespmem:v2+s17+$0x610 ss:$0x1] =	vst.idx.msk $0xffff, v4  }
0x320: {  	v36 =	vld [tilespmem:s18+$0x9A0]  }
0x321: {  	v37 =	vld.idx.msk [tilespmem:v7+s11+$0x0], $0xffff;
	[tilespmem:v2+s17+$0x690 ss:$0x1] =	vst.idx.msk $0xffff, v5  }
0x322: {  	v38 =	vld [tilespmem:s18+$0xBE0];
	_ =	sdelay $0x1  }
0x323: {  	[tilespmem:v2+s17+$0x710 ss:$0x1] =	vst.idx.msk $0xffff, v35  }
0x324: {  	v40 =	vld [tilespmem:s18+$0xE20];
	v39 =	vshll.u32 v36, $0x3  }
0x325: {  	[tilespmem:v2+s17+$0x790 ss:$0x1] =	vst.idx.msk $0xffff, v37;
	v4 =	vand.u32 $0xFFFFFC00, v39  }
0x326: {  	v43 =	vld [tilespmem:s18+$0x1060];
	v41 =	vand.u32 $0x7F, v36;
	v42 =	vshll.u32 v38, $0x3;
	v4 =	vadd.s32 v0, v4  }
0x327: {  	v44 =	vand.u32 $0xFFFFFC00, v42;
	v4 =	vor.u32 v41, v4  }
0x328: {  	v45 =	vand.u32 $0x7F, v38;
	v5 =	vadd.s32 v0, v44;
	v4 =	vor.u32 v1, v4  }
0x329: {  	v46 =	vshll.u32 v40, $0x3;
	v5 =	vor.u32 v45, v5  }
0x32a: {  	v6 =	vand.u32 $0xFFFFFC00, v46;
	v5 =	vor.u32 v1, v5  }
0x32b: {  	v47 =	vand.u32 $0x7F, v40;
	v48 =	vshll.u32 v43, $0x3;
	v6 =	vadd.s32 v0, v6  }
0x32c: {  	v49 =	vand.u32 $0xFFFFFC00, v48;
	v6 =	vor.u32 v47, v6  }
0x32d: {  	v50 =	vand.u32 $0x7F, v43;
	v7 =	vadd.s32 v0, v49;
	v6 =	vor.u32 v1, v6;
	v4 =	vld.idx.msk [tilespmem:v4+s11+$0x0], $0xffff  }
0x32e: {  	v7 =	vor.u32 v50, v7  }
0x32f: {  	v7 =	vor.u32 v1, v7;
	v5 =	vld.idx.msk [tilespmem:v5+s11+$0x0], $0xffff;
	_ =	sdelay $0x2  }
0x330: {  	v51 =	vld.idx.msk [tilespmem:v6+s11+$0x0], $0xffff;
	[tilespmem:v2+s17+$0x620 ss:$0x1] =	vst.idx.msk $0xffff, v4  }
0x331: {  	v52 =	vld [tilespmem:s18+$0x9B0]  }
0x332: {  	v53 =	vld.idx.msk [tilespmem:v7+s11+$0x0], $0xffff;
	[tilespmem:v2+s17+$0x6A0 ss:$0x1] =	vst.idx.msk $0xffff, v5  }
0x333: {  	v54 =	vld [tilespmem:s18+$0xBF0];
	_ =	sdelay $0x1  }
0x334: {  	[tilespmem:v2+s17+$0x720 ss:$0x1] =	vst.idx.msk $0xffff, v51  }
0x335: {  	v56 =	vld [tilespmem:s18+$0xE30];
	v55 =	vshll.u32 v52, $0x3  }
0x336: {  	[tilespmem:v2+s17+$0x7A0 ss:$0x1] =	vst.idx.msk $0xffff, v53;
	v4 =	vand.u32 $0xFFFFFC00, v55  }
0x337: {  	v59 =	vld [tilespmem:s18+$0x1070];
	v57 =	vand.u32 $0x7F, v52;
	v58 =	vshll.u32 v54, $0x3;
	v4 =	vadd.s32 v0, v4  }
0x338: {  	v60 =	vand.u32 $0xFFFFFC00, v58;
	v4 =	vor.u32 v57, v4  }
0x339: {  	v61 =	vand.u32 $0x7F, v54;
	v5 =	vadd.s32 v0, v60;
	v4 =	vor.u32 v1, v4  }
0x33a: {  	v62 =	vshll.u32 v56, $0x3;
	v5 =	vor.u32 v61, v5  }
0x33b: {  	v6 =	vand.u32 $0xFFFFFC00, v62;
	v5 =	vor.u32 v1, v5  }
0x33c: {  	v63 =	vand.u32 $0x7F, v56;
	v12 =	vshll.u32 v59, $0x3;
	v6 =	vadd.s32 v0, v6  }
0x33d: {  	v13 =	vand.u32 $0xFFFFFC00, v12;
	v6 =	vor.u32 v63, v6  }
0x33e: {  	v14 =	vand.u32 $0x7F, v59;
	v7 =	vadd.s32 v0, v13;
	v6 =	vor.u32 v1, v6;
	v4 =	vld.idx.msk [tilespmem:v4+s11+$0x0], $0xffff  }
0x33f: {  	v7 =	vor.u32 v14, v7  }
0x340: {  	v7 =	vor.u32 v1, v7;
	v5 =	vld.idx.msk [tilespmem:v5+s11+$0x0], $0xffff;
	_ =	sdelay $0x2  }
0x341: {  	v15 =	vld.idx.msk [tilespmem:v6+s11+$0x0], $0xffff;
	[tilespmem:v2+s17+$0x630 ss:$0x1] =	vst.idx.msk $0xffff, v4  }
0x342: {  	v16 =	vld [tilespmem:s18+$0x9C0]  }
0x343: {  	v17 =	vld.idx.msk [tilespmem:v7+s11+$0x0], $0xffff;
	[tilespmem:v2+s17+$0x6B0 ss:$0x1] =	vst.idx.msk $0xffff, v5  }
0x344: {  	v18 =	vld [tilespmem:s18+$0xC00];
	_ =	sdelay $0x1  }
0x345: {  	[tilespmem:v2+s17+$0x730 ss:$0x1] =	vst.idx.msk $0xffff, v15  }
0x346: {  	v20 =	vld [tilespmem:s18+$0xE40];
	v19 =	vshll.u32 v16, $0x3  }
0x347: {  	[tilespmem:v2+s17+$0x7B0 ss:$0x1] =	vst.idx.msk $0xffff, v17;
	v4 =	vand.u32 $0xFFFFFC00, v19  }
0x348: {  	v23 =	vld [tilespmem:s18+$0x1080];
	v21 =	vand.u32 $0x7F, v16;
	v22 =	vshll.u32 v18, $0x3;
	v4 =	vadd.s32 v0, v4  }
0x349: {  	v24 =	vand.u32 $0xFFFFFC00, v22;
	v4 =	vor.u32 v21, v4  }
0x34a: {  	v25 =	vand.u32 $0x7F, v18;
	v5 =	vadd.s32 v0, v24;
	v4 =	vor.u32 v1, v4  }
0x34b: {  	v26 =	vshll.u32 v20, $0x3;
	v5 =	vor.u32 v25, v5  }
0x34c: {  	v6 =	vand.u32 $0xFFFFFC00, v26;
	v5 =	vor.u32 v1, v5  }
0x34d: {  	v27 =	vand.u32 $0x7F, v20;
	v28 =	vshll.u32 v23, $0x3;
	v6 =	vadd.s32 v0, v6  }
0x34e: {  	v29 =	vand.u32 $0xFFFFFC00, v28;
	v6 =	vor.u32 v27, v6  }
0x34f: {  	v30 =	vand.u32 $0x7F, v23;
	v7 =	vadd.s32 v0, v29;
	v6 =	vor.u32 v1, v6;
	v4 =	vld.idx.msk [tilespmem:v4+s11+$0x0], $0xffff  }
0x350: {  	v7 =	vor.u32 v30, v7  }
0x351: {  	v7 =	vor.u32 v1, v7;
	v5 =	vld.idx.msk [tilespmem:v5+s11+$0x0], $0xffff;
	_ =	sdelay $0x2  }
0x352: {  	v31 =	vld.idx.msk [tilespmem:v6+s11+$0x0], $0xffff;
	[tilespmem:v2+s17+$0x640 ss:$0x1] =	vst.idx.msk $0xffff, v4  }
0x353: {  	v32 =	vld [tilespmem:s18+$0x9D0]  }
0x354: {  	v33 =	vld.idx.msk [tilespmem:v7+s11+$0x0], $0xffff;
	[tilespmem:v2+s17+$0x6C0 ss:$0x1] =	vst.idx.msk $0xffff, v5  }
0x355: {  	v34 =	vld [tilespmem:s18+$0xC10];
	_ =	sdelay $0x1  }
0x356: {  	[tilespmem:v2+s17+$0x740 ss:$0x1] =	vst.idx.msk $0xffff, v31  }
0x357: {  	v36 =	vld [tilespmem:s18+$0xE50];
	v35 =	vshll.u32 v32, $0x3  }
0x358: {  	[tilespmem:v2+s17+$0x7C0 ss:$0x1] =	vst.idx.msk $0xffff, v33;
	v4 =	vand.u32 $0xFFFFFC00, v35  }
0x359: {  	v39 =	vld [tilespmem:s18+$0x1090];
	v37 =	vand.u32 $0x7F, v32;
	v38 =	vshll.u32 v34, $0x3;
	v4 =	vadd.s32 v0, v4  }
0x35a: {  	v40 =	vand.u32 $0xFFFFFC00, v38;
	v4 =	vor.u32 v37, v4  }
0x35b: {  	v41 =	vand.u32 $0x7F, v34;
	v5 =	vadd.s32 v0, v40;
	v4 =	vor.u32 v1, v4  }
0x35c: {  	v42 =	vshll.u32 v36, $0x3;
	v5 =	vor.u32 v41, v5  }
0x35d: {  	v6 =	vand.u32 $0xFFFFFC00, v42;
	v5 =	vor.u32 v1, v5  }
0x35e: {  	v43 =	vand.u32 $0x7F, v36;
	v44 =	vshll.u32 v39, $0x3;
	v6 =	vadd.s32 v0, v6  }
0x35f: {  	v45 =	vand.u32 $0xFFFFFC00, v44;
	v6 =	vor.u32 v43, v6  }
0x360: {  	v46 =	vand.u32 $0x7F, v39;
	v7 =	vadd.s32 v0, v45;
	v6 =	vor.u32 v1, v6;
	v4 =	vld.idx.msk [tilespmem:v4+s11+$0x0], $0xffff  }
0x361: {  	v7 =	vor.u32 v46, v7  }
0x362: {  	[tilespmem:v2+s17+$0x5D0 ss:$0x1] =	vst.idx.msk $0xffff, v3;
	v47 =	vor.u32 v1, v7;
	v3 =	vld.idx.msk [tilespmem:v5+s11+$0x0], $0xffff  }
0x363: {  	v48 =	vld [tilespmem:s18+$0x7A0];
	_ =	sdelay $0x1  }
0x364: {  	v49 =	vld.idx.msk [tilespmem:v6+s11+$0x0], $0xffff;
	[tilespmem:v2+s17+$0x650 ss:$0x1] =	vst.idx.msk $0xffff, v4  }
0x365: {  	v50 =	vld [tilespmem:s18+$0x9E0]  }
0x366: {  	[tilespmem:v2+s17+$0x6D0 ss:$0x1] =	vst.idx.msk $0xffff, v3;
	v3 =	vld.idx.msk [tilespmem:v47+s11+$0x0], $0xffff  }
0x367: {  	v51 =	vshll.u32 v48, $0x3;
	v52 =	vld [tilespmem:s18+$0xC20]  }
0x368: {  	v5 =	vand.u32 $0xFFFFFC00, v51  }
0x369: {  	v7 =	vand.u32 $0x7F, v48;
	v5 =	vadd.s32 v0, v5;
	[tilespmem:v2+s17+$0x750 ss:$0x1] =	vst.idx.msk $0xffff, v49  }
0x36a: {  	v53 =	vor.u32 v7, v5;
	v55 =	vld [tilespmem:s18+$0xE60];
	v54 =	vshll.u32 v50, $0x3  }
0x36b: {  	v4 =	vor.u32 v1, v53;
	[tilespmem:v2+s17+$0x7D0 ss:$0x1] =	vst.idx.msk $0xffff, v3;
	v5 =	vand.u32 $0xFFFFFC00, v54  }
0x36c: {  	v3 =	vand.u32 $0x7F, v50;
	v56 =	vshll.u32 v52, $0x3;
	v57 =	vld [tilespmem:s18+$0x10A0];
	v5 =	vadd.s32 v0, v5  }
0x36d: {  	v58 =	vand.u32 $0xFFFFFC00, v56;
	v3 =	vor.u32 v3, v5  }
0x36e: {  	v59 =	vand.u32 $0x7F, v52;
	v5 =	vadd.s32 v0, v58;
	v3 =	vor.u32 v1, v3  }
0x36f: {  	v60 =	vshll.u32 v55, $0x3;
	v5 =	vor.u32 v59, v5  }
0x370: {  	v4 =	vld.idx.msk [tilespmem:v4+s11+$0x0], $0xffff;
	v6 =	vand.u32 $0xFFFFFC00, v60;
	v5 =	vor.u32 v1, v5  }
0x371: {  	v7 =	vand.u32 $0x7F, v55;
	v6 =	vadd.s32 v0, v6;
	v61 =	vshll.u32 v57, $0x3  }
0x372: {  	v6 =	vor.u32 v7, v6;
	v62 =	vand.u32 $0xFFFFFC00, v61  }
0x373: {  	v63 =	vand.u32 $0x7F, v57;
	v6 =	vor.u32 v1, v6;
	v7 =	vadd.s32 v0, v62;
	v3 =	vld.idx.msk [tilespmem:v3+s11+$0x0], $0xffff  }
0x374: {  	v7 =	vor.u32 v63, v7  }
0x375: {  	[tilespmem:v2+s17+$0x5E0 ss:$0x1] =	vst.idx.msk $0xffff, v4;
	v11 =	vld.idx.msk [tilespmem:v5+s11+$0x0], $0xffff;
	v12 =	vor.u32 v1, v7  }
0x376: {  	v13 =	vld [tilespmem:s18+$0x7B0];
	_ =	sdelay $0x1  }
0x377: {  	[tilespmem:v2+s17+$0x660 ss:$0x1] =	vst.idx.msk $0xffff, v3;
	v3 =	vld.idx.msk [tilespmem:v6+s11+$0x0], $0xffff  }
0x378: {  	v14 =	vld [tilespmem:s18+$0x9F0]  }
0x379: {  	[tilespmem:v2+s17+$0x6E0 ss:$0x1] =	vst.idx.msk $0xffff, v11;
	v15 =	vld.idx.msk [tilespmem:v12+s11+$0x0], $0xffff  }
0x37a: {  	v16 =	vshll.u32 v13, $0x3;
	v17 =	vld [tilespmem:s18+$0xC30]  }
0x37b: {  	v5 =	vand.u32 $0xFFFFFC00, v16  }
0x37c: {  	v7 =	vand.u32 $0x7F, v13;
	v5 =	vadd.s32 v0, v5;
	[tilespmem:v2+s17+$0x760 ss:$0x1] =	vst.idx.msk $0xffff, v3  }
0x37d: {  	v3 =	vor.u32 v7, v5;
	v18 =	vshll.u32 v14, $0x3;
	v19 =	vld [tilespmem:s18+$0xE70]  }
0x37e: {  	v3 =	vor.u32 v1, v3;
	[tilespmem:v2+s17+$0x7E0 ss:$0x1] =	vst.idx.msk $0xffff, v15;
	v5 =	vand.u32 $0xFFFFFC00, v18  }
0x37f: {  	v20 =	vand.u32 $0x7F, v14;
	v21 =	vshll.u32 v17, $0x3;
	v22 =	vld [tilespmem:s18+$0x10B0];
	v5 =	vadd.s32 v0, v5  }
0x380: {  	v23 =	vand.u32 $0xFFFFFC00, v21;
	v4 =	vor.u32 v20, v5  }
0x381: {  	v24 =	vand.u32 $0x7F, v17;
	v5 =	vadd.s32 v0, v23;
	v4 =	vor.u32 v1, v4  }
0x382: {  	v5 =	vor.u32 v24, v5;
	v25 =	vshll.u32 v19, $0x3  }
0x383: {  	v3 =	vld.idx.msk [tilespmem:v3+s11+$0x0], $0xffff;
	v5 =	vor.u32 v1, v5;
	v6 =	vand.u32 $0xFFFFFC00, v25  }
0x384: {  	v7 =	vand.u32 $0x7F, v19;
	v26 =	vshll.u32 v22, $0x3;
	v6 =	vadd.s32 v0, v6  }
0x385: {  	v27 =	vand.u32 $0xFFFFFC00, v26;
	v6 =	vor.u32 v7, v6  }
0x386: {  	v28 =	vand.u32 $0x7F, v22;
	v7 =	vadd.s32 v0, v27;
	v4 =	vld.idx.msk [tilespmem:v4+s11+$0x0], $0xffff;
	v6 =	vor.u32 v1, v6  }
0x387: {  	v7 =	vor.u32 v28, v7  }
0x388: {  	[tilespmem:v2+s17+$0x5F0 ss:$0x1] =	vst.idx.msk $0xffff, v3;
	v3 =	vld.idx.msk [tilespmem:v5+s11+$0x0], $0xffff;
	v29 =	vor.u32 v1, v7  }
0x389: {  	v30 =	vld [tilespmem:s18+$0x7C0];
	_ =	sdelay $0x1  }
0x38a: {  	[tilespmem:v2+s17+$0x670 ss:$0x1] =	vst.idx.msk $0xffff, v4;
	v31 =	vld.idx.msk [tilespmem:v6+s11+$0x0], $0xffff  }
0x38b: {  	v32 =	vld [tilespmem:s18+$0xA00]  }
0x38c: {  	[tilespmem:v2+s17+$0x6F0 ss:$0x1] =	vst.idx.msk $0xffff, v3;
	v3 =	vld.idx.msk [tilespmem:v29+s11+$0x0], $0xffff  }
0x38d: {  	v33 =	vshll.u32 v30, $0x3;
	v34 =	vld [tilespmem:s18+$0xC40]  }
0x38e: {  	v5 =	vand.u32 $0xFFFFFC00, v33  }
0x38f: {  	v7 =	vand.u32 $0x7F, v30;
	v5 =	vadd.s32 v0, v5;
	[tilespmem:v2+s17+$0x770 ss:$0x1] =	vst.idx.msk $0xffff, v31  }
0x390: {  	v35 =	vor.u32 v7, v5;
	v36 =	vshll.u32 v32, $0x3;
	v37 =	vld [tilespmem:s18+$0xE80]  }
0x391: {  	v4 =	vor.u32 v1, v35;
	[tilespmem:v2+s17+$0x7F0 ss:$0x1] =	vst.idx.msk $0xffff, v3;
	v5 =	vand.u32 $0xFFFFFC00, v36  }
0x392: {  	v3 =	vand.u32 $0x7F, v32;
	v38 =	vshll.u32 v34, $0x3;
	v39 =	vld [tilespmem:s18+$0x10C0];
	v5 =	vadd.s32 v0, v5  }
0x393: {  	v40 =	vand.u32 $0xFFFFFC00, v38;
	v3 =	vor.u32 v3, v5  }
0x394: {  	v41 =	vand.u32 $0x7F, v34;
	v5 =	vadd.s32 v0, v40;
	v3 =	vor.u32 v1, v3  }
0x395: {  	v5 =	vor.u32 v41, v5;
	v42 =	vshll.u32 v37, $0x3  }
0x396: {  	v4 =	vld.idx.msk [tilespmem:v4+s11+$0x0], $0xffff;
	v5 =	vor.u32 v1, v5;
	v6 =	vand.u32 $0xFFFFFC00, v42  }
0x397: {  	v7 =	vand.u32 $0x7F, v37;
	v43 =	vshll.u32 v39, $0x3;
	v6 =	vadd.s32 v0, v6  }
0x398: {  	v44 =	vand.u32 $0xFFFFFC00, v43;
	v6 =	vor.u32 v7, v6  }
0x399: {  	v45 =	vand.u32 $0x7F, v39;
	v7 =	vadd.s32 v0, v44;
	v3 =	vld.idx.msk [tilespmem:v3+s11+$0x0], $0xffff;
	v6 =	vor.u32 v1, v6  }
0x39a: {  	v7 =	vor.u32 v45, v7  }
0x39b: {  	[tilespmem:v2+s17+$0x980 ss:$0x1] =	vst.idx.msk $0xffff, v4;
	v46 =	vld.idx.msk [tilespmem:v5+s11+$0x0], $0xffff;
	v47 =	vor.u32 v1, v7  }
0x39c: {  	v48 =	vld [tilespmem:s18+$0x7D0];
	_ =	sdelay $0x1  }
0x39d: {  	[tilespmem:v2+s17+$0xA00 ss:$0x1] =	vst.idx.msk $0xffff, v3;
	v3 =	vld.idx.msk [tilespmem:v6+s11+$0x0], $0xffff  }
0x39e: {  	v49 =	vld [tilespmem:s18+$0xA10]  }
0x39f: {  	[tilespmem:v2+s17+$0xA80 ss:$0x1] =	vst.idx.msk $0xffff, v46;
	v50 =	vld.idx.msk [tilespmem:v47+s11+$0x0], $0xffff  }
0x3a0: {  	v51 =	vshll.u32 v48, $0x3;
	v52 =	vld [tilespmem:s18+$0xC50]  }
0x3a1: {  	v5 =	vand.u32 $0xFFFFFC00, v51  }
0x3a2: {  	v7 =	vand.u32 $0x7F, v48;
	v5 =	vadd.s32 v0, v5;
	[tilespmem:v2+s17+$0xB00 ss:$0x1] =	vst.idx.msk $0xffff, v3  }
0x3a3: {  	v3 =	vor.u32 v7, v5;
	v53 =	vshll.u32 v49, $0x3;
	v54 =	vld [tilespmem:s18+$0xE90]  }
0x3a4: {  	v3 =	vor.u32 v1, v3;
	[tilespmem:v2+s17+$0xB80 ss:$0x1] =	vst.idx.msk $0xffff, v50;
	v5 =	vand.u32 $0xFFFFFC00, v53  }
0x3a5: {  	v55 =	vand.u32 $0x7F, v49;
	v56 =	vshll.u32 v52, $0x3;
	v57 =	vld [tilespmem:s18+$0x10D0];
	v5 =	vadd.s32 v0, v5  }
0x3a6: {  	v58 =	vand.u32 $0xFFFFFC00, v56;
	v4 =	vor.u32 v55, v5  }
0x3a7: {  	v59 =	vand.u32 $0x7F, v52;
	v5 =	vadd.s32 v0, v58;
	v4 =	vor.u32 v1, v4  }
0x3a8: {  	v5 =	vor.u32 v59, v5;
	v60 =	vshll.u32 v54, $0x3  }
0x3a9: {  	v3 =	vld.idx.msk [tilespmem:v3+s11+$0x0], $0xffff;
	v5 =	vor.u32 v1, v5;
	v6 =	vand.u32 $0xFFFFFC00, v60  }
0x3aa: {  	v7 =	vand.u32 $0x7F, v54;
	v61 =	vshll.u32 v57, $0x3;
	v6 =	vadd.s32 v0, v6  }
0x3ab: {  	v62 =	vand.u32 $0xFFFFFC00, v61;
	v6 =	vor.u32 v7, v6  }
0x3ac: {  	v63 =	vand.u32 $0x7F, v57;
	v7 =	vadd.s32 v0, v62;
	v4 =	vld.idx.msk [tilespmem:v4+s11+$0x0], $0xffff;
	v6 =	vor.u32 v1, v6  }
0x3ad: {  	v7 =	vor.u32 v63, v7  }
0x3ae: {  	[tilespmem:v2+s17+$0x990 ss:$0x1] =	vst.idx.msk $0xffff, v3;
	v3 =	vld.idx.msk [tilespmem:v5+s11+$0x0], $0xffff;
	v12 =	vor.u32 v1, v7  }
0x3af: {  	v13 =	vld [tilespmem:s18+$0x7E0];
	_ =	sdelay $0x1  }
0x3b0: {  	[tilespmem:v2+s17+$0xA10 ss:$0x1] =	vst.idx.msk $0xffff, v4;
	v14 =	vld.idx.msk [tilespmem:v6+s11+$0x0], $0xffff  }
0x3b1: {  	v15 =	vld [tilespmem:s18+$0xA20]  }
0x3b2: {  	[tilespmem:v2+s17+$0xA90 ss:$0x1] =	vst.idx.msk $0xffff, v3;
	v3 =	vld.idx.msk [tilespmem:v12+s11+$0x0], $0xffff  }
0x3b3: {  	v16 =	vshll.u32 v13, $0x3;
	v17 =	vld [tilespmem:s18+$0xC60]  }
0x3b4: {  	v5 =	vand.u32 $0xFFFFFC00, v16  }
0x3b5: {  	v7 =	vand.u32 $0x7F, v13;
	v5 =	vadd.s32 v0, v5;
	[tilespmem:v2+s17+$0xB10 ss:$0x1] =	vst.idx.msk $0xffff, v14  }
0x3b6: {  	v18 =	vor.u32 v7, v5;
	v19 =	vshll.u32 v15, $0x3;
	v20 =	vld [tilespmem:s18+$0xEA0]  }
0x3b7: {  	v4 =	vor.u32 v1, v18;
	[tilespmem:v2+s17+$0xB90 ss:$0x1] =	vst.idx.msk $0xffff, v3;
	v5 =	vand.u32 $0xFFFFFC00, v19  }
0x3b8: {  	v3 =	vand.u32 $0x7F, v15;
	v21 =	vshll.u32 v17, $0x3;
	v22 =	vld [tilespmem:s18+$0x10E0];
	v5 =	vadd.s32 v0, v5  }
0x3b9: {  	v23 =	vand.u32 $0xFFFFFC00, v21;
	v3 =	vor.u32 v3, v5  }
0x3ba: {  	v24 =	vand.u32 $0x7F, v17;
	v5 =	vadd.s32 v0, v23;
	v3 =	vor.u32 v1, v3  }
0x3bb: {  	v5 =	vor.u32 v24, v5;
	v25 =	vshll.u32 v20, $0x3  }
0x3bc: {  	v4 =	vld.idx.msk [tilespmem:v4+s11+$0x0], $0xffff;
	v5 =	vor.u32 v1, v5;
	v6 =	vand.u32 $0xFFFFFC00, v25  }
0x3bd: {  	v7 =	vand.u32 $0x7F, v20;
	v26 =	vshll.u32 v22, $0x3;
	v6 =	vadd.s32 v0, v6  }
0x3be: {  	v27 =	vand.u32 $0xFFFFFC00, v26;
	v6 =	vor.u32 v7, v6  }
0x3bf: {  	v28 =	vand.u32 $0x7F, v22;
	v7 =	vadd.s32 v0, v27;
	v3 =	vld.idx.msk [tilespmem:v3+s11+$0x0], $0xffff;
	v6 =	vor.u32 v1, v6  }
0x3c0: {  	v7 =	vor.u32 v28, v7  }
0x3c1: {  	[tilespmem:v2+s17+$0x9A0 ss:$0x1] =	vst.idx.msk $0xffff, v4;
	v29 =	vld.idx.msk [tilespmem:v5+s11+$0x0], $0xffff;
	v30 =	vor.u32 v1, v7  }
0x3c2: {  	v31 =	vld [tilespmem:s18+$0x7F0];
	_ =	sdelay $0x1  }
0x3c3: {  	[tilespmem:v2+s17+$0xA20 ss:$0x1] =	vst.idx.msk $0xffff, v3;
	v3 =	vld.idx.msk [tilespmem:v6+s11+$0x0], $0xffff  }
0x3c4: {  	v32 =	vld [tilespmem:s18+$0xA30]  }
0x3c5: {  	[tilespmem:v2+s17+$0xAA0 ss:$0x1] =	vst.idx.msk $0xffff, v29;
	v33 =	vld.idx.msk [tilespmem:v30+s11+$0x0], $0xffff  }
0x3c6: {  	v34 =	vshll.u32 v31, $0x3;
	v35 =	vld [tilespmem:s18+$0xC70]  }
0x3c7: {  	v5 =	vand.u32 $0xFFFFFC00, v34  }
0x3c8: {  	v7 =	vand.u32 $0x7F, v31;
	v5 =	vadd.s32 v0, v5;
	[tilespmem:v2+s17+$0xB20 ss:$0x1] =	vst.idx.msk $0xffff, v3  }
0x3c9: {  	v3 =	vor.u32 v7, v5;
	v36 =	vshll.u32 v32, $0x3;
	v37 =	vld [tilespmem:s18+$0xEB0]  }
0x3ca: {  	v3 =	vor.u32 v1, v3;
	[tilespmem:v2+s17+$0xBA0 ss:$0x1] =	vst.idx.msk $0xffff, v33;
	v5 =	vand.u32 $0xFFFFFC00, v36  }
0x3cb: {  	v38 =	vand.u32 $0x7F, v32;
	v39 =	vshll.u32 v35, $0x3;
	v40 =	vld [tilespmem:s18+$0x10F0];
	v5 =	vadd.s32 v0, v5  }
0x3cc: {  	v41 =	vand.u32 $0xFFFFFC00, v39;
	v4 =	vor.u32 v38, v5  }
0x3cd: {  	v42 =	vand.u32 $0x7F, v35;
	v5 =	vadd.s32 v0, v41;
	v4 =	vor.u32 v1, v4  }
0x3ce: {  	v5 =	vor.u32 v42, v5;
	v43 =	vshll.u32 v37, $0x3  }
0x3cf: {  	v3 =	vld.idx.msk [tilespmem:v3+s11+$0x0], $0xffff;
	v5 =	vor.u32 v1, v5;
	v6 =	vand.u32 $0xFFFFFC00, v43  }
0x3d0: {  	v7 =	vand.u32 $0x7F, v37;
	v44 =	vshll.u32 v40, $0x3;
	v6 =	vadd.s32 v0, v6  }
0x3d1: {  	v45 =	vand.u32 $0xFFFFFC00, v44;
	v6 =	vor.u32 v7, v6  }
0x3d2: {  	v46 =	vand.u32 $0x7F, v40;
	v7 =	vadd.s32 v0, v45;
	v4 =	vld.idx.msk [tilespmem:v4+s11+$0x0], $0xffff;
	v6 =	vor.u32 v1, v6  }
0x3d3: {  	v7 =	vor.u32 v46, v7  }
0x3d4: {  	[tilespmem:v2+s17+$0x9B0 ss:$0x1] =	vst.idx.msk $0xffff, v3;
	v3 =	vld.idx.msk [tilespmem:v5+s11+$0x0], $0xffff;
	v47 =	vor.u32 v1, v7  }
0x3d5: {  	v48 =	vld [tilespmem:s18+$0x800];
	_ =	sdelay $0x1  }
0x3d6: {  	[tilespmem:v2+s17+$0xA30 ss:$0x1] =	vst.idx.msk $0xffff, v4;
	v49 =	vld.idx.msk [tilespmem:v6+s11+$0x0], $0xffff  }
0x3d7: {  	v50 =	vld [tilespmem:s18+$0xA40]  }
0x3d8: {  	[tilespmem:v2+s17+$0xAB0 ss:$0x1] =	vst.idx.msk $0xffff, v3;
	v3 =	vld.idx.msk [tilespmem:v47+s11+$0x0], $0xffff  }
0x3d9: {  	v51 =	vshll.u32 v48, $0x3;
	v52 =	vld [tilespmem:s18+$0xC80]  }
0x3da: {  	v5 =	vand.u32 $0xFFFFFC00, v51  }
0x3db: {  	v7 =	vand.u32 $0x7F, v48;
	v5 =	vadd.s32 v0, v5;
	[tilespmem:v2+s17+$0xB30 ss:$0x1] =	vst.idx.msk $0xffff, v49  }
0x3dc: {  	v53 =	vor.u32 v7, v5;
	v54 =	vshll.u32 v50, $0x3;
	v55 =	vld [tilespmem:s18+$0xEC0]  }
0x3dd: {  	v4 =	vor.u32 v1, v53;
	[tilespmem:v2+s17+$0xBB0 ss:$0x1] =	vst.idx.msk $0xffff, v3;
	v5 =	vand.u32 $0xFFFFFC00, v54  }
0x3de: {  	v3 =	vand.u32 $0x7F, v50;
	v56 =	vshll.u32 v52, $0x3;
	v57 =	vld [tilespmem:s18+$0x1100];
	v5 =	vadd.s32 v0, v5  }
0x3df: {  	v58 =	vand.u32 $0xFFFFFC00, v56;
	v3 =	vor.u32 v3, v5  }
0x3e0: {  	v59 =	vand.u32 $0x7F, v52;
	v5 =	vadd.s32 v0, v58;
	v3 =	vor.u32 v1, v3  }
0x3e1: {  	v5 =	vor.u32 v59, v5;
	v60 =	vshll.u32 v55, $0x3  }
0x3e2: {  	v4 =	vld.idx.msk [tilespmem:v4+s11+$0x0], $0xffff;
	v5 =	vor.u32 v1, v5;
	v6 =	vand.u32 $0xFFFFFC00, v60  }
0x3e3: {  	v7 =	vand.u32 $0x7F, v55;
	v61 =	vshll.u32 v57, $0x3;
	v6 =	vadd.s32 v0, v6  }
0x3e4: {  	v62 =	vand.u32 $0xFFFFFC00, v61;
	v6 =	vor.u32 v7, v6  }
0x3e5: {  	v63 =	vand.u32 $0x7F, v57;
	v7 =	vadd.s32 v0, v62;
	v3 =	vld.idx.msk [tilespmem:v3+s11+$0x0], $0xffff;
	v6 =	vor.u32 v1, v6  }
0x3e6: {  	v7 =	vor.u32 v63, v7  }
0x3e7: {  	[tilespmem:v2+s17+$0x9C0 ss:$0x1] =	vst.idx.msk $0xffff, v4;
	v12 =	vld.idx.msk [tilespmem:v5+s11+$0x0], $0xffff;
	v13 =	vor.u32 v1, v7  }
0x3e8: {  	v14 =	vld [tilespmem:s18+$0x810];
	_ =	sdelay $0x1  }
0x3e9: {  	[tilespmem:v2+s17+$0xA40 ss:$0x1] =	vst.idx.msk $0xffff, v3;
	v3 =	vld.idx.msk [tilespmem:v6+s11+$0x0], $0xffff  }
0x3ea: {  	v15 =	vld [tilespmem:s18+$0xA50]  }
0x3eb: {  	[tilespmem:v2+s17+$0xAC0 ss:$0x1] =	vst.idx.msk $0xffff, v12;
	v16 =	vld.idx.msk [tilespmem:v13+s11+$0x0], $0xffff  }
0x3ec: {  	v17 =	vshll.u32 v14, $0x3;
	v18 =	vld [tilespmem:s18+$0xC90]  }
0x3ed: {  	v5 =	vand.u32 $0xFFFFFC00, v17  }
0x3ee: {  	v7 =	vand.u32 $0x7F, v14;
	v5 =	vadd.s32 v0, v5;
	[tilespmem:v2+s17+$0xB40 ss:$0x1] =	vst.idx.msk $0xffff, v3  }
0x3ef: {  	v3 =	vor.u32 v7, v5;
	v19 =	vshll.u32 v15, $0x3;
	v20 =	vld [tilespmem:s18+$0xED0]  }
0x3f0: {  	v3 =	vor.u32 v1, v3;
	[tilespmem:v2+s17+$0xBC0 ss:$0x1] =	vst.idx.msk $0xffff, v16;
	v5 =	vand.u32 $0xFFFFFC00, v19  }
0x3f1: {  	v21 =	vand.u32 $0x7F, v15;
	v22 =	vshll.u32 v18, $0x3;
	v23 =	vld [tilespmem:s18+$0x1110];
	v5 =	vadd.s32 v0, v5  }
0x3f2: {  	v24 =	vand.u32 $0xFFFFFC00, v22;
	v4 =	vor.u32 v21, v5  }
0x3f3: {  	v25 =	vand.u32 $0x7F, v18;
	v5 =	vadd.s32 v0, v24;
	v4 =	vor.u32 v1, v4  }
0x3f4: {  	v5 =	vor.u32 v25, v5;
	v26 =	vshll.u32 v20, $0x3  }
0x3f5: {  	v3 =	vld.idx.msk [tilespmem:v3+s11+$0x0], $0xffff;
	v5 =	vor.u32 v1, v5;
	v6 =	vand.u32 $0xFFFFFC00, v26  }
0x3f6: {  	v7 =	vand.u32 $0x7F, v20;
	v27 =	vshll.u32 v23, $0x3;
	v6 =	vadd.s32 v0, v6  }
0x3f7: {  	v28 =	vand.u32 $0xFFFFFC00, v27;
	v6 =	vor.u32 v7, v6  }
0x3f8: {  	v29 =	vand.u32 $0x7F, v23;
	v7 =	vadd.s32 v0, v28;
	v4 =	vld.idx.msk [tilespmem:v4+s11+$0x0], $0xffff;
	v6 =	vor.u32 v1, v6  }
0x3f9: {  	v7 =	vor.u32 v29, v7  }
0x3fa: {  	[tilespmem:v2+s17+$0x9D0 ss:$0x1] =	vst.idx.msk $0xffff, v3;
	v3 =	vld.idx.msk [tilespmem:v5+s11+$0x0], $0xffff;
	v30 =	vor.u32 v1, v7  }
0x3fb: {  	v31 =	vld [tilespmem:s18+$0x820];
	_ =	sdelay $0x1  }
0x3fc: {  	[tilespmem:v2+s17+$0xA50 ss:$0x1] =	vst.idx.msk $0xffff, v4;
	v32 =	vld.idx.msk [tilespmem:v6+s11+$0x0], $0xffff  }
0x3fd: {  	v33 =	vld [tilespmem:s18+$0xA60]  }
0x3fe: {  	[tilespmem:v2+s17+$0xAD0 ss:$0x1] =	vst.idx.msk $0xffff, v3;
	v3 =	vld.idx.msk [tilespmem:v30+s11+$0x0], $0xffff  }
0x3ff: {  	v34 =	vshll.u32 v31, $0x3;
	v35 =	vld [tilespmem:s18+$0xCA0]  }
0x400: {  	v5 =	vand.u32 $0xFFFFFC00, v34  }
0x401: {  	v7 =	vand.u32 $0x7F, v31;
	v5 =	vadd.s32 v0, v5;
	[tilespmem:v2+s17+$0xB50 ss:$0x1] =	vst.idx.msk $0xffff, v32  }
0x402: {  	v36 =	vor.u32 v7, v5;
	v37 =	vshll.u32 v33, $0x3;
	v38 =	vld [tilespmem:s18+$0xEE0]  }
0x403: {  	v4 =	vor.u32 v1, v36;
	[tilespmem:v2+s17+$0xBD0 ss:$0x1] =	vst.idx.msk $0xffff, v3;
	v5 =	vand.u32 $0xFFFFFC00, v37  }
0x404: {  	v3 =	vand.u32 $0x7F, v33;
	v39 =	vshll.u32 v35, $0x3;
	v40 =	vld [tilespmem:s18+$0x1120];
	v5 =	vadd.s32 v0, v5  }
0x405: {  	v41 =	vand.u32 $0xFFFFFC00, v39;
	v3 =	vor.u32 v3, v5  }
0x406: {  	v42 =	vand.u32 $0x7F, v35;
	v5 =	vadd.s32 v0, v41;
	v3 =	vor.u32 v1, v3  }
0x407: {  	v5 =	vor.u32 v42, v5;
	v43 =	vshll.u32 v38, $0x3  }
0x408: {  	v4 =	vld.idx.msk [tilespmem:v4+s11+$0x0], $0xffff;
	v5 =	vor.u32 v1, v5;
	v6 =	vand.u32 $0xFFFFFC00, v43  }
0x409: {  	v7 =	vand.u32 $0x7F, v38;
	v44 =	vshll.u32 v40, $0x3;
	v6 =	vadd.s32 v0, v6  }
0x40a: {  	v45 =	vand.u32 $0xFFFFFC00, v44;
	v6 =	vor.u32 v7, v6  }
0x40b: {  	v46 =	vand.u32 $0x7F, v40;
	v7 =	vadd.s32 v0, v45;
	v3 =	vld.idx.msk [tilespmem:v3+s11+$0x0], $0xffff;
	v6 =	vor.u32 v1, v6  }
0x40c: {  	v7 =	vor.u32 v46, v7  }
0x40d: {  	[tilespmem:v2+s17+$0x9E0 ss:$0x1] =	vst.idx.msk $0xffff, v4;
	v47 =	vld.idx.msk [tilespmem:v5+s11+$0x0], $0xffff;
	v48 =	vor.u32 v1, v7  }
0x40e: {  	v49 =	vld [tilespmem:s18+$0x830];
	_ =	sdelay $0x1  }
0x40f: {  	[tilespmem:v2+s17+$0xA60 ss:$0x1] =	vst.idx.msk $0xffff, v3;
	v3 =	vld.idx.msk [tilespmem:v6+s11+$0x0], $0xffff  }
0x410: {  	v50 =	vld [tilespmem:s18+$0xA70]  }
0x411: {  	[tilespmem:v2+s17+$0xAE0 ss:$0x1] =	vst.idx.msk $0xffff, v47;
	v51 =	vld.idx.msk [tilespmem:v48+s11+$0x0], $0xffff  }
0x412: {  	v52 =	vshll.u32 v49, $0x3;
	v53 =	vld [tilespmem:s18+$0xCB0]  }
0x413: {  	v5 =	vand.u32 $0xFFFFFC00, v52  }
0x414: {  	v7 =	vand.u32 $0x7F, v49;
	v5 =	vadd.s32 v0, v5;
	[tilespmem:v2+s17+$0xB60 ss:$0x1] =	vst.idx.msk $0xffff, v3  }
0x415: {  	v3 =	vor.u32 v7, v5;
	v54 =	vshll.u32 v50, $0x3;
	v55 =	vld [tilespmem:s18+$0xEF0]  }
0x416: {  	v3 =	vor.u32 v1, v3;
	[tilespmem:v2+s17+$0xBE0 ss:$0x1] =	vst.idx.msk $0xffff, v51;
	v5 =	vand.u32 $0xFFFFFC00, v54  }
0x417: {  	v56 =	vand.u32 $0x7F, v50;
	v57 =	vshll.u32 v53, $0x3;
	v58 =	vld [tilespmem:s18+$0x1130];
	v5 =	vadd.s32 v0, v5  }
0x418: {  	v59 =	vand.u32 $0xFFFFFC00, v57;
	v4 =	vor.u32 v56, v5  }
0x419: {  	v60 =	vand.u32 $0x7F, v53;
	v5 =	vadd.s32 v0, v59;
	v4 =	vor.u32 v1, v4  }
0x41a: {  	v5 =	vor.u32 v60, v5;
	v61 =	vshll.u32 v55, $0x3  }
0x41b: {  	v3 =	vld.idx.msk [tilespmem:v3+s11+$0x0], $0xffff;
	v5 =	vor.u32 v1, v5;
	v6 =	vand.u32 $0xFFFFFC00, v61  }
0x41c: {  	v7 =	vand.u32 $0x7F, v55;
	v62 =	vshll.u32 v58, $0x3;
	v6 =	vadd.s32 v0, v6  }
0x41d: {  	v63 =	vand.u32 $0xFFFFFC00, v62;
	v6 =	vor.u32 v7, v6  }
0x41e: {  	v12 =	vand.u32 $0x7F, v58;
	v7 =	vadd.s32 v0, v63;
	v4 =	vld.idx.msk [tilespmem:v4+s11+$0x0], $0xffff;
	v6 =	vor.u32 v1, v6  }
0x41f: {  	v7 =	vor.u32 v12, v7  }
0x420: {  	[tilespmem:v2+s17+$0x9F0 ss:$0x1] =	vst.idx.msk $0xffff, v3;
	v3 =	vld.idx.msk [tilespmem:v5+s11+$0x0], $0xffff;
	v13 =	vor.u32 v1, v7  }
0x421: {  	v14 =	vld [tilespmem:s18+$0x840];
	_ =	sdelay $0x1  }
0x422: {  	[tilespmem:v2+s17+$0xA70 ss:$0x1] =	vst.idx.msk $0xffff, v4;
	v15 =	vld.idx.msk [tilespmem:v6+s11+$0x0], $0xffff  }
0x423: {  	v16 =	vld [tilespmem:s18+$0xA80]  }
0x424: {  	[tilespmem:v2+s17+$0xAF0 ss:$0x1] =	vst.idx.msk $0xffff, v3;
	v3 =	vld.idx.msk [tilespmem:v13+s11+$0x0], $0xffff  }
0x425: {  	v17 =	vshll.u32 v14, $0x3;
	v18 =	vld [tilespmem:s18+$0xCC0]  }
0x426: {  	v5 =	vand.u32 $0xFFFFFC00, v17  }
0x427: {  	v7 =	vand.u32 $0x7F, v14;
	v5 =	vadd.s32 v0, v5;
	[tilespmem:v2+s17+$0xB70 ss:$0x1] =	vst.idx.msk $0xffff, v15  }
0x428: {  	v19 =	vor.u32 v7, v5;
	v20 =	vshll.u32 v16, $0x3;
	v21 =	vld [tilespmem:s18+$0xF00]  }
0x429: {  	v4 =	vor.u32 v1, v19;
	[tilespmem:v2+s17+$0xBF0 ss:$0x1] =	vst.idx.msk $0xffff, v3;
	v5 =	vand.u32 $0xFFFFFC00, v20  }
0x42a: {  	v3 =	vand.u32 $0x7F, v16;
	v22 =	vshll.u32 v18, $0x3;
	v23 =	vld [tilespmem:s18+$0x1140];
	v5 =	vadd.s32 v0, v5  }
0x42b: {  	v24 =	vand.u32 $0xFFFFFC00, v22;
	v3 =	vor.u32 v3, v5  }
0x42c: {  	v25 =	vand.u32 $0x7F, v18;
	v5 =	vadd.s32 v0, v24;
	v3 =	vor.u32 v1, v3  }
0x42d: {  	v5 =	vor.u32 v25, v5;
	v26 =	vshll.u32 v21, $0x3  }
0x42e: {  	v4 =	vld.idx.msk [tilespmem:v4+s11+$0x0], $0xffff;
	v5 =	vor.u32 v1, v5;
	v6 =	vand.u32 $0xFFFFFC00, v26  }
0x42f: {  	v7 =	vand.u32 $0x7F, v21;
	v27 =	vshll.u32 v23, $0x3;
	v6 =	vadd.s32 v0, v6  }
0x430: {  	v28 =	vand.u32 $0xFFFFFC00, v27;
	v6 =	vor.u32 v7, v6  }
0x431: {  	v29 =	vand.u32 $0x7F, v23;
	v7 =	vadd.s32 v0, v28;
	v3 =	vld.idx.msk [tilespmem:v3+s11+$0x0], $0xffff;
	v6 =	vor.u32 v1, v6  }
0x432: {  	v7 =	vor.u32 v29, v7  }
0x433: {  	[tilespmem:v2+s17+$0xD80 ss:$0x1] =	vst.idx.msk $0xffff, v4;
	v30 =	vld.idx.msk [tilespmem:v5+s11+$0x0], $0xffff;
	v31 =	vor.u32 v1, v7  }
0x434: {  	v32 =	vld [tilespmem:s18+$0x850];
	_ =	sdelay $0x1  }
0x435: {  	[tilespmem:v2+s17+$0xE00 ss:$0x1] =	vst.idx.msk $0xffff, v3;
	v3 =	vld.idx.msk [tilespmem:v6+s11+$0x0], $0xffff  }
0x436: {  	v33 =	vld [tilespmem:s18+$0xA90]  }
0x437: {  	[tilespmem:v2+s17+$0xE80 ss:$0x1] =	vst.idx.msk $0xffff, v30;
	v34 =	vld.idx.msk [tilespmem:v31+s11+$0x0], $0xffff  }
0x438: {  	v35 =	vshll.u32 v32, $0x3;
	v36 =	vld [tilespmem:s18+$0xCD0]  }
0x439: {  	v5 =	vand.u32 $0xFFFFFC00, v35  }
0x43a: {  	v7 =	vand.u32 $0x7F, v32;
	v5 =	vadd.s32 v0, v5;
	[tilespmem:v2+s17+$0xF00 ss:$0x1] =	vst.idx.msk $0xffff, v3  }
0x43b: {  	v3 =	vor.u32 v7, v5;
	v37 =	vshll.u32 v33, $0x3;
	v38 =	vld [tilespmem:s18+$0xF10]  }
0x43c: {  	v3 =	vor.u32 v1, v3;
	[tilespmem:v2+s17+$0xF80 ss:$0x1] =	vst.idx.msk $0xffff, v34;
	v5 =	vand.u32 $0xFFFFFC00, v37  }
0x43d: {  	v39 =	vand.u32 $0x7F, v33;
	v40 =	vshll.u32 v36, $0x3;
	v41 =	vld [tilespmem:s18+$0x1150];
	v5 =	vadd.s32 v0, v5  }
0x43e: {  	v42 =	vand.u32 $0xFFFFFC00, v40;
	v4 =	vor.u32 v39, v5  }
0x43f: {  	v43 =	vand.u32 $0x7F, v36;
	v5 =	vadd.s32 v0, v42;
	v4 =	vor.u32 v1, v4  }
0x440: {  	v5 =	vor.u32 v43, v5;
	v44 =	vshll.u32 v38, $0x3  }
0x441: {  	v3 =	vld.idx.msk [tilespmem:v3+s11+$0x0], $0xffff;
	v5 =	vor.u32 v1, v5;
	v6 =	vand.u32 $0xFFFFFC00, v44  }
0x442: {  	v7 =	vand.u32 $0x7F, v38;
	v45 =	vshll.u32 v41, $0x3;
	v6 =	vadd.s32 v0, v6  }
0x443: {  	v46 =	vand.u32 $0xFFFFFC00, v45;
	v6 =	vor.u32 v7, v6  }
0x444: {  	v47 =	vand.u32 $0x7F, v41;
	v7 =	vadd.s32 v0, v46;
	v4 =	vld.idx.msk [tilespmem:v4+s11+$0x0], $0xffff;
	v6 =	vor.u32 v1, v6  }
0x445: {  	v7 =	vor.u32 v47, v7  }
0x446: {  	[tilespmem:v2+s17+$0xD90 ss:$0x1] =	vst.idx.msk $0xffff, v3;
	v3 =	vld.idx.msk [tilespmem:v5+s11+$0x0], $0xffff;
	v48 =	vor.u32 v1, v7  }
0x447: {  	v49 =	vld [tilespmem:s18+$0x860];
	_ =	sdelay $0x1  }
0x448: {  	[tilespmem:v2+s17+$0xE10 ss:$0x1] =	vst.idx.msk $0xffff, v4;
	v50 =	vld.idx.msk [tilespmem:v6+s11+$0x0], $0xffff  }
0x449: {  	v51 =	vld [tilespmem:s18+$0xAA0]  }
0x44a: {  	[tilespmem:v2+s17+$0xE90 ss:$0x1] =	vst.idx.msk $0xffff, v3;
	v3 =	vld.idx.msk [tilespmem:v48+s11+$0x0], $0xffff  }
0x44b: {  	v52 =	vshll.u32 v49, $0x3;
	v53 =	vld [tilespmem:s18+$0xCE0]  }
0x44c: {  	v5 =	vand.u32 $0xFFFFFC00, v52  }
0x44d: {  	v7 =	vand.u32 $0x7F, v49;
	v5 =	vadd.s32 v0, v5;
	[tilespmem:v2+s17+$0xF10 ss:$0x1] =	vst.idx.msk $0xffff, v50  }
0x44e: {  	v54 =	vor.u32 v7, v5;
	v55 =	vshll.u32 v51, $0x3;
	v56 =	vld [tilespmem:s18+$0xF20]  }
0x44f: {  	v4 =	vor.u32 v1, v54;
	[tilespmem:v2+s17+$0xF90 ss:$0x1] =	vst.idx.msk $0xffff, v3;
	v5 =	vand.u32 $0xFFFFFC00, v55  }
0x450: {  	v3 =	vand.u32 $0x7F, v51;
	v57 =	vshll.u32 v53, $0x3;
	v58 =	vld [tilespmem:s18+$0x1160];
	v5 =	vadd.s32 v0, v5  }
0x451: {  	v59 =	vand.u32 $0xFFFFFC00, v57;
	v3 =	vor.u32 v3, v5  }
0x452: {  	v60 =	vand.u32 $0x7F, v53;
	v5 =	vadd.s32 v0, v59;
	v3 =	vor.u32 v1, v3  }
0x453: {  	v5 =	vor.u32 v60, v5;
	v61 =	vshll.u32 v56, $0x3  }
0x454: {  	v4 =	vld.idx.msk [tilespmem:v4+s11+$0x0], $0xffff;
	v5 =	vor.u32 v1, v5;
	v6 =	vand.u32 $0xFFFFFC00, v61  }
0x455: {  	v7 =	vand.u32 $0x7F, v56;
	v62 =	vshll.u32 v58, $0x3;
	v6 =	vadd.s32 v0, v6  }
0x456: {  	v63 =	vand.u32 $0xFFFFFC00, v62;
	v6 =	vor.u32 v7, v6  }
0x457: {  	v12 =	vand.u32 $0x7F, v58;
	v7 =	vadd.s32 v0, v63;
	v3 =	vld.idx.msk [tilespmem:v3+s11+$0x0], $0xffff;
	v6 =	vor.u32 v1, v6  }
0x458: {  	v7 =	vor.u32 v12, v7  }
0x459: {  	[tilespmem:v2+s17+$0xDA0 ss:$0x1] =	vst.idx.msk $0xffff, v4;
	v13 =	vld.idx.msk [tilespmem:v5+s11+$0x0], $0xffff;
	v14 =	vor.u32 v1, v7  }
0x45a: {  	v15 =	vld [tilespmem:s18+$0x870];
	_ =	sdelay $0x1  }
0x45b: {  	[tilespmem:v2+s17+$0xE20 ss:$0x1] =	vst.idx.msk $0xffff, v3;
	v3 =	vld.idx.msk [tilespmem:v6+s11+$0x0], $0xffff  }
0x45c: {  	v16 =	vld [tilespmem:s18+$0xAB0]  }
0x45d: {  	[tilespmem:v2+s17+$0xEA0 ss:$0x1] =	vst.idx.msk $0xffff, v13;
	v17 =	vld.idx.msk [tilespmem:v14+s11+$0x0], $0xffff  }
0x45e: {  	v18 =	vshll.u32 v15, $0x3;
	v19 =	vld [tilespmem:s18+$0xCF0]  }
0x45f: {  	v5 =	vand.u32 $0xFFFFFC00, v18  }
0x460: {  	v7 =	vand.u32 $0x7F, v15;
	v5 =	vadd.s32 v0, v5;
	[tilespmem:v2+s17+$0xF20 ss:$0x1] =	vst.idx.msk $0xffff, v3  }
0x461: {  	v3 =	vor.u32 v7, v5;
	v20 =	vshll.u32 v16, $0x3;
	v21 =	vld [tilespmem:s18+$0xF30]  }
0x462: {  	v3 =	vor.u32 v1, v3;
	[tilespmem:v2+s17+$0xFA0 ss:$0x1] =	vst.idx.msk $0xffff, v17;
	v5 =	vand.u32 $0xFFFFFC00, v20  }
0x463: {  	v22 =	vand.u32 $0x7F, v16;
	v23 =	vshll.u32 v19, $0x3;
	v24 =	vld [tilespmem:s18+$0x1170];
	v5 =	vadd.s32 v0, v5  }
0x464: {  	v25 =	vand.u32 $0xFFFFFC00, v23;
	v4 =	vor.u32 v22, v5  }
0x465: {  	v26 =	vand.u32 $0x7F, v19;
	v5 =	vadd.s32 v0, v25;
	v4 =	vor.u32 v1, v4  }
0x466: {  	v5 =	vor.u32 v26, v5;
	v27 =	vshll.u32 v21, $0x3  }
0x467: {  	v3 =	vld.idx.msk [tilespmem:v3+s11+$0x0], $0xffff;
	v5 =	vor.u32 v1, v5;
	v6 =	vand.u32 $0xFFFFFC00, v27  }
0x468: {  	v7 =	vand.u32 $0x7F, v21;
	v28 =	vshll.u32 v24, $0x3;
	v6 =	vadd.s32 v0, v6  }
0x469: {  	v29 =	vand.u32 $0xFFFFFC00, v28;
	v6 =	vor.u32 v7, v6  }
0x46a: {  	v30 =	vand.u32 $0x7F, v24;
	v7 =	vadd.s32 v0, v29;
	v4 =	vld.idx.msk [tilespmem:v4+s11+$0x0], $0xffff;
	v6 =	vor.u32 v1, v6  }
0x46b: {  	v7 =	vor.u32 v30, v7  }
0x46c: {  	[tilespmem:v2+s17+$0xDB0 ss:$0x1] =	vst.idx.msk $0xffff, v3;
	v3 =	vld.idx.msk [tilespmem:v5+s11+$0x0], $0xffff;
	v31 =	vor.u32 v1, v7  }
0x46d: {  	v32 =	vld [tilespmem:s18+$0x880];
	_ =	sdelay $0x1  }
0x46e: {  	[tilespmem:v2+s17+$0xE30 ss:$0x1] =	vst.idx.msk $0xffff, v4;
	v33 =	vld.idx.msk [tilespmem:v6+s11+$0x0], $0xffff  }
0x46f: {  	v34 =	vld [tilespmem:s18+$0xAC0]  }
0x470: {  	[tilespmem:v2+s17+$0xEB0 ss:$0x1] =	vst.idx.msk $0xffff, v3;
	v3 =	vld.idx.msk [tilespmem:v31+s11+$0x0], $0xffff  }
0x471: {  	v35 =	vshll.u32 v32, $0x3;
	v36 =	vld [tilespmem:s18+$0xD00]  }
0x472: {  	v5 =	vand.u32 $0xFFFFFC00, v35  }
0x473: {  	v7 =	vand.u32 $0x7F, v32;
	v5 =	vadd.s32 v0, v5;
	[tilespmem:v2+s17+$0xF30 ss:$0x1] =	vst.idx.msk $0xffff, v33  }
0x474: {  	v37 =	vor.u32 v7, v5;
	v38 =	vshll.u32 v34, $0x3;
	v39 =	vld [tilespmem:s18+$0xF40]  }
0x475: {  	v4 =	vor.u32 v1, v37;
	[tilespmem:v2+s17+$0xFB0 ss:$0x1] =	vst.idx.msk $0xffff, v3;
	v5 =	vand.u32 $0xFFFFFC00, v38  }
0x476: {  	v3 =	vand.u32 $0x7F, v34;
	v40 =	vshll.u32 v36, $0x3;
	v41 =	vld [tilespmem:s18+$0x1180];
	v5 =	vadd.s32 v0, v5  }
0x477: {  	v42 =	vand.u32 $0xFFFFFC00, v40;
	v3 =	vor.u32 v3, v5  }
0x478: {  	v43 =	vand.u32 $0x7F, v36;
	v5 =	vadd.s32 v0, v42;
	v3 =	vor.u32 v1, v3  }
0x479: {  	v5 =	vor.u32 v43, v5;
	v44 =	vshll.u32 v39, $0x3  }
0x47a: {  	v4 =	vld.idx.msk [tilespmem:v4+s11+$0x0], $0xffff;
	v5 =	vor.u32 v1, v5;
	v6 =	vand.u32 $0xFFFFFC00, v44  }
0x47b: {  	v7 =	vand.u32 $0x7F, v39;
	v45 =	vshll.u32 v41, $0x3;
	v6 =	vadd.s32 v0, v6  }
0x47c: {  	v46 =	vand.u32 $0xFFFFFC00, v45;
	v6 =	vor.u32 v7, v6  }
0x47d: {  	v47 =	vand.u32 $0x7F, v41;
	v7 =	vadd.s32 v0, v46;
	v3 =	vld.idx.msk [tilespmem:v3+s11+$0x0], $0xffff;
	v6 =	vor.u32 v1, v6  }
0x47e: {  	v7 =	vor.u32 v47, v7  }
0x47f: {  	[tilespmem:v2+s17+$0xDC0 ss:$0x1] =	vst.idx.msk $0xffff, v4;
	v48 =	vld.idx.msk [tilespmem:v5+s11+$0x0], $0xffff;
	v49 =	vor.u32 v1, v7  }
0x480: {  	v50 =	vld [tilespmem:s18+$0x890];
	_ =	sdelay $0x1  }
0x481: {  	[tilespmem:v2+s17+$0xE40 ss:$0x1] =	vst.idx.msk $0xffff, v3;
	v3 =	vld.idx.msk [tilespmem:v6+s11+$0x0], $0xffff  }
0x482: {  	v51 =	vld [tilespmem:s18+$0xAD0]  }
0x483: {  	[tilespmem:v2+s17+$0xEC0 ss:$0x1] =	vst.idx.msk $0xffff, v48;
	v52 =	vld.idx.msk [tilespmem:v49+s11+$0x0], $0xffff  }
0x484: {  	v53 =	vshll.u32 v50, $0x3;
	v54 =	vld [tilespmem:s18+$0xD10]  }
0x485: {  	v5 =	vand.u32 $0xFFFFFC00, v53  }
0x486: {  	v7 =	vand.u32 $0x7F, v50;
	v5 =	vadd.s32 v0, v5;
	[tilespmem:v2+s17+$0xF40 ss:$0x1] =	vst.idx.msk $0xffff, v3  }
0x487: {  	v3 =	vor.u32 v7, v5;
	v55 =	vshll.u32 v51, $0x3;
	v56 =	vld [tilespmem:s18+$0xF50]  }
0x488: {  	v3 =	vor.u32 v1, v3;
	[tilespmem:v2+s17+$0xFC0 ss:$0x1] =	vst.idx.msk $0xffff, v52;
	v5 =	vand.u32 $0xFFFFFC00, v55  }
0x489: {  	v57 =	vand.u32 $0x7F, v51;
	v58 =	vshll.u32 v54, $0x3;
	v59 =	vld [tilespmem:s18+$0x1190];
	v5 =	vadd.s32 v0, v5  }
0x48a: {  	v60 =	vand.u32 $0xFFFFFC00, v58;
	v4 =	vor.u32 v57, v5  }
0x48b: {  	v61 =	vand.u32 $0x7F, v54;
	v5 =	vadd.s32 v0, v60;
	v4 =	vor.u32 v1, v4  }
0x48c: {  	v5 =	vor.u32 v61, v5;
	v62 =	vshll.u32 v56, $0x3  }
0x48d: {  	v3 =	vld.idx.msk [tilespmem:v3+s11+$0x0], $0xffff;
	v5 =	vor.u32 v1, v5;
	v6 =	vand.u32 $0xFFFFFC00, v62  }
0x48e: {  	v7 =	vand.u32 $0x7F, v56;
	v63 =	vshll.u32 v59, $0x3;
	v6 =	vadd.s32 v0, v6  }
0x48f: {  	v12 =	vand.u32 $0xFFFFFC00, v63;
	v6 =	vor.u32 v7, v6  }
0x490: {  	v13 =	vand.u32 $0x7F, v59;
	v7 =	vadd.s32 v0, v12;
	v4 =	vld.idx.msk [tilespmem:v4+s11+$0x0], $0xffff;
	v6 =	vor.u32 v1, v6  }
0x491: {  	v7 =	vor.u32 v13, v7  }
0x492: {  	[tilespmem:v2+s17+$0xDD0 ss:$0x1] =	vst.idx.msk $0xffff, v3;
	v3 =	vld.idx.msk [tilespmem:v5+s11+$0x0], $0xffff;
	v14 =	vor.u32 v1, v7  }
0x493: {  	v15 =	vld [tilespmem:s18+$0x8A0];
	_ =	sdelay $0x1  }
0x494: {  	[tilespmem:v2+s17+$0xE50 ss:$0x1] =	vst.idx.msk $0xffff, v4;
	v16 =	vld.idx.msk [tilespmem:v6+s11+$0x0], $0xffff  }
0x495: {  	v17 =	vld [tilespmem:s18+$0xAE0]  }
0x496: {  	[tilespmem:v2+s17+$0xED0 ss:$0x1] =	vst.idx.msk $0xffff, v3;
	v3 =	vld.idx.msk [tilespmem:v14+s11+$0x0], $0xffff  }
0x497: {  	v18 =	vshll.u32 v15, $0x3;
	v19 =	vld [tilespmem:s18+$0xD20]  }
0x498: {  	v5 =	vand.u32 $0xFFFFFC00, v18  }
0x499: {  	v7 =	vand.u32 $0x7F, v15;
	v5 =	vadd.s32 v0, v5;
	[tilespmem:v2+s17+$0xF50 ss:$0x1] =	vst.idx.msk $0xffff, v16  }
0x49a: {  	v20 =	vor.u32 v7, v5;
	v21 =	vshll.u32 v17, $0x3;
	v22 =	vld [tilespmem:s18+$0xF60]  }
0x49b: {  	v4 =	vor.u32 v1, v20;
	[tilespmem:v2+s17+$0xFD0 ss:$0x1] =	vst.idx.msk $0xffff, v3;
	v5 =	vand.u32 $0xFFFFFC00, v21  }
0x49c: {  	v3 =	vand.u32 $0x7F, v17;
	v23 =	vshll.u32 v19, $0x3;
	v24 =	vld [tilespmem:s18+$0x11A0];
	v5 =	vadd.s32 v0, v5  }
0x49d: {  	v25 =	vand.u32 $0xFFFFFC00, v23;
	v3 =	vor.u32 v3, v5  }
0x49e: {  	v26 =	vand.u32 $0x7F, v19;
	v5 =	vadd.s32 v0, v25;
	v3 =	vor.u32 v1, v3  }
0x49f: {  	v5 =	vor.u32 v26, v5;
	v27 =	vshll.u32 v22, $0x3  }
0x4a0: {  	v4 =	vld.idx.msk [tilespmem:v4+s11+$0x0], $0xffff;
	v5 =	vor.u32 v1, v5;
	v6 =	vand.u32 $0xFFFFFC00, v27  }
0x4a1: {  	v7 =	vand.u32 $0x7F, v22;
	v28 =	vshll.u32 v24, $0x3;
	v6 =	vadd.s32 v0, v6  }
0x4a2: {  	v29 =	vand.u32 $0xFFFFFC00, v28;
	v6 =	vor.u32 v7, v6  }
0x4a3: {  	v30 =	vand.u32 $0x7F, v24;
	v7 =	vadd.s32 v0, v29;
	v3 =	vld.idx.msk [tilespmem:v3+s11+$0x0], $0xffff;
	v6 =	vor.u32 v1, v6  }
0x4a4: {  	v7 =	vor.u32 v30, v7  }
0x4a5: {  	[tilespmem:v2+s17+$0xDE0 ss:$0x1] =	vst.idx.msk $0xffff, v4;
	v31 =	vld.idx.msk [tilespmem:v5+s11+$0x0], $0xffff;
	v32 =	vor.u32 v1, v7  }
0x4a6: {  	v33 =	vld [tilespmem:s18+$0x8B0];
	_ =	sdelay $0x1  }
0x4a7: {  	[tilespmem:v2+s17+$0xE60 ss:$0x1] =	vst.idx.msk $0xffff, v3;
	v3 =	vld.idx.msk [tilespmem:v6+s11+$0x0], $0xffff  }
0x4a8: {  	v34 =	vld [tilespmem:s18+$0xAF0]  }
0x4a9: {  	[tilespmem:v2+s17+$0xEE0 ss:$0x1] =	vst.idx.msk $0xffff, v31;
	v35 =	vld.idx.msk [tilespmem:v32+s11+$0x0], $0xffff  }
0x4aa: {  	v36 =	vshll.u32 v33, $0x3;
	v37 =	vld [tilespmem:s18+$0xD30]  }
0x4ab: {  	v5 =	vand.u32 $0xFFFFFC00, v36  }
0x4ac: {  	v7 =	vand.u32 $0x7F, v33;
	v5 =	vadd.s32 v0, v5;
	[tilespmem:v2+s17+$0xF60 ss:$0x1] =	vst.idx.msk $0xffff, v3  }
0x4ad: {  	v3 =	vor.u32 v7, v5;
	v38 =	vshll.u32 v34, $0x3;
	v39 =	vld [tilespmem:s18+$0xF70]  }
0x4ae: {  	v3 =	vor.u32 v1, v3;
	[tilespmem:v2+s17+$0xFE0 ss:$0x1] =	vst.idx.msk $0xffff, v35;
	v5 =	vand.u32 $0xFFFFFC00, v38  }
0x4af: {  	v40 =	vand.u32 $0x7F, v34;
	v41 =	vshll.u32 v37, $0x3;
	v42 =	vld [tilespmem:s18+$0x11B0];
	v5 =	vadd.s32 v0, v5  }
0x4b0: {  	v43 =	vand.u32 $0xFFFFFC00, v41;
	v4 =	vor.u32 v40, v5  }
0x4b1: {  	v44 =	vand.u32 $0x7F, v37;
	v5 =	vadd.s32 v0, v43;
	v4 =	vor.u32 v1, v4  }
0x4b2: {  	v5 =	vor.u32 v44, v5;
	v45 =	vshll.u32 v39, $0x3  }
0x4b3: {  	v3 =	vld.idx.msk [tilespmem:v3+s11+$0x0], $0xffff;
	v5 =	vor.u32 v1, v5;
	v6 =	vand.u32 $0xFFFFFC00, v45  }
0x4b4: {  	v7 =	vand.u32 $0x7F, v39;
	v46 =	vshll.u32 v42, $0x3;
	v6 =	vadd.s32 v0, v6  }
0x4b5: {  	v47 =	vand.u32 $0xFFFFFC00, v46;
	v6 =	vor.u32 v7, v6  }
0x4b6: {  	v48 =	vand.u32 $0x7F, v42;
	v7 =	vadd.s32 v0, v47;
	v4 =	vld.idx.msk [tilespmem:v4+s11+$0x0], $0xffff;
	v6 =	vor.u32 v1, v6  }
0x4b7: {  	v7 =	vor.u32 v48, v7  }
0x4b8: {  	[tilespmem:v2+s17+$0xDF0 ss:$0x1] =	vst.idx.msk $0xffff, v3;
	v3 =	vld.idx.msk [tilespmem:v5+s11+$0x0], $0xffff;
	v49 =	vor.u32 v1, v7  }
0x4b9: {  	v50 =	vld [tilespmem:s18+$0x8C0];
	_ =	sdelay $0x1  }
0x4ba: {  	[tilespmem:v2+s17+$0xE70 ss:$0x1] =	vst.idx.msk $0xffff, v4;
	v51 =	vld.idx.msk [tilespmem:v6+s11+$0x0], $0xffff  }
0x4bb: {  	v52 =	vld [tilespmem:s18+$0xB00]  }
0x4bc: {  	[tilespmem:v2+s17+$0xEF0 ss:$0x1] =	vst.idx.msk $0xffff, v3;
	v3 =	vld.idx.msk [tilespmem:v49+s11+$0x0], $0xffff  }
0x4bd: {  	v53 =	vshll.u32 v50, $0x3;
	v54 =	vld [tilespmem:s18+$0xD40]  }
0x4be: {  	v5 =	vand.u32 $0xFFFFFC00, v53  }
0x4bf: {  	v7 =	vand.u32 $0x7F, v50;
	v5 =	vadd.s32 v0, v5;
	[tilespmem:v2+s17+$0xF70 ss:$0x1] =	vst.idx.msk $0xffff, v51  }
0x4c0: {  	v55 =	vor.u32 v7, v5;
	v56 =	vshll.u32 v52, $0x3;
	v57 =	vld [tilespmem:s18+$0xF80]  }
0x4c1: {  	v4 =	vor.u32 v1, v55;
	[tilespmem:v2+s17+$0xFF0 ss:$0x1] =	vst.idx.msk $0xffff, v3;
	v5 =	vand.u32 $0xFFFFFC00, v56  }
0x4c2: {  	v3 =	vand.u32 $0x7F, v52;
	v58 =	vshll.u32 v54, $0x3;
	v59 =	vld [tilespmem:s18+$0x11C0];
	v5 =	vadd.s32 v0, v5  }
0x4c3: {  	v60 =	vand.u32 $0xFFFFFC00, v58;
	v3 =	vor.u32 v3, v5  }
0x4c4: {  	v61 =	vand.u32 $0x7F, v54;
	v5 =	vadd.s32 v0, v60;
	v3 =	vor.u32 v1, v3  }
0x4c5: {  	v5 =	vor.u32 v61, v5;
	v62 =	vshll.u32 v57, $0x3  }
0x4c6: {  	v4 =	vld.idx.msk [tilespmem:v4+s11+$0x0], $0xffff;
	v5 =	vor.u32 v1, v5;
	v6 =	vand.u32 $0xFFFFFC00, v62  }
0x4c7: {  	v7 =	vand.u32 $0x7F, v57;
	v63 =	vshll.u32 v59, $0x3;
	v6 =	vadd.s32 v0, v6  }
0x4c8: {  	v12 =	vand.u32 $0xFFFFFC00, v63;
	v6 =	vor.u32 v7, v6  }
0x4c9: {  	v13 =	vand.u32 $0x7F, v59;
	v7 =	vadd.s32 v0, v12;
	v3 =	vld.idx.msk [tilespmem:v3+s11+$0x0], $0xffff;
	v6 =	vor.u32 v1, v6  }
0x4ca: {  	v7 =	vor.u32 v13, v7  }
0x4cb: {  	[tilespmem:v2+s17+$0x1180 ss:$0x1] =	vst.idx.msk $0xffff, v4;
	v14 =	vld.idx.msk [tilespmem:v5+s11+$0x0], $0xffff;
	v15 =	vor.u32 v1, v7  }
0x4cc: {  	v16 =	vld [tilespmem:s18+$0x8D0];
	_ =	sdelay $0x1  }
0x4cd: {  	[tilespmem:v2+s17+$0x1200 ss:$0x1] =	vst.idx.msk $0xffff, v3;
	v3 =	vld.idx.msk [tilespmem:v6+s11+$0x0], $0xffff  }
0x4ce: {  	v17 =	vld [tilespmem:s18+$0xB10]  }
0x4cf: {  	[tilespmem:v2+s17+$0x1280 ss:$0x1] =	vst.idx.msk $0xffff, v14;
	v18 =	vld.idx.msk [tilespmem:v15+s11+$0x0], $0xffff  }
0x4d0: {  	v19 =	vshll.u32 v16, $0x3;
	v20 =	vld [tilespmem:s18+$0xD50]  }
0x4d1: {  	v5 =	vand.u32 $0xFFFFFC00, v19  }
0x4d2: {  	v7 =	vand.u32 $0x7F, v16;
	v5 =	vadd.s32 v0, v5;
	[tilespmem:v2+s17+$0x1300 ss:$0x1] =	vst.idx.msk $0xffff, v3  }
0x4d3: {  	v3 =	vor.u32 v7, v5;
	v21 =	vshll.u32 v17, $0x3;
	v22 =	vld [tilespmem:s18+$0xF90]  }
0x4d4: {  	v3 =	vor.u32 v1, v3;
	[tilespmem:v2+s17+$0x1380 ss:$0x1] =	vst.idx.msk $0xffff, v18;
	v5 =	vand.u32 $0xFFFFFC00, v21  }
0x4d5: {  	v23 =	vand.u32 $0x7F, v17;
	v24 =	vshll.u32 v20, $0x3;
	v25 =	vld [tilespmem:s18+$0x11D0];
	v5 =	vadd.s32 v0, v5  }
0x4d6: {  	v26 =	vand.u32 $0xFFFFFC00, v24;
	v4 =	vor.u32 v23, v5  }
0x4d7: {  	v27 =	vand.u32 $0x7F, v20;
	v5 =	vadd.s32 v0, v26;
	v4 =	vor.u32 v1, v4  }
0x4d8: {  	v5 =	vor.u32 v27, v5;
	v28 =	vshll.u32 v22, $0x3  }
0x4d9: {  	v3 =	vld.idx.msk [tilespmem:v3+s11+$0x0], $0xffff;
	v5 =	vor.u32 v1, v5;
	v6 =	vand.u32 $0xFFFFFC00, v28  }
0x4da: {  	v7 =	vand.u32 $0x7F, v22;
	v29 =	vshll.u32 v25, $0x3;
	v6 =	vadd.s32 v0, v6  }
0x4db: {  	v30 =	vand.u32 $0xFFFFFC00, v29;
	v6 =	vor.u32 v7, v6  }
0x4dc: {  	v31 =	vand.u32 $0x7F, v25;
	v7 =	vadd.s32 v0, v30;
	v4 =	vld.idx.msk [tilespmem:v4+s11+$0x0], $0xffff;
	v6 =	vor.u32 v1, v6  }
0x4dd: {  	v7 =	vor.u32 v31, v7  }
0x4de: {  	[tilespmem:v2+s17+$0x1190 ss:$0x1] =	vst.idx.msk $0xffff, v3;
	v3 =	vld.idx.msk [tilespmem:v5+s11+$0x0], $0xffff;
	v32 =	vor.u32 v1, v7;
	_ =	sdelay $0x1  }
0x4df: {  	v33 =	vld [tilespmem:s18+$0x8E0]  }
0x4e0: {  	[tilespmem:v2+s17+$0x1210 ss:$0x1] =	vst.idx.msk $0xffff, v4;
	v34 =	vld.idx.msk [tilespmem:v6+s11+$0x0], $0xffff  }
0x4e1: {  	v35 =	vld [tilespmem:s18+$0xB20]  }
0x4e2: {  	[tilespmem:v2+s17+$0x1290 ss:$0x1] =	vst.idx.msk $0xffff, v3;
	v3 =	vld.idx.msk [tilespmem:v32+s11+$0x0], $0xffff;
	_ =	sdelay $0x1  }
0x4e3: {  	v36 =	vshll.u32 v33, $0x3;
	v37 =	vld [tilespmem:s18+$0xD60]  }
0x4e4: {  	v5 =	vand.u32 $0xFFFFFC00, v36  }
0x4e5: {  	v7 =	vand.u32 $0x7F, v33;
	v5 =	vadd.s32 v0, v5;
	[tilespmem:v2+s17+$0x1310 ss:$0x1] =	vst.idx.msk $0xffff, v34  }
0x4e6: {  	v38 =	vor.u32 v7, v5;
	v39 =	vshll.u32 v35, $0x3;
	v40 =	vld [tilespmem:s18+$0xFA0];
	[tilespmem:v2+s17+$0x1390 ss:$0x1] =	vst.idx.msk $0xffff, v3  }
0x4e7: {  	v4 =	vor.u32 v1, v38;
	v5 =	vand.u32 $0xFFFFFC00, v39;
	v42 =	vld [tilespmem:s18+$0x11E0]  }
0x4e8: {  	v3 =	vand.u32 $0x7F, v35;
	v41 =	vshll.u32 v37, $0x3;
	v5 =	vadd.s32 v0, v5  }
0x4e9: {  	v43 =	vand.u32 $0xFFFFFC00, v41;
	v3 =	vor.u32 v3, v5  }
0x4ea: {  	v44 =	vand.u32 $0x7F, v37;
	v5 =	vadd.s32 v0, v43;
	v3 =	vor.u32 v1, v3  }
0x4eb: {  	v5 =	vor.u32 v44, v5;
	v45 =	vshll.u32 v40, $0x3  }
0x4ec: {  	v5 =	vor.u32 v1, v5;
	v6 =	vand.u32 $0xFFFFFC00, v45;
	v46 =	vshll.u32 v42, $0x3  }
0x4ed: {  	v4 =	vld.idx.msk [tilespmem:v4+s11+$0x0], $0xffff;
	v7 =	vand.u32 $0x7F, v40;
	v6 =	vadd.s32 v0, v6;
	v47 =	vand.u32 $0xFFFFFC00, v46  }
0x4ee: {  	v48 =	vand.u32 $0x7F, v42;
	v6 =	vor.u32 v7, v6;
	v7 =	vadd.s32 v0, v47  }
0x4ef: {  	v3 =	vld.idx.msk [tilespmem:v3+s11+$0x0], $0xffff;
	v6 =	vor.u32 v1, v6;
	v7 =	vor.u32 v48, v7  }
0x4f0: {  	v7 =	vor.u32 v1, v7  }
0x4f1: {  	v49 =	vld.idx.msk [tilespmem:v5+s11+$0x0], $0xffff  }
0x4f2: {  	[tilespmem:v2+s17+$0x11A0 ss:$0x1] =	vst.idx.msk $0xffff, v4  }
0x4f3: {  	v50 =	vld [tilespmem:s18+$0x8F0]  }
0x4f4: {  	[tilespmem:v2+s17+$0x1220 ss:$0x1] =	vst.idx.msk $0xffff, v3;
	v3 =	vld.idx.msk [tilespmem:v6+s11+$0x0], $0xffff  }
0x4f5: {  	v7 =	vld.idx.msk [tilespmem:v7+s11+$0x0], $0xffff  }
0x4f6: {  	v51 =	vld [tilespmem:s18+$0xB30];
	[tilespmem:v2+s17+$0x12A0 ss:$0x1] =	vst.idx.msk $0xffff, v49  }
0x4f7: {  	v4 =	vld [tilespmem:s18+$0xD70];
	_ =	sdelay $0x1  }
0x4f8: {  	[tilespmem:v2+s17+$0x1320 ss:$0x1] =	vst.idx.msk $0xffff, v3;
	v3 =	vshll.u32 v50, $0x3  }
0x4f9: {  	v5 =	vand.u32 $0x7F, v50;
	v52 =	vld [tilespmem:s18+$0xFB0];
	v3 =	vand.u32 $0xFFFFFC00, v3;
	[tilespmem:v2+s17+$0x13A0 ss:$0x1] =	vst.idx.msk $0xffff, v7  }
0x4fa: {  	v53 =	vshll.u32 v51, $0x3;
	v6 =	vand.u32 $0x7F, v51;
	v3 =	vadd.s32 v0, v3;
	v55 =	vld [tilespmem:s18+$0x11F0]  }
0x4fb: {  	v54 =	vand.u32 $0xFFFFFC00, v53;
	v10 =	vshll.u32 v4, $0x3;
	v4 =	vand.u32 $0x7F, v4  }
0x4fc: {  	v7 =	vadd.s32 v0, v54;
	v3 =	vor.u32 v5, v3;
	v57 =	vand.u32 $0xFFFFFC00, v10  }
0x4fd: {  	v56 =	vor.u32 v6, v7;
	v6 =	vadd.s32 v0, v57;
	v3 =	vor.u32 v1, v3  }
0x4fe: {  	v4 =	vor.u32 v4, v6;
	v5 =	vor.u32 v1, v56;
	v58 =	vshll.u32 v52, $0x3  }
0x4ff: {  	v60 =	vand.u32 $0x7F, v52;
	v59 =	vand.u32 $0xFFFFFC00, v58;
	v61 =	vshll.u32 v55, $0x3  }
0x500: {  	v4 =	vor.u32 v1, v4;
	v6 =	vadd.s32 v0, v59;
	v62 =	vand.u32 $0xFFFFFC00, v61  }
0x501: {  	v63 =	vand.u32 $0x7F, v55;
	v6 =	vor.u32 v60, v6;
	v7 =	vadd.s32 v0, v62  }
0x502: {  	v7 =	vor.u32 v63, v7;
	v6 =	vor.u32 v1, v6  }
0x503: {  	v7 =	vor.u32 v1, v7  }
0x504: {  	v3 =	vld.idx.msk [tilespmem:v3+s11+$0x0], $0xffff  }
0x505: {  	v5 =	vld.idx.msk [tilespmem:v5+s11+$0x0], $0xffff  }
0x506: {  	v4 =	vld.idx.msk [tilespmem:v4+s11+$0x0], $0xffff  }
0x507: {  	v6 =	vld.idx.msk [tilespmem:v6+s11+$0x0], $0xffff  }
0x508: {  	p0 =	slt.u32 s16, $0x18;
	v7 =	vld.idx.msk [tilespmem:v7+s11+$0x0], $0xffff  }
.Ltmp0:
0x509: {  	[tilespmem:v2+s17+$0x11B0 ss:$0x1] =	vst.idx.msk $0xffff, v3;
	(pc) =	sbr.rel @p0 .LBB2_3-.Ltmp0, $4  }
0x50a: {  	[tilespmem:v2+s17+$0x1230 ss:$0x1] =	vst.idx.msk $0xffff, v5  }
0x50b: {  	[tilespmem:v2+s17+$0x12B0 ss:$0x1] =	vst.idx.msk $0xffff, v4  }
0x50c: {  	s31 =	sadd.s32 $0x8, s16;
	[tilespmem:v2+s17+$0x1330 ss:$0x1] =	vst.idx.msk $0xffff, v6  }
0x50d: {  	s16 =	smov.u32 s31;
	[tilespmem:v2+s17+$0x13B0 ss:$0x1] =	vst.idx.msk $0xffff, v7  }
0x50e: {  	p0 =	seq.s32 s14, $0x0  }
0x50f: {  	s17 =	simm.s32 @!p0 $0x1  }
0x510: {  	_ =	swait.ge @!p0 [sflag:s17], $0x5000  }
0x511: {  	s16 =	smul.u32 $0x5000, s14;
	s14 =	sadd.s32 $0x1, s14;
	[sflag:s17] =	ssyncset.done @!p0 $0x0  }
0x512: {  	[sflag:s17] =	ssyncadd.s32 @!p0 $0xFFFFB000;
	p0 =	sne.s32 s14, $0x20  }
.Ltmp1:
0x513: {  	_ = 	snop;
	(pc) =	sbr.rel @p0 .LBB2_2-.Ltmp1, $4  }
0x514: {  	s16 =	sadd.s32 s6, s16  }
0x515: {  	s16 =	sshrl.u32 s16, $0x3  }
0x516: {  	s16 =	sadd.s32 s3, s16  }
0x517: {  	[hbm4b:s16+s1] =	stream.linear.scatter [tilespmem:s15], [sflag:$0x1], $0x5000, $0x38;
	[tilespmem:$0x16800] =	vst v63  }
0x518: {  	s13 =	sadd.s32 $0x1, s13  }
0x519: {  	p0 =	sne.s32 s13, s7  }
.Ltmp2:
0x51a: {  	_ = 	snop;
	(pc) =	sbr.rel @p0 .LBB2_1-.Ltmp2, $4  }
0x51b: {  	_ = 	snop  }
0x51c: {  	_ =	swait.ge [sflag:s12], $0x5000  }
0x51d: {  	[sflag:s12] =	ssyncset.done $0x0  }
0x51e: {  	[sflag:s12] =	ssyncadd.s32 $0xFFFFB000  }
0x51f: {  	_ =	sfence.sel $0x180000  }
0x520: {  	[bflag:$0x0] =	sbarrier.arrive $0xFFFF  }
0x521: {  	p0 =	sne.s32 s2, $0x0;
	_ =	strace $0x90000047  }
0x522: {  	s0 =	sadd.s32 @!p0 $0x100000, s0;
	[bflag:$0x2] =	sbarrier.arrive $0xFFFF  }
0x523: {  	[sflag:s0] =	ssyncadd.tile.s32 @!p0 $0x1;
	_ =	shalt  }
.Lfunc_end2:
_tile_overlayer_lowered:
.L_overlay_start_2:
0x524: {  	(tag) =	ssettag $0x2  }
0x525: {  	s0 =	rddreg [dreg:$0x0];
	s2 =	stileid.u32  }
0x526: {  	s1 =	rddreg [dreg:$0x1];
	p0 =	sne.s32 s2, $0x0  }
0x527: {  	s3 =	rddreg [dreg:$0x2];
	[bflag:$0x3] =	sbarrier.arrive $0xFFFF;
	s2 =	simm.s32 @!p0 $0x1C02  }
0x528: {  	[timem:s3], [sflag:s2] =	dma.local @!p0 [hbm:s0], s1  }
0x529: {  	s0 =	simm.s32 @!p0 $0x2  }
0x52a: {  	_ =	swait.ge @!p0 [sflag:s0], s1  }
0x52b: {  	s1 =	ssub.s32 @!p0 $0x0, s1;
	[sflag:s0] =	ssyncset.done @!p0 $0x0  }
0x52c: {  	[sflag:s0] =	ssyncadd.s32 @!p0 s1  }
0x52d: {  	[bflag:$0x3] =	sbarrier.arrive $0xFFFF  }
0x52e: {  	_ =	shalt  }

</sc_bundles>
